<compile_context>
chip_gen: v7x
topology: tpu7x:2x2x1
jax: 0.10.2.dev20260603
libtpu: 0.0.44.dev20260713+nightly
codegen_flags: <defaults>
</compile_context>

<pallas_src>
import functools

import jax
import jax.numpy as jnp
from jax import lax
from jax.experimental import pallas as pl
from jax.experimental.pallas import tpu as pltpu
from jax.experimental.pallas import tpu_sc as plsc

N = 10000
E = 320000
D = 128
G = 64
NC = 2
NS = 16
NW = NC * NS
LANES = 16

NPAD = 10240
RPT = NPAD // NW
EK = 80

EPT = E // NW
K = 80
NCH = EPT // K

PR = 313
PBUF = 320

_mesh = plsc.VectorSubcoreMesh(
    core_axis_name="c", subcore_axis_name="s", num_cores=NC, num_subcores=NS)


@functools.partial(
    pl.kernel,
    out_type=jax.ShapeDtypeStruct((NPAD, D), jnp.float32),
    mesh=_mesh,
    scratch_types=[
        pltpu.VMEM((EK,), jnp.int32),
        pltpu.VMEM((EK, D), jnp.float32),
        pltpu.SemaphoreType.DMA,
    ],
)
def _emb_gather(tab_hbm, idx_hbm, out_hbm, idx_v, rows_v, sem):
    c = lax.axis_index("c")
    s = lax.axis_index("s")
    wid = c * NS + s
    base = wid * RPT
    for j in range(RPT // EK):
        off = base + j * EK
        pltpu.sync_copy(idx_hbm.at[pl.ds(off, EK)], idx_v)
        pltpu.async_copy(tab_hbm.at[idx_v], rows_v, sem).wait()
        pltpu.sync_copy(rows_v, out_hbm.at[pl.ds(off, EK)])


@functools.partial(
    pl.kernel,
    out_type=jax.ShapeDtypeStruct((NC * N, D), jnp.float32),
    mesh=_mesh,
    scratch_types=[
        pltpu.VMEM_SHARED((N, D), jnp.float32),
        pltpu.VMEM((80, D), jnp.float32),
        pltpu.VMEM((K,), jnp.int32),
        pltpu.VMEM((K,), jnp.int32),
        pltpu.VMEM((K, D), jnp.float32),
        pltpu.SemaphoreType.DMA,
    ],
)
def _edge_aggr(m_hbm, src_hbm, dst_hbm, out_hbm, aggr_sh, zbuf, src_v, dst_v,
               rows_v, sem):
    c = lax.axis_index("c")
    s = lax.axis_index("s")
    wid = c * NS + s

    zv = jnp.zeros((LANES,), jnp.float32)
    for j in range(D // LANES):
        def zrow(i, _, j=j):
            zbuf[i, pl.ds(j * LANES, LANES)] = zv
            return 0
        lax.fori_loop(0, 80, zrow, 0)
    nck = jnp.where(s < 13, 8, 7)

    def zcopy(k, _):
        r = (s + NS * k) * 80
        pltpu.sync_copy(zbuf, aggr_sh.at[pl.ds(r, 80)])
        return 0

    lax.fori_loop(0, nck, zcopy, 0)
    plsc.subcore_barrier()

    ebase = wid * EPT

    def chunk(i, _):
        off = ebase + i * K
        pltpu.sync_copy(src_hbm.at[pl.ds(off, K)], src_v)
        pltpu.sync_copy(dst_hbm.at[pl.ds(off, K)], dst_v)
        pltpu.async_copy(m_hbm.at[src_v], rows_v, sem).wait()
        pltpu.sync_copy(rows_v, aggr_sh.at[dst_v], add=True)
        return 0

    lax.fori_loop(0, NCH, chunk, 0)
    plsc.subcore_barrier()

    def ocopy(k, _):
        r = (s + NS * k) * 80
        pltpu.sync_copy(aggr_sh.at[pl.ds(r, 80)],
                        out_hbm.at[pl.ds(c * N + r, 80)])
        return 0

    lax.fori_loop(0, nck, ocopy, 0)


@functools.partial(
    pl.kernel,
    out_type=jax.ShapeDtypeStruct((NW * G, D), jnp.float32),
    mesh=_mesh,
    scratch_types=[
        pltpu.VMEM((PBUF, D), jnp.float32),
        pltpu.VMEM((PBUF + LANES,), jnp.int32),
        pltpu.VMEM((G, D), jnp.float32),
    ],
)
def _seg_max(h_hbm, batch_hbm, out_hbm, h_v, b_v, acc):
    c = lax.axis_index("c")
    s = lax.axis_index("s")
    wid = c * NS + s

    ninf = jnp.full((LANES,), -jnp.inf, jnp.float32)
    for j in range(D // LANES):
        def irow(i, _, j=j):
            acc[i, pl.ds(j * LANES, LANES)] = ninf
            return 0
        lax.fori_loop(0, G, irow, 0)

    start = wid * PR
    nrows = jnp.minimum(PR, N - start)
    lstart = jnp.minimum((start // 8) * 8, N - PBUF)
    offs = start - lstart

    pltpu.sync_copy(h_hbm.at[pl.ds(lstart, PBUF)], h_v)
    pltpu.sync_copy(batch_hbm.at[pl.ds(lstart, PBUF)], b_v.at[pl.ds(0, PBUF)])

    def row(i, _):
        gid = b_v[pl.ds(offs + i, LANES)][0]
        for j in range(D // LANES):
            v = h_v[offs + i, pl.ds(j * LANES, LANES)]
            o = acc[gid, pl.ds(j * LANES, LANES)]
            acc[gid, pl.ds(j * LANES, LANES)] = jnp.maximum(o, v)
        return 0

    lax.fori_loop(0, nrows, row, 0)
    pltpu.sync_copy(acc, out_hbm.at[pl.ds(wid * G, G)])


def _mm_body(x_ref, w_ref, o_ref):
    o_ref[...] = jnp.dot(x_ref[...], w_ref[...],
                         preferred_element_type=jnp.float32)


_RB = 1000


def _msg_matmul(x, wg):
    return pl.pallas_call(
        _mm_body,
        grid=(N // _RB,),
        in_specs=[
            pl.BlockSpec((_RB, D), lambda i: (i, 0)),
            pl.BlockSpec((D, D), lambda i: (0, 0)),
        ],
        out_specs=pl.BlockSpec((_RB, D), lambda i: (i, 0)),
        out_shape=jax.ShapeDtypeStruct((N, D), jnp.float32),
    )(x, wg)


def _gru_body(a0_ref, a1_ref, h_ref, wih_ref, whh_ref, bih_ref, bhh_ref,
              wg_ref, h_out, m_out):
    a = a0_ref[...] + a1_ref[...]
    h = h_ref[...]
    gi = lax.dot_general(a, wih_ref[...], (((1,), (1,)), ((), ())),
                         preferred_element_type=jnp.float32) + bih_ref[...]
    gh = lax.dot_general(h, whh_ref[...], (((1,), (1,)), ((), ())),
                         preferred_element_type=jnp.float32) + bhh_ref[...]
    r = jax.nn.sigmoid(gi[:, 0:D] + gh[:, 0:D])
    z = jax.nn.sigmoid(gi[:, D:2 * D] + gh[:, D:2 * D])
    n = jnp.tanh(gi[:, 2 * D:3 * D] + r * gh[:, 2 * D:3 * D])
    hn = (1.0 - z) * n + z * h
    h_out[...] = hn
    m_out[...] = jnp.dot(hn, wg_ref[...], preferred_element_type=jnp.float32)


def _gru_step(aggr2, h, wih, whh, bih, bhh, wg_next):
    return pl.pallas_call(
        _gru_body,
        grid=(N // _RB,),
        in_specs=[
            pl.BlockSpec((_RB, D), lambda i: (i, 0)),
            pl.BlockSpec((_RB, D), lambda i: (i + N // _RB, 0)),
            pl.BlockSpec((_RB, D), lambda i: (i, 0)),
            pl.BlockSpec((3 * D, D), lambda i: (0, 0)),
            pl.BlockSpec((3 * D, D), lambda i: (0, 0)),
            pl.BlockSpec((1, 3 * D), lambda i: (0, 0)),
            pl.BlockSpec((1, 3 * D), lambda i: (0, 0)),
            pl.BlockSpec((D, D), lambda i: (0, 0)),
        ],
        out_specs=[
            pl.BlockSpec((_RB, D), lambda i: (i, 0)),
            pl.BlockSpec((_RB, D), lambda i: (i, 0)),
        ],
        out_shape=[
            jax.ShapeDtypeStruct((N, D), jnp.float32),
            jax.ShapeDtypeStruct((N, D), jnp.float32),
        ],
    )(aggr2, aggr2, h, wih, whh, bih, bhh, wg_next)


def _head_body(pp_ref, w1_ref, b1_ref, w2_ref, b2_ref, lg_out, hp_out):
    hp = jnp.max(pp_ref[...].reshape(NW, G, D), axis=0)
    hid = jax.nn.relu(
        lax.dot_general(hp, w1_ref[...], (((1,), (1,)), ((), ())),
                        preferred_element_type=jnp.float32) + b1_ref[...])
    lg = jnp.sum(hid * w2_ref[...], axis=1, keepdims=True) + b2_ref[...]
    lg_out[...] = lg
    hp_out[...] = hp


def _head(pool, w1, b1, w2, b2):
    return pl.pallas_call(
        _head_body,
        out_shape=[
            jax.ShapeDtypeStruct((G, 1), jnp.float32),
            jax.ShapeDtypeStruct((G, D), jnp.float32),
        ],
    )(pool, w1, b1, w2, b2)


def kernel(x_lex, edge_index, batch, emb_table, W_gg, W_ih, W_hh, b_ih, b_hh,
           W1, b1, W2, b2):
    src = edge_index[0]
    dst = edge_index[1]
    xl = jnp.concatenate(
        [x_lex.astype(jnp.int32), jnp.zeros((NPAD - N,), jnp.int32)])
    x = _emb_gather(emb_table, xl)[:N]
    h = x
    m = _msg_matmul(x, W_gg[0])
    bih = b_ih.reshape(1, 3 * D)
    bhh = b_hh.reshape(1, 3 * D)
    for i in range(3):
        aggr2 = _edge_aggr(m, src, dst)
        wg_next = W_gg[i + 1] if i < 2 else W_gg[0]
        h, m = _gru_step(aggr2, h, W_ih, W_hh, bih, bhh, wg_next)
    pool = _seg_max(h, batch)
    logits, h_pool = _head(pool, W1, b1.reshape(1, D // 4), W2,
                           b2.reshape(1, 1))
    return (logits, h_pool)

# --- scband reference (transcript-rebuilt; emitter-appended) ---
"""Pipeline reference for scband-devign-baseline-82403242541169 (READ-ONLY COPY).

The authoritative reference and input builder live on the scoring server;
editing this copy changes nothing except your own understanding.
"""

import jax, jax.numpy as jnp
import numpy as np

N = 10000
E = 320000
VOCAB = 50000
D = 128   # embed_dim
H = 128   # hidden_dim (== embed_dim, so the random F.linear projection branch is skipped)
L = 3     # num_layers
G = 64    # number of graphs in the batch


def setup_inputs(seed: int = 0) -> dict:
    key = jax.random.key(seed)
    ks = jax.random.split(key, 16)
    x_lex = jax.random.randint(ks[0], (N,), 0, VOCAB, dtype=jnp.int64) if jax.config.jax_enable_x64 else jax.random.randint(ks[0], (N,), 0, VOCAB, dtype=jnp.int32)
    edge_index = jax.random.randint(ks[1], (2, E), 0, N, dtype=jnp.int32)
    batch = jnp.sort(jax.random.randint(ks[2], (N,), 0, G, dtype=jnp.int32))
    s = 1.0 / np.sqrt(H)
    emb_table = jax.random.normal(ks[3], (VOCAB, D), dtype=jnp.float32) * 0.02
    W_gg = jax.random.normal(ks[4], (L, H, H), dtype=jnp.float32) * s
    W_ih = jax.random.normal(ks[5], (3 * H, H), dtype=jnp.float32) * s
    W_hh = jax.random.normal(ks[6], (3 * H, H), dtype=jnp.float32) * s
    b_ih = jnp.zeros((3 * H,), dtype=jnp.float32)
    b_hh = jnp.zeros((3 * H,), dtype=jnp.float32)
    W1 = jax.random.normal(ks[7], (H // 4, H), dtype=jnp.float32) * s
    b1 = jnp.zeros((H // 4,), dtype=jnp.float32)
    W2 = jax.random.normal(ks[8], (1, H // 4), dtype=jnp.float32) * (1.0 / np.sqrt(H // 4))
    b2 = jnp.zeros((1,), dtype=jnp.float32)
    return {
        'x_lex': x_lex, 'edge_index': edge_index, 'batch': batch,
        'emb_table': emb_table, 'W_gg': W_gg, 'W_ih': W_ih, 'W_hh': W_hh,
        'b_ih': b_ih, 'b_hh': b_hh, 'W1': W1, 'b1': b1, 'W2': W2, 'b2': b2,
    }


def _gru_cell(m, h, W_ih, W_hh, b_ih, b_hh):
    # torch.nn.GRUCell(input=m, hidden=h)
    gi = m @ W_ih.T + b_ih
    gh = h @ W_hh.T + b_hh
    i_r, i_z, i_n = jnp.split(gi, 3, axis=-1)
    h_r, h_z, h_n = jnp.split(gh, 3, axis=-1)
    r = jax.nn.sigmoid(i_r + h_r)
    z = jax.nn.sigmoid(i_z + h_z)
    n = jnp.tanh(i_n + r * h_n)
    return (1.0 - z) * n + z * h


def reference(x_lex, edge_index, batch, emb_table, W_gg, W_ih, W_hh, b_ih, b_hh, W1, b1, W2, b2):
    # embedding lookup (SparseCore gather)
    x = jnp.take(emb_table, x_lex, axis=0)
    # embed_dim == hidden_dim, so no random projection branch
    src = edge_index[0]
    dst = edge_index[1]
    h = x
    # GatedGraphConv (PyG semantics): per layer m = h @ W[i]; sum-aggregate
    # messages from src to dst; GRUCell(aggr, h)
    for i in range(L):
        m = h @ W_gg[i]
        msgs = jnp.take(m, src, axis=0)            # gather over edges
        aggr = jax.ops.segment_sum(msgs, dst, num_segments=N)  # scatter-add
        h = _gru_cell(aggr, h, W_ih, W_hh, b_ih, b_hh)
    # global_max_pool over graphs
    h_pool = jax.ops.segment_max(h, batch, num_segments=G)
    hid = jax.nn.relu(h_pool @ W1.T + b1)
    logits = hid @ W2.T + b2
    return (logits, h_pool)

if __name__ == "__main__":
    import jax
    _d = setup_inputs()
    print(jax.jit(kernel)(*tuple(_d.values())))

</pallas_src>

<mosaic_0001>
#map = affine_map<(d0, d1) -> (0, 0)>
#map1 = affine_map<(d0, d1) -> (0)>
module attributes {stable_mosaic.version = 14 : i64} {
  func.func @_edge_aggr(%arg0: i32, %arg1: i32, %arg2: memref<10000x128xf32, #tpu.memory_space<hbm>>, %arg3: memref<320000xi32, #tpu.memory_space<hbm>>, %arg4: memref<320000xi32, #tpu.memory_space<hbm>>, %arg5: memref<20000x128xf32, #tpu.memory_space<hbm>>, %arg6: memref<10000x128xf32, #tpu.memory_space<vmem_shared>>, %arg7: memref<80x128xf32, #tpu.memory_space<vmem>>, %arg8: memref<80xi32, #tpu.memory_space<vmem>>, %arg9: memref<80xi32, #tpu.memory_space<vmem>>, %arg10: memref<80x128xf32, #tpu.memory_space<vmem>>, %arg11: memref<!tpu.dma_semaphore, #tpu.memory_space<semaphore_mem>>) attributes {dimension_semantics = [#tpu.dimension_semantics<core_parallel>, #tpu.dimension_semantics<subcore_parallel>], iteration_bounds = array<i64: 2, 16>, scalar_prefetch = 0 : i64, scratch_operands = 6 : i64, tpu.core_type = #tpu.core_type<sc_vector_subcore>, window_params = [{transform_indices = #map}, {transform_indices = #map1}, {transform_indices = #map1}, {transform_indices = #map}]} {
    %mul3A = arith.constant 16 : i32
    %mul3A_0 = arith.muli %arg0, %mul3A : i32
    %add3A = arith.addi %mul3A_0, %arg1 : i32
    %broadcast_in_dim3A = arith.constant 0.000000e+00 : f32
    %broadcast_in_dim3A_1 = vector.broadcast %broadcast_in_dim3A : f32 to vector<16xf32>
    %scan3A = arith.constant 0 : i32
    %scan3A_2 = arith.constant 0 : i32
    %scan3A_3 = arith.constant 80 : i32
    %scan3A_4 = arith.addi %scan3A_2, %scan3A_3 : i32
    %scan3A_5 = arith.constant 1 : i32
    %scan3A_6 = scf.for %scan3A_92 = %scan3A_2 to %scan3A_4 step %scan3A_5 iter_args(%scan3A_93 = %scan3A) -> (i32)  : i32 {
      %swap3A = arith.index_cast %scan3A_92 : i32 to index
      %swap3A_94 = arith.constant 0 : index
      %swap3A_95 = tpu.vector_load %arg7[%swap3A, %swap3A_94] {strides = array<i32>} : memref<80x128xf32, #tpu.memory_space<vmem>>, vector<1x16xf32>,
      %swap3A_96 = vector.shape_cast %swap3A_95 : vector<1x16xf32> to vector<16xf32>
      %swap3A_97 = vector.shape_cast %broadcast_in_dim3A_1 : vector<16xf32> to vector<1x16xf32>
      tpu.vector_store %arg7[%swap3A, %swap3A_94], %swap3A_97 {strides = array<i32>} : memref<80x128xf32, #tpu.memory_space<vmem>>, vector<1x16xf32>,
      %scan3A_98 = arith.constant 0 : i32
      scf.yield %scan3A_98 : i32
    }
    %scan3A_7 = arith.constant 80 : i32
    %scan3A_8 = arith.constant 0 : i32
    %scan3A_9 = arith.constant 0 : i32
    %scan3A_10 = arith.constant 80 : i32
    %scan3A_11 = arith.addi %scan3A_9, %scan3A_10 : i32
    %scan3A_12 = arith.constant 1 : i32
    %scan3A_13 = scf.for %scan3A_92 = %scan3A_9 to %scan3A_11 step %scan3A_12 iter_args(%scan3A_93 = %scan3A_8) -> (i32)  : i32 {
      %swap3A = arith.index_cast %scan3A_92 : i32 to index
      %swap3A_94 = arith.constant 16 : index
      %swap3A_95 = tpu.vector_load %arg7[%swap3A, %swap3A_94] {strides = array<i32>} : memref<80x128xf32, #tpu.memory_space<vmem>>, vector<1x16xf32>,
      %swap3A_96 = vector.shape_cast %swap3A_95 : vector<1x16xf32> to vector<16xf32>
      %swap3A_97 = vector.shape_cast %broadcast_in_dim3A_1 : vector<16xf32> to vector<1x16xf32>
      tpu.vector_store %arg7[%swap3A, %swap3A_94], %swap3A_97 {strides = array<i32>} : memref<80x128xf32, #tpu.memory_space<vmem>>, vector<1x16xf32>,
      %scan3A_98 = arith.constant 0 : i32
      scf.yield %scan3A_98 : i32
    }
    %scan3A_14 = arith.constant 80 : i32
    %scan3A_15 = arith.constant 0 : i32
    %scan3A_16 = arith.constant 0 : i32
    %scan3A_17 = arith.constant 80 : i32
    %scan3A_18 = arith.addi %scan3A_16, %scan3A_17 : i32
    %scan3A_19 = arith.constant 1 : i32
    %scan3A_20 = scf.for %scan3A_92 = %scan3A_16 to %scan3A_18 step %scan3A_19 iter_args(%scan3A_93 = %scan3A_15) -> (i32)  : i32 {
      %swap3A = arith.index_cast %scan3A_92 : i32 to index
      %swap3A_94 = arith.constant 32 : index
      %swap3A_95 = tpu.vector_load %arg7[%swap3A, %swap3A_94] {strides = array<i32>} : memref<80x128xf32, #tpu.memory_space<vmem>>, vector<1x16xf32>,
      %swap3A_96 = vector.shape_cast %swap3A_95 : vector<1x16xf32> to vector<16xf32>
      %swap3A_97 = vector.shape_cast %broadcast_in_dim3A_1 : vector<16xf32> to vector<1x16xf32>
      tpu.vector_store %arg7[%swap3A, %swap3A_94], %swap3A_97 {strides = array<i32>} : memref<80x128xf32, #tpu.memory_space<vmem>>, vector<1x16xf32>,
      %scan3A_98 = arith.constant 0 : i32
      scf.yield %scan3A_98 : i32
    }
    %scan3A_21 = arith.constant 80 : i32
    %scan3A_22 = arith.constant 0 : i32
    %scan3A_23 = arith.constant 0 : i32
    %scan3A_24 = arith.constant 80 : i32
    %scan3A_25 = arith.addi %scan3A_23, %scan3A_24 : i32
    %scan3A_26 = arith.constant 1 : i32
    %scan3A_27 = scf.for %scan3A_92 = %scan3A_23 to %scan3A_25 step %scan3A_26 iter_args(%scan3A_93 = %scan3A_22) -> (i32)  : i32 {
      %swap3A = arith.index_cast %scan3A_92 : i32 to index
      %swap3A_94 = arith.constant 48 : index
      %swap3A_95 = tpu.vector_load %arg7[%swap3A, %swap3A_94] {strides = array<i32>} : memref<80x128xf32, #tpu.memory_space<vmem>>, vector<1x16xf32>,
      %swap3A_96 = vector.shape_cast %swap3A_95 : vector<1x16xf32> to vector<16xf32>
      %swap3A_97 = vector.shape_cast %broadcast_in_dim3A_1 : vector<16xf32> to vector<1x16xf32>
      tpu.vector_store %arg7[%swap3A, %swap3A_94], %swap3A_97 {strides = array<i32>} : memref<80x128xf32, #tpu.memory_space<vmem>>, vector<1x16xf32>,
      %scan3A_98 = arith.constant 0 : i32
      scf.yield %scan3A_98 : i32
    }
    %scan3A_28 = arith.constant 80 : i32
    %scan3A_29 = arith.constant 0 : i32
    %scan3A_30 = arith.constant 0 : i32
    %scan3A_31 = arith.constant 80 : i32
    %scan3A_32 = arith.addi %scan3A_30, %scan3A_31 : i32
    %scan3A_33 = arith.constant 1 : i32
    %scan3A_34 = scf.for %scan3A_92 = %scan3A_30 to %scan3A_32 step %scan3A_33 iter_args(%scan3A_93 = %scan3A_29) -> (i32)  : i32 {
      %swap3A = arith.index_cast %scan3A_92 : i32 to index
      %swap3A_94 = arith.constant 64 : index
      %swap3A_95 = tpu.vector_load %arg7[%swap3A, %swap3A_94] {strides = array<i32>} : memref<80x128xf32, #tpu.memory_space<vmem>>, vector<1x16xf32>,
      %swap3A_96 = vector.shape_cast %swap3A_95 : vector<1x16xf32> to vector<16xf32>
      %swap3A_97 = vector.shape_cast %broadcast_in_dim3A_1 : vector<16xf32> to vector<1x16xf32>
      tpu.vector_store %arg7[%swap3A, %swap3A_94], %swap3A_97 {strides = array<i32>} : memref<80x128xf32, #tpu.memory_space<vmem>>, vector<1x16xf32>,
      %scan3A_98 = arith.constant 0 : i32
      scf.yield %scan3A_98 : i32
    }
    %scan3A_35 = arith.constant 80 : i32
    %scan3A_36 = arith.constant 0 : i32
    %scan3A_37 = arith.constant 0 : i32
    %scan3A_38 = arith.constant 80 : i32
    %scan3A_39 = arith.addi %scan3A_37, %scan3A_38 : i32
    %scan3A_40 = arith.constant 1 : i32
    %scan3A_41 = scf.for %scan3A_92 = %scan3A_37 to %scan3A_39 step %scan3A_40 iter_args(%scan3A_93 = %scan3A_36) -> (i32)  : i32 {
      %swap3A = arith.index_cast %scan3A_92 : i32 to index
      %swap3A_94 = arith.constant 80 : index
      %swap3A_95 = tpu.vector_load %arg7[%swap3A, %swap3A_94] {strides = array<i32>} : memref<80x128xf32, #tpu.memory_space<vmem>>, vector<1x16xf32>,
      %swap3A_96 = vector.shape_cast %swap3A_95 : vector<1x16xf32> to vector<16xf32>
      %swap3A_97 = vector.shape_cast %broadcast_in_dim3A_1 : vector<16xf32> to vector<1x16xf32>
      tpu.vector_store %arg7[%swap3A, %swap3A_94], %swap3A_97 {strides = array<i32>} : memref<80x128xf32, #tpu.memory_space<vmem>>, vector<1x16xf32>,
      %scan3A_98 = arith.constant 0 : i32
      scf.yield %scan3A_98 : i32
    }
    %scan3A_42 = arith.constant 80 : i32
    %scan3A_43 = arith.constant 0 : i32
    %scan3A_44 = arith.constant 0 : i32
    %scan3A_45 = arith.constant 80 : i32
    %scan3A_46 = arith.addi %scan3A_44, %scan3A_45 : i32
    %scan3A_47 = arith.constant 1 : i32
    %scan3A_48 = scf.for %scan3A_92 = %scan3A_44 to %scan3A_46 step %scan3A_47 iter_args(%scan3A_93 = %scan3A_43) -> (i32)  : i32 {
      %swap3A = arith.index_cast %scan3A_92 : i32 to index
      %swap3A_94 = arith.constant 96 : index
      %swap3A_95 = tpu.vector_load %arg7[%swap3A, %swap3A_94] {strides = array<i32>} : memref<80x128xf32, #tpu.memory_space<vmem>>, vector<1x16xf32>,
      %swap3A_96 = vector.shape_cast %swap3A_95 : vector<1x16xf32> to vector<16xf32>
      %swap3A_97 = vector.shape_cast %broadcast_in_dim3A_1 : vector<16xf32> to vector<1x16xf32>
      tpu.vector_store %arg7[%swap3A, %swap3A_94], %swap3A_97 {strides = array<i32>} : memref<80x128xf32, #tpu.memory_space<vmem>>, vector<1x16xf32>,
      %scan3A_98 = arith.constant 0 : i32
      scf.yield %scan3A_98 : i32
    }
    %scan3A_49 = arith.constant 80 : i32
    %scan3A_50 = arith.constant 0 : i32
    %scan3A_51 = arith.constant 0 : i32
    %scan3A_52 = arith.constant 80 : i32
    %scan3A_53 = arith.addi %scan3A_51, %scan3A_52 : i32
    %scan3A_54 = arith.constant 1 : i32
    %scan3A_55 = scf.for %scan3A_92 = %scan3A_51 to %scan3A_53 step %scan3A_54 iter_args(%scan3A_93 = %scan3A_50) -> (i32)  : i32 {
      %swap3A = arith.index_cast %scan3A_92 : i32 to index
      %swap3A_94 = arith.constant 112 : index
      %swap3A_95 = tpu.vector_load %arg7[%swap3A, %swap3A_94] {strides = array<i32>} : memref<80x128xf32, #tpu.memory_space<vmem>>, vector<1x16xf32>,
      %swap3A_96 = vector.shape_cast %swap3A_95 : vector<1x16xf32> to vector<16xf32>
      %swap3A_97 = vector.shape_cast %broadcast_in_dim3A_1 : vector<16xf32> to vector<1x16xf32>
      tpu.vector_store %arg7[%swap3A, %swap3A_94], %swap3A_97 {strides = array<i32>} : memref<80x128xf32, #tpu.memory_space<vmem>>, vector<1x16xf32>,
      %scan3A_98 = arith.constant 0 : i32
      scf.yield %scan3A_98 : i32
    }
    %scan3A_56 = arith.constant 80 : i32
    %lt3A = arith.constant 13 : i32
    %lt3A_57 = arith.cmpi slt, %arg1, %lt3A : i32
    %jit3A = arith.constant 8 : i32
    %jit3A_58 = arith.constant 7 : i32
    %select_n3A = arith.select %lt3A_57, %jit3A, %jit3A_58 : i32
    %while3A = arith.constant 0 : i32
    %while3A_59 = arith.constant 0 : i32
    %while3A_60 = arith.subi %select_n3A, %while3A : i32
    %while3A_61 = arith.addi %while3A, %while3A_60 : i32
    %while3A_62 = arith.constant 1 : i32
    %while3A_63 = arith.divsi %while3A_60, %while3A_62 : i32
    %while3A_64 = arith.muli %while3A_63, %while3A_62 : i32
    %while3A_65 = arith.addi %while3A, %while3A_64 : i32
    %while3A_66 = arith.constant 1 : i32
    %while3A_67 = scf.for %while3A_92 = %while3A to %while3A_65 step %while3A_66 iter_args(%while3A_93 = %while3A_59) -> (i32)  : i32 {
      %mul3A_94 = arith.constant 16 : i32
      %mul3A_95 = arith.muli %mul3A_94, %while3A_92 : i32
      %add3A_96 = arith.addi %arg1, %mul3A_95 : i32
      %mul3A_97 = arith.constant 80 : i32
      %mul3A_98 = arith.muli %add3A_96, %mul3A_97 : i32
      "tpu.region"() ({
        %run_scoped3A = tpu.sem_alloc : memref<!tpu.dma_semaphore, #tpu.memory_space<semaphore_mem>>
        %dma_start3A = arith.constant 0 : i32
        %dma_start3A_100 = tpu.memref_slice %arg6[%mul3A_98, %dma_start3A] : memref<10000x128xf32, #tpu.memory_space<vmem_shared>> -> memref<80x128xf32, #tpu.memory_space<vmem_shared>>
        %dma_start3A_101 = arith.constant 0 : i32
        %dma_start3A_102 = tpu.memref_slice %arg6[%mul3A_98, %dma_start3A_101] : memref<10000x128xf32, #tpu.memory_space<vmem_shared>> -> memref<80x128xf32, #tpu.memory_space<vmem_shared>>
        tpu.enqueue_dma source(%arg7 : memref<80x128xf32, #tpu.memory_space<vmem>>) target(%dma_start3A_102 : memref<80x128xf32, #tpu.memory_space<vmem_shared>>) target_semaphore(%run_scoped3A : memref<!tpu.dma_semaphore, #tpu.memory_space<semaphore_mem>>)
        %dma_wait3A = arith.constant 0 : i32
        %dma_wait3A_103 = tpu.memref_slice %arg6[%mul3A_98, %dma_wait3A] : memref<10000x128xf32, #tpu.memory_space<vmem_shared>> -> memref<80x128xf32, #tpu.memory_space<vmem_shared>>
        %dma_wait3A_104 = arith.constant 0 : i32
        %dma_wait3A_105 = tpu.memref_slice %arg6[%mul3A_98, %dma_wait3A_104] : memref<10000x128xf32, #tpu.memory_space<vmem_shared>> -> memref<80x128xf32, #tpu.memory_space<vmem_shared>>
        tpu.wait_dma2 semaphore(%run_scoped3A : memref<!tpu.dma_semaphore, #tpu.memory_space<semaphore_mem>>) src(%arg7 : memref<80x128xf32, #tpu.memory_space<vmem>>) dst(%dma_wait3A_105 : memref<80x128xf32, #tpu.memory_space<vmem_shared>>)
        tpu.yield
      }) : () -> ()
      %while3A_99 = arith.constant 0 : i32
      scf.yield %while3A_99 : i32
    }
    %while3A_68 = arith.constant 1 : i32
    %while3A_69 = scf.for %while3A_92 = %while3A_65 to %while3A_61 step %while3A_68 iter_args(%while3A_93 = %while3A_67) -> (i32)  : i32 {
      %mul3A_94 = arith.constant 16 : i32
      %mul3A_95 = arith.muli %mul3A_94, %while3A_92 : i32
      %add3A_96 = arith.addi %arg1, %mul3A_95 : i32
      %mul3A_97 = arith.constant 80 : i32
      %mul3A_98 = arith.muli %add3A_96, %mul3A_97 : i32
      "tpu.region"() ({
        %run_scoped3A = tpu.sem_alloc : memref<!tpu.dma_semaphore, #tpu.memory_space<semaphore_mem>>
        %dma_start3A = arith.constant 0 : i32
        %dma_start3A_100 = tpu.memref_slice %arg6[%mul3A_98, %dma_start3A] : memref<10000x128xf32, #tpu.memory_space<vmem_shared>> -> memref<80x128xf32, #tpu.memory_space<vmem_shared>>
        %dma_start3A_101 = arith.constant 0 : i32
        %dma_start3A_102 = tpu.memref_slice %arg6[%mul3A_98, %dma_start3A_101] : memref<10000x128xf32, #tpu.memory_space<vmem_shared>> -> memref<80x128xf32, #tpu.memory_space<vmem_shared>>
        tpu.enqueue_dma source(%arg7 : memref<80x128xf32, #tpu.memory_space<vmem>>) target(%dma_start3A_102 : memref<80x128xf32, #tpu.memory_space<vmem_shared>>) target_semaphore(%run_scoped3A : memref<!tpu.dma_semaphore, #tpu.memory_space<semaphore_mem>>)
        %dma_wait3A = arith.constant 0 : i32
        %dma_wait3A_103 = tpu.memref_slice %arg6[%mul3A_98, %dma_wait3A] : memref<10000x128xf32, #tpu.memory_space<vmem_shared>> -> memref<80x128xf32, #tpu.memory_space<vmem_shared>>
        %dma_wait3A_104 = arith.constant 0 : i32
        %dma_wait3A_105 = tpu.memref_slice %arg6[%mul3A_98, %dma_wait3A_104] : memref<10000x128xf32, #tpu.memory_space<vmem_shared>> -> memref<80x128xf32, #tpu.memory_space<vmem_shared>>
        tpu.wait_dma2 semaphore(%run_scoped3A : memref<!tpu.dma_semaphore, #tpu.memory_space<semaphore_mem>>) src(%arg7 : memref<80x128xf32, #tpu.memory_space<vmem>>) dst(%dma_wait3A_105 : memref<80x128xf32, #tpu.memory_space<vmem_shared>>)
        tpu.yield
      }) : () -> ()
      %while3A_99 = arith.constant 0 : i32
      scf.yield %while3A_99 : i32
    }
    %barrier3A = arith.constant 0 : index
    tpu.barrier barrier_id(%barrier3A)
    %mul3A_70 = arith.constant 10000 : i32
    %mul3A_71 = arith.muli %add3A, %mul3A_70 : i32
    %scan3A_72 = arith.constant 0 : i32
    %scan3A_73 = arith.constant 0 : i32
    %scan3A_74 = arith.constant 125 : i32
    %scan3A_75 = arith.addi %scan3A_73, %scan3A_74 : i32
    %scan3A_76 = arith.constant 1 : i32
    %scan3A_77 = scf.for %scan3A_92 = %scan3A_73 to %scan3A_75 step %scan3A_76 iter_args(%scan3A_93 = %scan3A_72) -> (i32)  : i32 {
      %mul3A_94 = arith.constant 80 : i32
      %mul3A_95 = arith.muli %scan3A_92, %mul3A_94 : i32
      %add3A_96 = arith.addi %mul3A_71, %mul3A_95 : i32
      "tpu.region"() ({
        %run_scoped3A = tpu.sem_alloc : memref<!tpu.dma_semaphore, #tpu.memory_space<semaphore_mem>>
        %dma_start3A_102 = tpu.memref_slice %arg3[%add3A_96] : memref<320000xi32, #tpu.memory_space<hbm>> -> memref<80xi32, #tpu.memory_space<hbm>>
        %dma_start3A_103 = tpu.memref_slice %arg3[%add3A_96] : memref<320000xi32, #tpu.memory_space<hbm>> -> memref<80xi32, #tpu.memory_space<hbm>>
        tpu.enqueue_dma source(%dma_start3A_103 : memref<80xi32, #tpu.memory_space<hbm>>) target(%arg8 : memref<80xi32, #tpu.memory_space<vmem>>) target_semaphore(%run_scoped3A : memref<!tpu.dma_semaphore, #tpu.memory_space<semaphore_mem>>)
        %dma_wait3A_104 = tpu.memref_slice %arg3[%add3A_96] : memref<320000xi32, #tpu.memory_space<hbm>> -> memref<80xi32, #tpu.memory_space<hbm>>
        %dma_wait3A_105 = tpu.memref_slice %arg3[%add3A_96] : memref<320000xi32, #tpu.memory_space<hbm>> -> memref<80xi32, #tpu.memory_space<hbm>>
        tpu.wait_dma2 semaphore(%run_scoped3A : memref<!tpu.dma_semaphore, #tpu.memory_space<semaphore_mem>>) src(%dma_wait3A_105 : memref<80xi32, #tpu.memory_space<hbm>>) dst(%arg8 : memref<80xi32, #tpu.memory_space<vmem>>)
        tpu.yield
      }) : () -> ()
      "tpu.region"() ({
        %run_scoped3A = tpu.sem_alloc : memref<!tpu.dma_semaphore, #tpu.memory_space<semaphore_mem>>
        %dma_start3A_102 = tpu.memref_slice %arg4[%add3A_96] : memref<320000xi32, #tpu.memory_space<hbm>> -> memref<80xi32, #tpu.memory_space<hbm>>
        %dma_start3A_103 = tpu.memref_slice %arg4[%add3A_96] : memref<320000xi32, #tpu.memory_space<hbm>> -> memref<80xi32, #tpu.memory_space<hbm>>
        tpu.enqueue_dma source(%dma_start3A_103 : memref<80xi32, #tpu.memory_space<hbm>>) target(%arg9 : memref<80xi32, #tpu.memory_space<vmem>>) target_semaphore(%run_scoped3A : memref<!tpu.dma_semaphore, #tpu.memory_space<semaphore_mem>>)
        %dma_wait3A_104 = tpu.memref_slice %arg4[%add3A_96] : memref<320000xi32, #tpu.memory_space<hbm>> -> memref<80xi32, #tpu.memory_space<hbm>>
        %dma_wait3A_105 = tpu.memref_slice %arg4[%add3A_96] : memref<320000xi32, #tpu.memory_space<hbm>> -> memref<80xi32, #tpu.memory_space<hbm>>
        tpu.wait_dma2 semaphore(%run_scoped3A : memref<!tpu.dma_semaphore, #tpu.memory_space<semaphore_mem>>) src(%dma_wait3A_105 : memref<80xi32, #tpu.memory_space<hbm>>) dst(%arg9 : memref<80xi32, #tpu.memory_space<vmem>>)
        tpu.yield
      }) : () -> ()
      %dma_start3A = arith.constant 0 : i32
      %dma_start3A_97 = arith.constant 0 : i32
      %dma_start3A_98 = tpu.memref_slice %arg2[%dma_start3A, %dma_start3A_97] : memref<10000x128xf32, #tpu.memory_space<hbm>> -> memref<10000x128xf32, #tpu.memory_space<hbm>>
      tpu.enqueue_indirect_dma source(%dma_start3A_98 : memref<10000x128xf32, #tpu.memory_space<hbm>>) target(%arg10 : memref<80x128xf32, #tpu.memory_space<vmem>>) offsets(%arg8 : memref<80xi32, #tpu.memory_space<vmem>>) semaphore(%arg11 : memref<!tpu.dma_semaphore, #tpu.memory_space<semaphore_mem>>)
      %dma_wait3A = arith.constant 0 : i32
      %dma_wait3A_99 = arith.constant 0 : i32
      %dma_wait3A_100 = tpu.memref_slice %arg2[%dma_wait3A, %dma_wait3A_99] : memref<10000x128xf32, #tpu.memory_space<hbm>> -> memref<10000x128xf32, #tpu.memory_space<hbm>>
      tpu.wait_indirect_dma semaphore(%arg11 : memref<!tpu.dma_semaphore, #tpu.memory_space<semaphore_mem>>) src(%dma_wait3A_100 : memref<10000x128xf32, #tpu.memory_space<hbm>>) dst(%arg10 : memref<80x128xf32, #tpu.memory_space<vmem>>)
      "tpu.region"() ({
        %run_scoped3A = tpu.sem_alloc : memref<!tpu.dma_semaphore, #tpu.memory_space<semaphore_mem>>
        %dma_start3A_102 = arith.constant 0 : i32
        %dma_start3A_103 = arith.constant 0 : i32
        %dma_start3A_104 = tpu.memref_slice %arg6[%dma_start3A_102, %dma_start3A_103] : memref<10000x128xf32, #tpu.memory_space<vmem_shared>> -> memref<10000x128xf32, #tpu.memory_space<vmem_shared>>
        tpu.enqueue_indirect_dma source(%arg10 : memref<80x128xf32, #tpu.memory_space<vmem>>) target(%dma_start3A_104 : memref<10000x128xf32, #tpu.memory_space<vmem_shared>>) offsets(%arg9 : memref<80xi32, #tpu.memory_space<vmem>>) semaphore(%run_scoped3A : memref<!tpu.dma_semaphore, #tpu.memory_space<semaphore_mem>>) {add = true}
        %dma_wait3A_105 = arith.constant 0 : i32
        %dma_wait3A_106 = arith.constant 0 : i32
        %dma_wait3A_107 = tpu.memref_slice %arg6[%dma_wait3A_105, %dma_wait3A_106] : memref<10000x128xf32, #tpu.memory_space<vmem_shared>> -> memref<10000x128xf32, #tpu.memory_space<vmem_shared>>
        tpu.wait_indirect_dma semaphore(%run_scoped3A : memref<!tpu.dma_semaphore, #tpu.memory_space<semaphore_mem>>) src(%arg10 : memref<80x128xf32, #tpu.memory_space<vmem>>) dst(%dma_wait3A_107 : memref<10000x128xf32, #tpu.memory_space<vmem_shared>>)
        tpu.yield
      }) : () -> ()
      %scan3A_101 = arith.constant 0 : i32
      scf.yield %scan3A_101 : i32
    }
    %scan3A_78 = arith.constant 125 : i32
    %barrier3A_79 = arith.constant 0 : index
    tpu.barrier barrier_id(%barrier3A_79)
    %while3A_80 = arith.constant 0 : i32
    %while3A_81 = arith.constant 0 : i32
    %while3A_82 = arith.subi %select_n3A, %while3A_80 : i32
    %while3A_83 = arith.addi %while3A_80, %while3A_82 : i32
    %while3A_84 = arith.constant 1 : i32
    %while3A_85 = arith.divsi %while3A_82, %while3A_84 : i32
    %while3A_86 = arith.muli %while3A_85, %while3A_84 : i32
    %while3A_87 = arith.addi %while3A_80, %while3A_86 : i32
    %while3A_88 = arith.constant 1 : i32
    %while3A_89 = scf.for %while3A_92 = %while3A_80 to %while3A_87 step %while3A_88 iter_args(%while3A_93 = %while3A_81) -> (i32)  : i32 {
      %mul3A_94 = arith.constant 16 : i32
      %mul3A_95 = arith.muli %mul3A_94, %while3A_92 : i32
      %add3A_96 = arith.addi %arg1, %mul3A_95 : i32
      %mul3A_97 = arith.constant 80 : i32
      %mul3A_98 = arith.muli %add3A_96, %mul3A_97 : i32
      %mul3A_99 = arith.constant 10000 : i32
      %mul3A_100 = arith.muli %arg0, %mul3A_99 : i32
      %add3A_101 = arith.addi %mul3A_100, %mul3A_98 : i32
      "tpu.region"() ({
        %run_scoped3A = tpu.sem_alloc : memref<!tpu.dma_semaphore, #tpu.memory_space<semaphore_mem>>
        %dma_start3A = arith.constant 0 : i32
        %dma_start3A_103 = tpu.memref_slice %arg5[%add3A_101, %dma_start3A] : memref<20000x128xf32, #tpu.memory_space<hbm>> -> memref<80x128xf32, #tpu.memory_space<hbm>>
        %dma_start3A_104 = arith.constant 0 : i32
        %dma_start3A_105 = tpu.memref_slice %arg6[%mul3A_98, %dma_start3A_104] : memref<10000x128xf32, #tpu.memory_space<vmem_shared>> -> memref<80x128xf32, #tpu.memory_space<vmem_shared>>
        tpu.enqueue_dma source(%dma_start3A_105 : memref<80x128xf32, #tpu.memory_space<vmem_shared>>) target(%dma_start3A_103 : memref<80x128xf32, #tpu.memory_space<hbm>>) target_semaphore(%run_scoped3A : memref<!tpu.dma_semaphore, #tpu.memory_space<semaphore_mem>>)
        %dma_wait3A = arith.constant 0 : i32
        %dma_wait3A_106 = tpu.memref_slice %arg5[%add3A_101, %dma_wait3A] : memref<20000x128xf32, #tpu.memory_space<hbm>> -> memref<80x128xf32, #tpu.memory_space<hbm>>
        %dma_wait3A_107 = arith.constant 0 : i32
        %dma_wait3A_108 = tpu.memref_slice %arg6[%mul3A_98, %dma_wait3A_107] : memref<10000x128xf32, #tpu.memory_space<vmem_shared>> -> memref<80x128xf32, #tpu.memory_space<vmem_shared>>
        tpu.wait_dma2 semaphore(%run_scoped3A : memref<!tpu.dma_semaphore, #tpu.memory_space<semaphore_mem>>) src(%dma_wait3A_108 : memref<80x128xf32, #tpu.memory_space<vmem_shared>>) dst(%dma_wait3A_106 : memref<80x128xf32, #tpu.memory_space<hbm>>)
        tpu.yield
      }) : () -> ()
      %while3A_102 = arith.constant 0 : i32
      scf.yield %while3A_102 : i32
    }
    %while3A_90 = arith.constant 1 : i32
    %while3A_91 = scf.for %while3A_92 = %while3A_87 to %while3A_83 step %while3A_90 iter_args(%while3A_93 = %while3A_89) -> (i32)  : i32 {
      %mul3A_94 = arith.constant 16 : i32
      %mul3A_95 = arith.muli %mul3A_94, %while3A_92 : i32
      %add3A_96 = arith.addi %arg1, %mul3A_95 : i32
      %mul3A_97 = arith.constant 80 : i32
      %mul3A_98 = arith.muli %add3A_96, %mul3A_97 : i32
      %mul3A_99 = arith.constant 10000 : i32
      %mul3A_100 = arith.muli %arg0, %mul3A_99 : i32
      %add3A_101 = arith.addi %mul3A_100, %mul3A_98 : i32
      "tpu.region"() ({
        %run_scoped3A = tpu.sem_alloc : memref<!tpu.dma_semaphore, #tpu.memory_space<semaphore_mem>>
        %dma_start3A = arith.constant 0 : i32
        %dma_start3A_103 = tpu.memref_slice %arg5[%add3A_101, %dma_start3A] : memref<20000x128xf32, #tpu.memory_space<hbm>> -> memref<80x128xf32, #tpu.memory_space<hbm>>
        %dma_start3A_104 = arith.constant 0 : i32
        %dma_start3A_105 = tpu.memref_slice %arg6[%mul3A_98, %dma_start3A_104] : memref<10000x128xf32, #tpu.memory_space<vmem_shared>> -> memref<80x128xf32, #tpu.memory_space<vmem_shared>>
        tpu.enqueue_dma source(%dma_start3A_105 : memref<80x128xf32, #tpu.memory_space<vmem_shared>>) target(%dma_start3A_103 : memref<80x128xf32, #tpu.memory_space<hbm>>) target_semaphore(%run_scoped3A : memref<!tpu.dma_semaphore, #tpu.memory_space<semaphore_mem>>)
        %dma_wait3A = arith.constant 0 : i32
        %dma_wait3A_106 = tpu.memref_slice %arg5[%add3A_101, %dma_wait3A] : memref<20000x128xf32, #tpu.memory_space<hbm>> -> memref<80x128xf32, #tpu.memory_space<hbm>>
        %dma_wait3A_107 = arith.constant 0 : i32
        %dma_wait3A_108 = tpu.memref_slice %arg6[%mul3A_98, %dma_wait3A_107] : memref<10000x128xf32, #tpu.memory_space<vmem_shared>> -> memref<80x128xf32, #tpu.memory_space<vmem_shared>>
        tpu.wait_dma2 semaphore(%run_scoped3A : memref<!tpu.dma_semaphore, #tpu.memory_space<semaphore_mem>>) src(%dma_wait3A_108 : memref<80x128xf32, #tpu.memory_space<vmem_shared>>) dst(%dma_wait3A_106 : memref<80x128xf32, #tpu.memory_space<hbm>>)
        tpu.yield
      }) : () -> ()
      %while3A_102 = arith.constant 0 : i32
      scf.yield %while3A_102 : i32
    }
    return
  }
}

#map = affine_map<(d0, d1) -> (0, 0)>
#map1 = affine_map<(d0, d1) -> (0)>
module attributes {stable_mosaic.version = 14 : i64} {
  func.func @_edge_aggr(%arg0: i32, %arg1: i32, %arg2: memref<10000x128xf32, #tpu.memory_space<hbm>>, %arg3: memref<320000xi32, #tpu.memory_space<hbm>>, %arg4: memref<320000xi32, #tpu.memory_space<hbm>>, %arg5: memref<20000x128xf32, #tpu.memory_space<hbm>>, %arg6: memref<10000x128xf32, #tpu.memory_space<vmem_shared>>, %arg7: memref<80x128xf32, #tpu.memory_space<vmem>>, %arg8: memref<80xi32, #tpu.memory_space<vmem>>, %arg9: memref<80xi32, #tpu.memory_space<vmem>>, %arg10: memref<80x128xf32, #tpu.memory_space<vmem>>, %arg11: memref<!tpu.dma_semaphore, #tpu.memory_space<semaphore_mem>>) attributes {dimension_semantics = [#tpu.dimension_semantics<core_parallel>, #tpu.dimension_semantics<subcore_parallel>], iteration_bounds = array<i64: 2, 16>, scalar_prefetch = 0 : i64, scratch_operands = 6 : i64, tpu.core_type = #tpu.core_type<sc_vector_subcore>, window_params = [{transform_indices = #map}, {transform_indices = #map1}, {transform_indices = #map1}, {transform_indices = #map}]} {
    %mul3A = arith.constant 16 : i32
    %mul3A_0 = arith.muli %arg0, %mul3A : i32
    %add3A = arith.addi %mul3A_0, %arg1 : i32
    %broadcast_in_dim3A = arith.constant 0.000000e+00 : f32
    %broadcast_in_dim3A_1 = vector.broadcast %broadcast_in_dim3A : f32 to vector<16xf32>
    %scan3A = arith.constant 0 : i32
    %scan3A_2 = arith.constant 0 : i32
    %scan3A_3 = arith.constant 80 : i32
    %scan3A_4 = arith.addi %scan3A_2, %scan3A_3 : i32
    %scan3A_5 = arith.constant 1 : i32
    %scan3A_6 = scf.for %scan3A_92 = %scan3A_2 to %scan3A_4 step %scan3A_5 iter_args(%scan3A_93 = %scan3A) -> (i32)  : i32 {
      %swap3A = arith.index_cast %scan3A_92 : i32 to index
      %swap3A_94 = arith.constant 0 : index
      %swap3A_95 = tpu.vector_load %arg7[%swap3A, %swap3A_94] {strides = array<i32>} : memref<80x128xf32, #tpu.memory_space<vmem>>, vector<1x16xf32>,
      %swap3A_96 = vector.shape_cast %swap3A_95 : vector<1x16xf32> to vector<16xf32>
      %swap3A_97 = vector.shape_cast %broadcast_in_dim3A_1 : vector<16xf32> to vector<1x16xf32>
      tpu.vector_store %arg7[%swap3A, %swap3A_94], %swap3A_97 {strides = array<i32>} : memref<80x128xf32, #tpu.memory_space<vmem>>, vector<1x16xf32>,
      %scan3A_98 = arith.constant 0 : i32
      scf.yield %scan3A_98 : i32
    }
    %scan3A_7 = arith.constant 80 : i32
    %scan3A_8 = arith.constant 0 : i32
    %scan3A_9 = arith.constant 0 : i32
    %scan3A_10 = arith.constant 80 : i32
    %scan3A_11 = arith.addi %scan3A_9, %scan3A_10 : i32
    %scan3A_12 = arith.constant 1 : i32
    %scan3A_13 = scf.for %scan3A_92 = %scan3A_9 to %scan3A_11 step %scan3A_12 iter_args(%scan3A_93 = %scan3A_8) -> (i32)  : i32 {
      %swap3A = arith.index_cast %scan3A_92 : i32 to index
      %swap3A_94 = arith.constant 16 : index
      %swap3A_95 = tpu.vector_load %arg7[%swap3A, %swap3A_94] {strides = array<i32>} : memref<80x128xf32, #tpu.memory_space<vmem>>, vector<1x16xf32>,
      %swap3A_96 = vector.shape_cast %swap3A_95 : vector<1x16xf32> to vector<16xf32>
      %swap3A_97 = vector.shape_cast %broadcast_in_dim3A_1 : vector<16xf32> to vector<1x16xf32>
      tpu.vector_store %arg7[%swap3A, %swap3A_94], %swap3A_97 {strides = array<i32>} : memref<80x128xf32, #tpu.memory_space<vmem>>, vector<1x16xf32>,
      %scan3A_98 = arith.constant 0 : i32
      scf.yield %scan3A_98 : i32
    }
    %scan3A_14 = arith.constant 80 : i32
    %scan3A_15 = arith.constant 0 : i32
    %scan3A_16 = arith.constant 0 : i32
    %scan3A_17 = arith.constant 80 : i32
    %scan3A_18 = arith.addi %scan3A_16, %scan3A_17 : i32
    %scan3A_19 = arith.constant 1 : i32
    %scan3A_20 = scf.for %scan3A_92 = %scan3A_16 to %scan3A_18 step %scan3A_19 iter_args(%scan3A_93 = %scan3A_15) -> (i32)  : i32 {
      %swap3A = arith.index_cast %scan3A_92 : i32 to index
      %swap3A_94 = arith.constant 32 : index
      %swap3A_95 = tpu.vector_load %arg7[%swap3A, %swap3A_94] {strides = array<i32>} : memref<80x128xf32, #tpu.memory_space<vmem>>, vector<1x16xf32>,
      %swap3A_96 = vector.shape_cast %swap3A_95 : vector<1x16xf32> to vector<16xf32>
      %swap3A_97 = vector.shape_cast %broadcast_in_dim3A_1 : vector<16xf32> to vector<1x16xf32>
      tpu.vector_store %arg7[%swap3A, %swap3A_94], %swap3A_97 {strides = array<i32>} : memref<80x128xf32, #tpu.memory_space<vmem>>, vector<1x16xf32>,
      %scan3A_98 = arith.constant 0 : i32
      scf.yield %scan3A_98 : i32
    }
    %scan3A_21 = arith.constant 80 : i32
    %scan3A_22 = arith.constant 0 : i32
    %scan3A_23 = arith.constant 0 : i32
    %scan3A_24 = arith.constant 80 : i32
    %scan3A_25 = arith.addi %scan3A_23, %scan3A_24 : i32
    %scan3A_26 = arith.constant 1 : i32
    %scan3A_27 = scf.for %scan3A_92 = %scan3A_23 to %scan3A_25 step %scan3A_26 iter_args(%scan3A_93 = %scan3A_22) -> (i32)  : i32 {
      %swap3A = arith.index_cast %scan3A_92 : i32 to index
      %swap3A_94 = arith.constant 48 : index
      %swap3A_95 = tpu.vector_load %arg7[%swap3A, %swap3A_94] {strides = array<i32>} : memref<80x128xf32, #tpu.memory_space<vmem>>, vector<1x16xf32>,
      %swap3A_96 = vector.shape_cast %swap3A_95 : vector<1x16xf32> to vector<16xf32>
      %swap3A_97 = vector.shape_cast %broadcast_in_dim3A_1 : vector<16xf32> to vector<1x16xf32>
      tpu.vector_store %arg7[%swap3A, %swap3A_94], %swap3A_97 {strides = array<i32>} : memref<80x128xf32, #tpu.memory_space<vmem>>, vector<1x16xf32>,
      %scan3A_98 = arith.constant 0 : i32
      scf.yield %scan3A_98 : i32
    }
    %scan3A_28 = arith.constant 80 : i32
    %scan3A_29 = arith.constant 0 : i32
    %scan3A_30 = arith.constant 0 : i32
    %scan3A_31 = arith.constant 80 : i32
    %scan3A_32 = arith.addi %scan3A_30, %scan3A_31 : i32
    %scan3A_33 = arith.constant 1 : i32
    %scan3A_34 = scf.for %scan3A_92 = %scan3A_30 to %scan3A_32 step %scan3A_33 iter_args(%scan3A_93 = %scan3A_29) -> (i32)  : i32 {
      %swap3A = arith.index_cast %scan3A_92 : i32 to index
      %swap3A_94 = arith.constant 64 : index
      %swap3A_95 = tpu.vector_load %arg7[%swap3A, %swap3A_94] {strides = array<i32>} : memref<80x128xf32, #tpu.memory_space<vmem>>, vector<1x16xf32>,
      %swap3A_96 = vector.shape_cast %swap3A_95 : vector<1x16xf32> to vector<16xf32>
      %swap3A_97 = vector.shape_cast %broadcast_in_dim3A_1 : vector<16xf32> to vector<1x16xf32>
      tpu.vector_store %arg7[%swap3A, %swap3A_94], %swap3A_97 {strides = array<i32>} : memref<80x128xf32, #tpu.memory_space<vmem>>, vector<1x16xf32>,
      %scan3A_98 = arith.constant 0 : i32
      scf.yield %scan3A_98 : i32
    }
    %scan3A_35 = arith.constant 80 : i32
    %scan3A_36 = arith.constant 0 : i32
    %scan3A_37 = arith.constant 0 : i32
    %scan3A_38 = arith.constant 80 : i32
    %scan3A_39 = arith.addi %scan3A_37, %scan3A_38 : i32
    %scan3A_40 = arith.constant 1 : i32
    %scan3A_41 = scf.for %scan3A_92 = %scan3A_37 to %scan3A_39 step %scan3A_40 iter_args(%scan3A_93 = %scan3A_36) -> (i32)  : i32 {
      %swap3A = arith.index_cast %scan3A_92 : i32 to index
      %swap3A_94 = arith.constant 80 : index
      %swap3A_95 = tpu.vector_load %arg7[%swap3A, %swap3A_94] {strides = array<i32>} : memref<80x128xf32, #tpu.memory_space<vmem>>, vector<1x16xf32>,
      %swap3A_96 = vector.shape_cast %swap3A_95 : vector<1x16xf32> to vector<16xf32>
      %swap3A_97 = vector.shape_cast %broadcast_in_dim3A_1 : vector<16xf32> to vector<1x16xf32>
      tpu.vector_store %arg7[%swap3A, %swap3A_94], %swap3A_97 {strides = array<i32>} : memref<80x128xf32, #tpu.memory_space<vmem>>, vector<1x16xf32>,
      %scan3A_98 = arith.constant 0 : i32
      scf.yield %scan3A_98 : i32
    }
    %scan3A_42 = arith.constant 80 : i32
    %scan3A_43 = arith.constant 0 : i32
    %scan3A_44 = arith.constant 0 : i32
    %scan3A_45 = arith.constant 80 : i32
    %scan3A_46 = arith.addi %scan3A_44, %scan3A_45 : i32
    %scan3A_47 = arith.constant 1 : i32
    %scan3A_48 = scf.for %scan3A_92 = %scan3A_44 to %scan3A_46 step %scan3A_47 iter_args(%scan3A_93 = %scan3A_43) -> (i32)  : i32 {
      %swap3A = arith.index_cast %scan3A_92 : i32 to index
      %swap3A_94 = arith.constant 96 : index
      %swap3A_95 = tpu.vector_load %arg7[%swap3A, %swap3A_94] {strides = array<i32>} : memref<80x128xf32, #tpu.memory_space<vmem>>, vector<1x16xf32>,
      %swap3A_96 = vector.shape_cast %swap3A_95 : vector<1x16xf32> to vector<16xf32>
      %swap3A_97 = vector.shape_cast %broadcast_in_dim3A_1 : vector<16xf32> to vector<1x16xf32>
      tpu.vector_store %arg7[%swap3A, %swap3A_94], %swap3A_97 {strides = array<i32>} : memref<80x128xf32, #tpu.memory_space<vmem>>, vector<1x16xf32>,
      %scan3A_98 = arith.constant 0 : i32
      scf.yield %scan3A_98 : i32
    }
    %scan3A_49 = arith.constant 80 : i32
    %scan3A_50 = arith.constant 0 : i32
    %scan3A_51 = arith.constant 0 : i32
    %scan3A_52 = arith.constant 80 : i32
    %scan3A_53 = arith.addi %scan3A_51, %scan3A_52 : i32
    %scan3A_54 = arith.constant 1 : i32
    %scan3A_55 = scf.for %scan3A_92 = %scan3A_51 to %scan3A_53 step %scan3A_54 iter_args(%scan3A_93 = %scan3A_50) -> (i32)  : i32 {
      %swap3A = arith.index_cast %scan3A_92 : i32 to index
      %swap3A_94 = arith.constant 112 : index
      %swap3A_95 = tpu.vector_load %arg7[%swap3A, %swap3A_94] {strides = array<i32>} : memref<80x128xf32, #tpu.memory_space<vmem>>, vector<1x16xf32>,
      %swap3A_96 = vector.shape_cast %swap3A_95 : vector<1x16xf32> to vector<16xf32>
      %swap3A_97 = vector.shape_cast %broadcast_in_dim3A_1 : vector<16xf32> to vector<1x16xf32>
      tpu.vector_store %arg7[%swap3A, %swap3A_94], %swap3A_97 {strides = array<i32>} : memref<80x128xf32, #tpu.memory_space<vmem>>, vector<1x16xf32>,
      %scan3A_98 = arith.constant 0 : i32
      scf.yield %scan3A_98 : i32
    }
    %scan3A_56 = arith.constant 80 : i32
    %lt3A = arith.constant 13 : i32
    %lt3A_57 = arith.cmpi slt, %arg1, %lt3A : i32
    %jit3A = arith.constant 8 : i32
    %jit3A_58 = arith.constant 7 : i32
    %select_n3A = arith.select %lt3A_57, %jit3A, %jit3A_58 : i32
    %while3A = arith.constant 0 : i32
    %while3A_59 = arith.constant 0 : i32
    %while3A_60 = arith.subi %select_n3A, %while3A : i32
    %while3A_61 = arith.addi %while3A, %while3A_60 : i32
    %while3A_62 = arith.constant 1 : i32
    %while3A_63 = arith.divsi %while3A_60, %while3A_62 : i32
    %while3A_64 = arith.muli %while3A_63, %while3A_62 : i32
    %while3A_65 = arith.addi %while3A, %while3A_64 : i32
    %while3A_66 = arith.constant 1 : i32
    %while3A_67 = scf.for %while3A_92 = %while3A to %while3A_65 step %while3A_66 iter_args(%while3A_93 = %while3A_59) -> (i32)  : i32 {
      %mul3A_94 = arith.constant 16 : i32
      %mul3A_95 = arith.muli %mul3A_94, %while3A_92 : i32
      %add3A_96 = arith.addi %arg1, %mul3A_95 : i32
      %mul3A_97 = arith.constant 80 : i32
      %mul3A_98 = arith.muli %add3A_96, %mul3A_97 : i32
      "tpu.region"() ({
        %run_scoped3A = tpu.sem_alloc : memref<!tpu.dma_semaphore, #tpu.memory_space<semaphore_mem>>
        %dma_start3A = arith.constant 0 : i32
        %dma_start3A_100 = tpu.memref_slice %arg6[%mul3A_98, %dma_start3A] : memref<10000x128xf32, #tpu.memory_space<vmem_shared>> -> memref<80x128xf32, #tpu.memory_space<vmem_shared>>
        %dma_start3A_101 = arith.constant 0 : i32
        %dma_start3A_102 = tpu.memref_slice %arg6[%mul3A_98, %dma_start3A_101] : memref<10000x128xf32, #tpu.memory_space<vmem_shared>> -> memref<80x128xf32, #tpu.memory_space<vmem_shared>>
        tpu.enqueue_dma source(%arg7 : memref<80x128xf32, #tpu.memory_space<vmem>>) target(%dma_start3A_102 : memref<80x128xf32, #tpu.memory_space<vmem_shared>>) target_semaphore(%run_scoped3A : memref<!tpu.dma_semaphore, #tpu.memory_space<semaphore_mem>>)
        %dma_wait3A = arith.constant 0 : i32
        %dma_wait3A_103 = tpu.memref_slice %arg6[%mul3A_98, %dma_wait3A] : memref<10000x128xf32, #tpu.memory_space<vmem_shared>> -> memref<80x128xf32, #tpu.memory_space<vmem_shared>>
        %dma_wait3A_104 = arith.constant 0 : i32
        %dma_wait3A_105 = tpu.memref_slice %arg6[%mul3A_98, %dma_wait3A_104] : memref<10000x128xf32, #tpu.memory_space<vmem_shared>> -> memref<80x128xf32, #tpu.memory_space<vmem_shared>>
        tpu.wait_dma2 semaphore(%run_scoped3A : memref<!tpu.dma_semaphore, #tpu.memory_space<semaphore_mem>>) src(%arg7 : memref<80x128xf32, #tpu.memory_space<vmem>>) dst(%dma_wait3A_105 : memref<80x128xf32, #tpu.memory_space<vmem_shared>>)
        tpu.yield
      }) : () -> ()
      %while3A_99 = arith.constant 0 : i32
      scf.yield %while3A_99 : i32
    }
    %while3A_68 = arith.constant 1 : i32
    %while3A_69 = scf.for %while3A_92 = %while3A_65 to %while3A_61 step %while3A_68 iter_args(%while3A_93 = %while3A_67) -> (i32)  : i32 {
      %mul3A_94 = arith.constant 16 : i32
      %mul3A_95 = arith.muli %mul3A_94, %while3A_92 : i32
      %add3A_96 = arith.addi %arg1, %mul3A_95 : i32
      %mul3A_97 = arith.constant 80 : i32
      %mul3A_98 = arith.muli %add3A_96, %mul3A_97 : i32
      "tpu.region"() ({
        %run_scoped3A = tpu.sem_alloc : memref<!tpu.dma_semaphore, #tpu.memory_space<semaphore_mem>>
        %dma_start3A = arith.constant 0 : i32
        %dma_start3A_100 = tpu.memref_slice %arg6[%mul3A_98, %dma_start3A] : memref<10000x128xf32, #tpu.memory_space<vmem_shared>> -> memref<80x128xf32, #tpu.memory_space<vmem_shared>>
        %dma_start3A_101 = arith.constant 0 : i32
        %dma_start3A_102 = tpu.memref_slice %arg6[%mul3A_98, %dma_start3A_101] : memref<10000x128xf32, #tpu.memory_space<vmem_shared>> -> memref<80x128xf32, #tpu.memory_space<vmem_shared>>
        tpu.enqueue_dma source(%arg7 : memref<80x128xf32, #tpu.memory_space<vmem>>) target(%dma_start3A_102 : memref<80x128xf32, #tpu.memory_space<vmem_shared>>) target_semaphore(%run_scoped3A : memref<!tpu.dma_semaphore, #tpu.memory_space<semaphore_mem>>)
        %dma_wait3A = arith.constant 0 : i32
        %dma_wait3A_103 = tpu.memref_slice %arg6[%mul3A_98, %dma_wait3A] : memref<10000x128xf32, #tpu.memory_space<vmem_shared>> -> memref<80x128xf32, #tpu.memory_space<vmem_shared>>
        %dma_wait3A_104 = arith.constant 0 : i32
        %dma_wait3A_105 = tpu.memref_slice %arg6[%mul3A_98, %dma_wait3A_104] : memref<10000x128xf32, #tpu.memory_space<vmem_shared>> -> memref<80x128xf32, #tpu.memory_space<vmem_shared>>
        tpu.wait_dma2 semaphore(%run_scoped3A : memref<!tpu.dma_semaphore, #tpu.memory_space<semaphore_mem>>) src(%arg7 : memref<80x128xf32, #tpu.memory_space<vmem>>) dst(%dma_wait3A_105 : memref<80x128xf32, #tpu.memory_space<vmem_shared>>)
        tpu.yield
      }) : () -> ()
      %while3A_99 = arith.constant 0 : i32
      scf.yield %while3A_99 : i32
    }
    %barrier3A = arith.constant 0 : index
    tpu.barrier barrier_id(%barrier3A)
    %mul3A_70 = arith.constant 10000 : i32
    %mul3A_71 = arith.muli %add3A, %mul3A_70 : i32
    %scan3A_72 = arith.constant 0 : i32
    %scan3A_73 = arith.constant 0 : i32
    %scan3A_74 = arith.constant 125 : i32
    %scan3A_75 = arith.addi %scan3A_73, %scan3A_74 : i32
    %scan3A_76 = arith.constant 1 : i32
    %scan3A_77 = scf.for %scan3A_92 = %scan3A_73 to %scan3A_75 step %scan3A_76 iter_args(%scan3A_93 = %scan3A_72) -> (i32)  : i32 {
      %mul3A_94 = arith.constant 80 : i32
      %mul3A_95 = arith.muli %scan3A_92, %mul3A_94 : i32
      %add3A_96 = arith.addi %mul3A_71, %mul3A_95 : i32
      "tpu.region"() ({
        %run_scoped3A = tpu.sem_alloc : memref<!tpu.dma_semaphore, #tpu.memory_space<semaphore_mem>>
        %dma_start3A_102 = tpu.memref_slice %arg3[%add3A_96] : memref<320000xi32, #tpu.memory_space<hbm>> -> memref<80xi32, #tpu.memory_space<hbm>>
        %dma_start3A_103 = tpu.memref_slice %arg3[%add3A_96] : memref<320000xi32, #tpu.memory_space<hbm>> -> memref<80xi32, #tpu.memory_space<hbm>>
        tpu.enqueue_dma source(%dma_start3A_103 : memref<80xi32, #tpu.memory_space<hbm>>) target(%arg8 : memref<80xi32, #tpu.memory_space<vmem>>) target_semaphore(%run_scoped3A : memref<!tpu.dma_semaphore, #tpu.memory_space<semaphore_mem>>)
        %dma_wait3A_104 = tpu.memref_slice %arg3[%add3A_96] : memref<320000xi32, #tpu.memory_space<hbm>> -> memref<80xi32, #tpu.memory_space<hbm>>
        %dma_wait3A_105 = tpu.memref_slice %arg3[%add3A_96] : memref<320000xi32, #tpu.memory_space<hbm>> -> memref<80xi32, #tpu.memory_space<hbm>>
        tpu.wait_dma2 semaphore(%run_scoped3A : memref<!tpu.dma_semaphore, #tpu.memory_space<semaphore_mem>>) src(%dma_wait3A_105 : memref<80xi32, #tpu.memory_space<hbm>>) dst(%arg8 : memref<80xi32, #tpu.memory_space<vmem>>)
        tpu.yield
      }) : () -> ()
      "tpu.region"() ({
        %run_scoped3A = tpu.sem_alloc : memref<!tpu.dma_semaphore, #tpu.memory_space<semaphore_mem>>
        %dma_start3A_102 = tpu.memref_slice %arg4[%add3A_96] : memref<320000xi32, #tpu.memory_space<hbm>> -> memref<80xi32, #tpu.memory_space<hbm>>
        %dma_start3A_103 = tpu.memref_slice %arg4[%add3A_96] : memref<320000xi32, #tpu.memory_space<hbm>> -> memref<80xi32, #tpu.memory_space<hbm>>
        tpu.enqueue_dma source(%dma_start3A_103 : memref<80xi32, #tpu.memory_space<hbm>>) target(%arg9 : memref<80xi32, #tpu.memory_space<vmem>>) target_semaphore(%run_scoped3A : memref<!tpu.dma_semaphore, #tpu.memory_space<semaphore_mem>>)
        %dma_wait3A_104 = tpu.memref_slice %arg4[%add3A_96] : memref<320000xi32, #tpu.memory_space<hbm>> -> memref<80xi32, #tpu.memory_space<hbm>>
        %dma_wait3A_105 = tpu.memref_slice %arg4[%add3A_96] : memref<320000xi32, #tpu.memory_space<hbm>> -> memref<80xi32, #tpu.memory_space<hbm>>
        tpu.wait_dma2 semaphore(%run_scoped3A : memref<!tpu.dma_semaphore, #tpu.memory_space<semaphore_mem>>) src(%dma_wait3A_105 : memref<80xi32, #tpu.memory_space<hbm>>) dst(%arg9 : memref<80xi32, #tpu.memory_space<vmem>>)
        tpu.yield
      }) : () -> ()
      %dma_start3A = arith.constant 0 : i32
      %dma_start3A_97 = arith.constant 0 : i32
      %dma_start3A_98 = tpu.memref_slice %arg2[%dma_start3A, %dma_start3A_97] : memref<10000x128xf32, #tpu.memory_space<hbm>> -> memref<10000x128xf32, #tpu.memory_space<hbm>>
      tpu.enqueue_indirect_dma source(%dma_start3A_98 : memref<10000x128xf32, #tpu.memory_space<hbm>>) target(%arg10 : memref<80x128xf32, #tpu.memory_space<vmem>>) offsets(%arg8 : memref<80xi32, #tpu.memory_space<vmem>>) semaphore(%arg11 : memref<!tpu.dma_semaphore, #tpu.memory_space<semaphore_mem>>)
      %dma_wait3A = arith.constant 0 : i32
      %dma_wait3A_99 = arith.constant 0 : i32
      %dma_wait3A_100 = tpu.memref_slice %arg2[%dma_wait3A, %dma_wait3A_99] : memref<10000x128xf32, #tpu.memory_space<hbm>> -> memref<10000x128xf32, #tpu.memory_space<hbm>>
      tpu.wait_indirect_dma semaphore(%arg11 : memref<!tpu.dma_semaphore, #tpu.memory_space<semaphore_mem>>) src(%dma_wait3A_100 : memref<10000x128xf32, #tpu.memory_space<hbm>>) dst(%arg10 : memref<80x128xf32, #tpu.memory_space<vmem>>)
      "tpu.region"() ({
        %run_scoped3A = tpu.sem_alloc : memref<!tpu.dma_semaphore, #tpu.memory_space<semaphore_mem>>
        %dma_start3A_102 = arith.constant 0 : i32
        %dma_start3A_103 = arith.constant 0 : i32
        %dma_start3A_104 = tpu.memref_slice %arg6[%dma_start3A_102, %dma_start3A_103] : memref<10000x128xf32, #tpu.memory_space<vmem_shared>> -> memref<10000x128xf32, #tpu.memory_space<vmem_shared>>
        tpu.enqueue_indirect_dma source(%arg10 : memref<80x128xf32, #tpu.memory_space<vmem>>) target(%dma_start3A_104 : memref<10000x128xf32, #tpu.memory_space<vmem_shared>>) offsets(%arg9 : memref<80xi32, #tpu.memory_space<vmem>>) semaphore(%run_scoped3A : memref<!tpu.dma_semaphore, #tpu.memory_space<semaphore_mem>>) {add = true}
        %dma_wait3A_105 = arith.constant 0 : i32
        %dma_wait3A_106 = arith.constant 0 : i32
        %dma_wait3A_107 = tpu.memref_slice %arg6[%dma_wait3A_105, %dma_wait3A_106] : memref<10000x128xf32, #tpu.memory_space<vmem_shared>> -> memref<10000x128xf32, #tpu.memory_space<vmem_shared>>
        tpu.wait_indirect_dma semaphore(%run_scoped3A : memref<!tpu.dma_semaphore, #tpu.memory_space<semaphore_mem>>) src(%arg10 : memref<80x128xf32, #tpu.memory_space<vmem>>) dst(%dma_wait3A_107 : memref<10000x128xf32, #tpu.memory_space<vmem_shared>>)
        tpu.yield
      }) : () -> ()
      %scan3A_101 = arith.constant 0 : i32
      scf.yield %scan3A_101 : i32
    }
    %scan3A_78 = arith.constant 125 : i32
    %barrier3A_79 = arith.constant 0 : index
    tpu.barrier barrier_id(%barrier3A_79)
    %while3A_80 = arith.constant 0 : i32
    %while3A_81 = arith.constant 0 : i32
    %while3A_82 = arith.subi %select_n3A, %while3A_80 : i32
    %while3A_83 = arith.addi %while3A_80, %while3A_82 : i32
    %while3A_84 = arith.constant 1 : i32
    %while3A_85 = arith.divsi %while3A_82, %while3A_84 : i32
    %while3A_86 = arith.muli %while3A_85, %while3A_84 : i32
    %while3A_87 = arith.addi %while3A_80, %while3A_86 : i32
    %while3A_88 = arith.constant 1 : i32
    %while3A_89 = scf.for %while3A_92 = %while3A_80 to %while3A_87 step %while3A_88 iter_args(%while3A_93 = %while3A_81) -> (i32)  : i32 {
      %mul3A_94 = arith.constant 16 : i32
      %mul3A_95 = arith.muli %mul3A_94, %while3A_92 : i32
      %add3A_96 = arith.addi %arg1, %mul3A_95 : i32
      %mul3A_97 = arith.constant 80 : i32
      %mul3A_98 = arith.muli %add3A_96, %mul3A_97 : i32
      %mul3A_99 = arith.constant 10000 : i32
      %mul3A_100 = arith.muli %arg0, %mul3A_99 : i32
      %add3A_101 = arith.addi %mul3A_100, %mul3A_98 : i32
      "tpu.region"() ({
        %run_scoped3A = tpu.sem_alloc : memref<!tpu.dma_semaphore, #tpu.memory_space<semaphore_mem>>
        %dma_start3A = arith.constant 0 : i32
        %dma_start3A_103 = tpu.memref_slice %arg5[%add3A_101, %dma_start3A] : memref<20000x128xf32, #tpu.memory_space<hbm>> -> memref<80x128xf32, #tpu.memory_space<hbm>>
        %dma_start3A_104 = arith.constant 0 : i32
        %dma_start3A_105 = tpu.memref_slice %arg6[%mul3A_98, %dma_start3A_104] : memref<10000x128xf32, #tpu.memory_space<vmem_shared>> -> memref<80x128xf32, #tpu.memory_space<vmem_shared>>
        tpu.enqueue_dma source(%dma_start3A_105 : memref<80x128xf32, #tpu.memory_space<vmem_shared>>) target(%dma_start3A_103 : memref<80x128xf32, #tpu.memory_space<hbm>>) target_semaphore(%run_scoped3A : memref<!tpu.dma_semaphore, #tpu.memory_space<semaphore_mem>>)
        %dma_wait3A = arith.constant 0 : i32
        %dma_wait3A_106 = tpu.memref_slice %arg5[%add3A_101, %dma_wait3A] : memref<20000x128xf32, #tpu.memory_space<hbm>> -> memref<80x128xf32, #tpu.memory_space<hbm>>
        %dma_wait3A_107 = arith.constant 0 : i32
        %dma_wait3A_108 = tpu.memref_slice %arg6[%mul3A_98, %dma_wait3A_107] : memref<10000x128xf32, #tpu.memory_space<vmem_shared>> -> memref<80x128xf32, #tpu.memory_space<vmem_shared>>
        tpu.wait_dma2 semaphore(%run_scoped3A : memref<!tpu.dma_semaphore, #tpu.memory_space<semaphore_mem>>) src(%dma_wait3A_108 : memref<80x128xf32, #tpu.memory_space<vmem_shared>>) dst(%dma_wait3A_106 : memref<80x128xf32, #tpu.memory_space<hbm>>)
        tpu.yield
      }) : () -> ()
      %while3A_102 = arith.constant 0 : i32
      scf.yield %while3A_102 : i32
    }
    %while3A_90 = arith.constant 1 : i32
    %while3A_91 = scf.for %while3A_92 = %while3A_87 to %while3A_83 step %while3A_90 iter_args(%while3A_93 = %while3A_89) -> (i32)  : i32 {
      %mul3A_94 = arith.constant 16 : i32
      %mul3A_95 = arith.muli %mul3A_94, %while3A_92 : i32
      %add3A_96 = arith.addi %arg1, %mul3A_95 : i32
      %mul3A_97 = arith.constant 80 : i32
      %mul3A_98 = arith.muli %add3A_96, %mul3A_97 : i32
      %mul3A_99 = arith.constant 10000 : i32
      %mul3A_100 = arith.muli %arg0, %mul3A_99 : i32
      %add3A_101 = arith.addi %mul3A_100, %mul3A_98 : i32
      "tpu.region"() ({
        %run_scoped3A = tpu.sem_alloc : memref<!tpu.dma_semaphore, #tpu.memory_space<semaphore_mem>>
        %dma_start3A = arith.constant 0 : i32
        %dma_start3A_103 = tpu.memref_slice %arg5[%add3A_101, %dma_start3A] : memref<20000x128xf32, #tpu.memory_space<hbm>> -> memref<80x128xf32, #tpu.memory_space<hbm>>
        %dma_start3A_104 = arith.constant 0 : i32
        %dma_start3A_105 = tpu.memref_slice %arg6[%mul3A_98, %dma_start3A_104] : memref<10000x128xf32, #tpu.memory_space<vmem_shared>> -> memref<80x128xf32, #tpu.memory_space<vmem_shared>>
        tpu.enqueue_dma source(%dma_start3A_105 : memref<80x128xf32, #tpu.memory_space<vmem_shared>>) target(%dma_start3A_103 : memref<80x128xf32, #tpu.memory_space<hbm>>) target_semaphore(%run_scoped3A : memref<!tpu.dma_semaphore, #tpu.memory_space<semaphore_mem>>)
        %dma_wait3A = arith.constant 0 : i32
        %dma_wait3A_106 = tpu.memref_slice %arg5[%add3A_101, %dma_wait3A] : memref<20000x128xf32, #tpu.memory_space<hbm>> -> memref<80x128xf32, #tpu.memory_space<hbm>>
        %dma_wait3A_107 = arith.constant 0 : i32
        %dma_wait3A_108 = tpu.memref_slice %arg6[%mul3A_98, %dma_wait3A_107] : memref<10000x128xf32, #tpu.memory_space<vmem_shared>> -> memref<80x128xf32, #tpu.memory_space<vmem_shared>>
        tpu.wait_dma2 semaphore(%run_scoped3A : memref<!tpu.dma_semaphore, #tpu.memory_space<semaphore_mem>>) src(%dma_wait3A_108 : memref<80x128xf32, #tpu.memory_space<vmem_shared>>) dst(%dma_wait3A_106 : memref<80x128xf32, #tpu.memory_space<hbm>>)
        tpu.yield
      }) : () -> ()
      %while3A_102 = arith.constant 0 : i32
      scf.yield %while3A_102 : i32
    }
    return
  }
}

#map = affine_map<(d0, d1) -> (0, 0)>
#map1 = affine_map<(d0, d1) -> (0)>
module attributes {stable_mosaic.version = 14 : i64} {
  func.func @_emb_gather(%arg0: i32, %arg1: i32, %arg2: memref<50000x128xf32, #tpu.memory_space<hbm>>, %arg3: memref<10240xi32, #tpu.memory_space<hbm>>, %arg4: memref<10240x128xf32, #tpu.memory_space<hbm>>, %arg5: memref<80xi32, #tpu.memory_space<vmem>>, %arg6: memref<80x128xf32, #tpu.memory_space<vmem>>, %arg7: memref<!tpu.dma_semaphore, #tpu.memory_space<semaphore_mem>>) attributes {dimension_semantics = [#tpu.dimension_semantics<core_parallel>, #tpu.dimension_semantics<subcore_parallel>], iteration_bounds = array<i64: 2, 16>, scalar_prefetch = 0 : i64, scratch_operands = 3 : i64, tpu.core_type = #tpu.core_type<sc_vector_subcore>, window_params = [{transform_indices = #map}, {transform_indices = #map1}, {transform_indices = #map}]} {
    %mul3A = arith.constant 16 : i32
    %mul3A_0 = arith.muli %arg0, %mul3A : i32
    %add3A = arith.addi %mul3A_0, %arg1 : i32
    %mul3A_1 = arith.constant 320 : i32
    %mul3A_2 = arith.muli %add3A, %mul3A_1 : i32
    %add3A_3 = arith.constant 0 : i32
    %add3A_4 = arith.addi %mul3A_2, %add3A_3 : i32
    "tpu.region"() ({
      %run_scoped3A = tpu.sem_alloc : memref<!tpu.dma_semaphore, #tpu.memory_space<semaphore_mem>>
      %dma_start3A_33 = tpu.memref_slice %arg3[%add3A_4] : memref<10240xi32, #tpu.memory_space<hbm>> -> memref<80xi32, #tpu.memory_space<hbm>>
      %dma_start3A_34 = tpu.memref_slice %arg3[%add3A_4] : memref<10240xi32, #tpu.memory_space<hbm>> -> memref<80xi32, #tpu.memory_space<hbm>>
      tpu.enqueue_dma source(%dma_start3A_34 : memref<80xi32, #tpu.memory_space<hbm>>) target(%arg5 : memref<80xi32, #tpu.memory_space<vmem>>) target_semaphore(%run_scoped3A : memref<!tpu.dma_semaphore, #tpu.memory_space<semaphore_mem>>)
      %dma_wait3A_35 = tpu.memref_slice %arg3[%add3A_4] : memref<10240xi32, #tpu.memory_space<hbm>> -> memref<80xi32, #tpu.memory_space<hbm>>
      %dma_wait3A_36 = tpu.memref_slice %arg3[%add3A_4] : memref<10240xi32, #tpu.memory_space<hbm>> -> memref<80xi32, #tpu.memory_space<hbm>>
      tpu.wait_dma2 semaphore(%run_scoped3A : memref<!tpu.dma_semaphore, #tpu.memory_space<semaphore_mem>>) src(%dma_wait3A_36 : memref<80xi32, #tpu.memory_space<hbm>>) dst(%arg5 : memref<80xi32, #tpu.memory_space<vmem>>)
      tpu.yield
    }) : () -> ()
    %dma_start3A = arith.constant 0 : i32
    %dma_start3A_5 = arith.constant 0 : i32
    %dma_start3A_6 = tpu.memref_slice %arg2[%dma_start3A, %dma_start3A_5] : memref<50000x128xf32, #tpu.memory_space<hbm>> -> memref<50000x128xf32, #tpu.memory_space<hbm>>
    tpu.enqueue_indirect_dma source(%dma_start3A_6 : memref<50000x128xf32, #tpu.memory_space<hbm>>) target(%arg6 : memref<80x128xf32, #tpu.memory_space<vmem>>) offsets(%arg5 : memref<80xi32, #tpu.memory_space<vmem>>) semaphore(%arg7 : memref<!tpu.dma_semaphore, #tpu.memory_space<semaphore_mem>>)
    %dma_wait3A = arith.constant 0 : i32
    %dma_wait3A_7 = arith.constant 0 : i32
    %dma_wait3A_8 = tpu.memref_slice %arg2[%dma_wait3A, %dma_wait3A_7] : memref<50000x128xf32, #tpu.memory_space<hbm>> -> memref<50000x128xf32, #tpu.memory_space<hbm>>
    tpu.wait_indirect_dma semaphore(%arg7 : memref<!tpu.dma_semaphore, #tpu.memory_space<semaphore_mem>>) src(%dma_wait3A_8 : memref<50000x128xf32, #tpu.memory_space<hbm>>) dst(%arg6 : memref<80x128xf32, #tpu.memory_space<vmem>>)
    "tpu.region"() ({
      %run_scoped3A = tpu.sem_alloc : memref<!tpu.dma_semaphore, #tpu.memory_space<semaphore_mem>>
      %dma_start3A_33 = arith.constant 0 : i32
      %dma_start3A_34 = tpu.memref_slice %arg4[%add3A_4, %dma_start3A_33] : memref<10240x128xf32, #tpu.memory_space<hbm>> -> memref<80x128xf32, #tpu.memory_space<hbm>>
      %dma_start3A_35 = arith.constant 0 : i32
      %dma_start3A_36 = tpu.memref_slice %arg4[%add3A_4, %dma_start3A_35] : memref<10240x128xf32, #tpu.memory_space<hbm>> -> memref<80x128xf32, #tpu.memory_space<hbm>>
      tpu.enqueue_dma source(%arg6 : memref<80x128xf32, #tpu.memory_space<vmem>>) target(%dma_start3A_36 : memref<80x128xf32, #tpu.memory_space<hbm>>) target_semaphore(%run_scoped3A : memref<!tpu.dma_semaphore, #tpu.memory_space<semaphore_mem>>)
      %dma_wait3A_37 = arith.constant 0 : i32
      %dma_wait3A_38 = tpu.memref_slice %arg4[%add3A_4, %dma_wait3A_37] : memref<10240x128xf32, #tpu.memory_space<hbm>> -> memref<80x128xf32, #tpu.memory_space<hbm>>
      %dma_wait3A_39 = arith.constant 0 : i32
      %dma_wait3A_40 = tpu.memref_slice %arg4[%add3A_4, %dma_wait3A_39] : memref<10240x128xf32, #tpu.memory_space<hbm>> -> memref<80x128xf32, #tpu.memory_space<hbm>>
      tpu.wait_dma2 semaphore(%run_scoped3A : memref<!tpu.dma_semaphore, #tpu.memory_space<semaphore_mem>>) src(%arg6 : memref<80x128xf32, #tpu.memory_space<vmem>>) dst(%dma_wait3A_40 : memref<80x128xf32, #tpu.memory_space<hbm>>)
      tpu.yield
    }) : () -> ()
    %add3A_9 = arith.constant 80 : i32
    %add3A_10 = arith.addi %mul3A_2, %add3A_9 : i32
    "tpu.region"() ({
      %run_scoped3A = tpu.sem_alloc : memref<!tpu.dma_semaphore, #tpu.memory_space<semaphore_mem>>
      %dma_start3A_33 = tpu.memref_slice %arg3[%add3A_10] : memref<10240xi32, #tpu.memory_space<hbm>> -> memref<80xi32, #tpu.memory_space<hbm>>
      %dma_start3A_34 = tpu.memref_slice %arg3[%add3A_10] : memref<10240xi32, #tpu.memory_space<hbm>> -> memref<80xi32, #tpu.memory_space<hbm>>
      tpu.enqueue_dma source(%dma_start3A_34 : memref<80xi32, #tpu.memory_space<hbm>>) target(%arg5 : memref<80xi32, #tpu.memory_space<vmem>>) target_semaphore(%run_scoped3A : memref<!tpu.dma_semaphore, #tpu.memory_space<semaphore_mem>>)
      %dma_wait3A_35 = tpu.memref_slice %arg3[%add3A_10] : memref<10240xi32, #tpu.memory_space<hbm>> -> memref<80xi32, #tpu.memory_space<hbm>>
      %dma_wait3A_36 = tpu.memref_slice %arg3[%add3A_10] : memref<10240xi32, #tpu.memory_space<hbm>> -> memref<80xi32, #tpu.memory_space<hbm>>
      tpu.wait_dma2 semaphore(%run_scoped3A : memref<!tpu.dma_semaphore, #tpu.memory_space<semaphore_mem>>) src(%dma_wait3A_36 : memref<80xi32, #tpu.memory_space<hbm>>) dst(%arg5 : memref<80xi32, #tpu.memory_space<vmem>>)
      tpu.yield
    }) : () -> ()
    %dma_start3A_11 = arith.constant 0 : i32
    %dma_start3A_12 = arith.constant 0 : i32
    %dma_start3A_13 = tpu.memref_slice %arg2[%dma_start3A_11, %dma_start3A_12] : memref<50000x128xf32, #tpu.memory_space<hbm>> -> memref<50000x128xf32, #tpu.memory_space<hbm>>
    tpu.enqueue_indirect_dma source(%dma_start3A_13 : memref<50000x128xf32, #tpu.memory_space<hbm>>) target(%arg6 : memref<80x128xf32, #tpu.memory_space<vmem>>) offsets(%arg5 : memref<80xi32, #tpu.memory_space<vmem>>) semaphore(%arg7 : memref<!tpu.dma_semaphore, #tpu.memory_space<semaphore_mem>>)
    %dma_wait3A_14 = arith.constant 0 : i32
    %dma_wait3A_15 = arith.constant 0 : i32
    %dma_wait3A_16 = tpu.memref_slice %arg2[%dma_wait3A_14, %dma_wait3A_15] : memref<50000x128xf32, #tpu.memory_space<hbm>> -> memref<50000x128xf32, #tpu.memory_space<hbm>>
    tpu.wait_indirect_dma semaphore(%arg7 : memref<!tpu.dma_semaphore, #tpu.memory_space<semaphore_mem>>) src(%dma_wait3A_16 : memref<50000x128xf32, #tpu.memory_space<hbm>>) dst(%arg6 : memref<80x128xf32, #tpu.memory_space<vmem>>)
    "tpu.region"() ({
      %run_scoped3A = tpu.sem_alloc : memref<!tpu.dma_semaphore, #tpu.memory_space<semaphore_mem>>
      %dma_start3A_33 = arith.constant 0 : i32
      %dma_start3A_34 = tpu.memref_slice %arg4[%add3A_10, %dma_start3A_33] : memref<10240x128xf32, #tpu.memory_space<hbm>> -> memref<80x128xf32, #tpu.memory_space<hbm>>
      %dma_start3A_35 = arith.constant 0 : i32
      %dma_start3A_36 = tpu.memref_slice %arg4[%add3A_10, %dma_start3A_35] : memref<10240x128xf32, #tpu.memory_space<hbm>> -> memref<80x128xf32, #tpu.memory_space<hbm>>
      tpu.enqueue_dma source(%arg6 : memref<80x128xf32, #tpu.memory_space<vmem>>) target(%dma_start3A_36 : memref<80x128xf32, #tpu.memory_space<hbm>>) target_semaphore(%run_scoped3A : memref<!tpu.dma_semaphore, #tpu.memory_space<semaphore_mem>>)
      %dma_wait3A_37 = arith.constant 0 : i32
      %dma_wait3A_38 = tpu.memref_slice %arg4[%add3A_10, %dma_wait3A_37] : memref<10240x128xf32, #tpu.memory_space<hbm>> -> memref<80x128xf32, #tpu.memory_space<hbm>>
      %dma_wait3A_39 = arith.constant 0 : i32
      %dma_wait3A_40 = tpu.memref_slice %arg4[%add3A_10, %dma_wait3A_39] : memref<10240x128xf32, #tpu.memory_space<hbm>> -> memref<80x128xf32, #tpu.memory_space<hbm>>
      tpu.wait_dma2 semaphore(%run_scoped3A : memref<!tpu.dma_semaphore, #tpu.memory_space<semaphore_mem>>) src(%arg6 : memref<80x128xf32, #tpu.memory_space<vmem>>) dst(%dma_wait3A_40 : memref<80x128xf32, #tpu.memory_space<hbm>>)
      tpu.yield
    }) : () -> ()
    %add3A_17 = arith.constant 160 : i32
    %add3A_18 = arith.addi %mul3A_2, %add3A_17 : i32
    "tpu.region"() ({
      %run_scoped3A = tpu.sem_alloc : memref<!tpu.dma_semaphore, #tpu.memory_space<semaphore_mem>>
      %dma_start3A_33 = tpu.memref_slice %arg3[%add3A_18] : memref<10240xi32, #tpu.memory_space<hbm>> -> memref<80xi32, #tpu.memory_space<hbm>>
      %dma_start3A_34 = tpu.memref_slice %arg3[%add3A_18] : memref<10240xi32, #tpu.memory_space<hbm>> -> memref<80xi32, #tpu.memory_space<hbm>>
      tpu.enqueue_dma source(%dma_start3A_34 : memref<80xi32, #tpu.memory_space<hbm>>) target(%arg5 : memref<80xi32, #tpu.memory_space<vmem>>) target_semaphore(%run_scoped3A : memref<!tpu.dma_semaphore, #tpu.memory_space<semaphore_mem>>)
      %dma_wait3A_35 = tpu.memref_slice %arg3[%add3A_18] : memref<10240xi32, #tpu.memory_space<hbm>> -> memref<80xi32, #tpu.memory_space<hbm>>
      %dma_wait3A_36 = tpu.memref_slice %arg3[%add3A_18] : memref<10240xi32, #tpu.memory_space<hbm>> -> memref<80xi32, #tpu.memory_space<hbm>>
      tpu.wait_dma2 semaphore(%run_scoped3A : memref<!tpu.dma_semaphore, #tpu.memory_space<semaphore_mem>>) src(%dma_wait3A_36 : memref<80xi32, #tpu.memory_space<hbm>>) dst(%arg5 : memref<80xi32, #tpu.memory_space<vmem>>)
      tpu.yield
    }) : () -> ()
    %dma_start3A_19 = arith.constant 0 : i32
    %dma_start3A_20 = arith.constant 0 : i32
    %dma_start3A_21 = tpu.memref_slice %arg2[%dma_start3A_19, %dma_start3A_20] : memref<50000x128xf32, #tpu.memory_space<hbm>> -> memref<50000x128xf32, #tpu.memory_space<hbm>>
    tpu.enqueue_indirect_dma source(%dma_start3A_21 : memref<50000x128xf32, #tpu.memory_space<hbm>>) target(%arg6 : memref<80x128xf32, #tpu.memory_space<vmem>>) offsets(%arg5 : memref<80xi32, #tpu.memory_space<vmem>>) semaphore(%arg7 : memref<!tpu.dma_semaphore, #tpu.memory_space<semaphore_mem>>)
    %dma_wait3A_22 = arith.constant 0 : i32
    %dma_wait3A_23 = arith.constant 0 : i32
    %dma_wait3A_24 = tpu.memref_slice %arg2[%dma_wait3A_22, %dma_wait3A_23] : memref<50000x128xf32, #tpu.memory_space<hbm>> -> memref<50000x128xf32, #tpu.memory_space<hbm>>
    tpu.wait_indirect_dma semaphore(%arg7 : memref<!tpu.dma_semaphore, #tpu.memory_space<semaphore_mem>>) src(%dma_wait3A_24 : memref<50000x128xf32, #tpu.memory_space<hbm>>) dst(%arg6 : memref<80x128xf32, #tpu.memory_space<vmem>>)
    "tpu.region"() ({
      %run_scoped3A = tpu.sem_alloc : memref<!tpu.dma_semaphore, #tpu.memory_space<semaphore_mem>>
      %dma_start3A_33 = arith.constant 0 : i32
      %dma_start3A_34 = tpu.memref_slice %arg4[%add3A_18, %dma_start3A_33] : memref<10240x128xf32, #tpu.memory_space<hbm>> -> memref<80x128xf32, #tpu.memory_space<hbm>>
      %dma_start3A_35 = arith.constant 0 : i32
      %dma_start3A_36 = tpu.memref_slice %arg4[%add3A_18, %dma_start3A_35] : memref<10240x128xf32, #tpu.memory_space<hbm>> -> memref<80x128xf32, #tpu.memory_space<hbm>>
      tpu.enqueue_dma source(%arg6 : memref<80x128xf32, #tpu.memory_space<vmem>>) target(%dma_start3A_36 : memref<80x128xf32, #tpu.memory_space<hbm>>) target_semaphore(%run_scoped3A : memref<!tpu.dma_semaphore, #tpu.memory_space<semaphore_mem>>)
      %dma_wait3A_37 = arith.constant 0 : i32
      %dma_wait3A_38 = tpu.memref_slice %arg4[%add3A_18, %dma_wait3A_37] : memref<10240x128xf32, #tpu.memory_space<hbm>> -> memref<80x128xf32, #tpu.memory_space<hbm>>
      %dma_wait3A_39 = arith.constant 0 : i32
      %dma_wait3A_40 = tpu.memref_slice %arg4[%add3A_18, %dma_wait3A_39] : memref<10240x128xf32, #tpu.memory_space<hbm>> -> memref<80x128xf32, #tpu.memory_space<hbm>>
      tpu.wait_dma2 semaphore(%run_scoped3A : memref<!tpu.dma_semaphore, #tpu.memory_space<semaphore_mem>>) src(%arg6 : memref<80x128xf32, #tpu.memory_space<vmem>>) dst(%dma_wait3A_40 : memref<80x128xf32, #tpu.memory_space<hbm>>)
      tpu.yield
    }) : () -> ()
    %add3A_25 = arith.constant 240 : i32
    %add3A_26 = arith.addi %mul3A_2, %add3A_25 : i32
    "tpu.region"() ({
      %run_scoped3A = tpu.sem_alloc : memref<!tpu.dma_semaphore, #tpu.memory_space<semaphore_mem>>
      %dma_start3A_33 = tpu.memref_slice %arg3[%add3A_26] : memref<10240xi32, #tpu.memory_space<hbm>> -> memref<80xi32, #tpu.memory_space<hbm>>
      %dma_start3A_34 = tpu.memref_slice %arg3[%add3A_26] : memref<10240xi32, #tpu.memory_space<hbm>> -> memref<80xi32, #tpu.memory_space<hbm>>
      tpu.enqueue_dma source(%dma_start3A_34 : memref<80xi32, #tpu.memory_space<hbm>>) target(%arg5 : memref<80xi32, #tpu.memory_space<vmem>>) target_semaphore(%run_scoped3A : memref<!tpu.dma_semaphore, #tpu.memory_space<semaphore_mem>>)
      %dma_wait3A_35 = tpu.memref_slice %arg3[%add3A_26] : memref<10240xi32, #tpu.memory_space<hbm>> -> memref<80xi32, #tpu.memory_space<hbm>>
      %dma_wait3A_36 = tpu.memref_slice %arg3[%add3A_26] : memref<10240xi32, #tpu.memory_space<hbm>> -> memref<80xi32, #tpu.memory_space<hbm>>
      tpu.wait_dma2 semaphore(%run_scoped3A : memref<!tpu.dma_semaphore, #tpu.memory_space<semaphore_mem>>) src(%dma_wait3A_36 : memref<80xi32, #tpu.memory_space<hbm>>) dst(%arg5 : memref<80xi32, #tpu.memory_space<vmem>>)
      tpu.yield
    }) : () -> ()
    %dma_start3A_27 = arith.constant 0 : i32
    %dma_start3A_28 = arith.constant 0 : i32
    %dma_start3A_29 = tpu.memref_slice %arg2[%dma_start3A_27, %dma_start3A_28] : memref<50000x128xf32, #tpu.memory_space<hbm>> -> memref<50000x128xf32, #tpu.memory_space<hbm>>
    tpu.enqueue_indirect_dma source(%dma_start3A_29 : memref<50000x128xf32, #tpu.memory_space<hbm>>) target(%arg6 : memref<80x128xf32, #tpu.memory_space<vmem>>) offsets(%arg5 : memref<80xi32, #tpu.memory_space<vmem>>) semaphore(%arg7 : memref<!tpu.dma_semaphore, #tpu.memory_space<semaphore_mem>>)
    %dma_wait3A_30 = arith.constant 0 : i32
    %dma_wait3A_31 = arith.constant 0 : i32
    %dma_wait3A_32 = tpu.memref_slice %arg2[%dma_wait3A_30, %dma_wait3A_31] : memref<50000x128xf32, #tpu.memory_space<hbm>> -> memref<50000x128xf32, #tpu.memory_space<hbm>>
    tpu.wait_indirect_dma semaphore(%arg7 : memref<!tpu.dma_semaphore, #tpu.memory_space<semaphore_mem>>) src(%dma_wait3A_32 : memref<50000x128xf32, #tpu.memory_space<hbm>>) dst(%arg6 : memref<80x128xf32, #tpu.memory_space<vmem>>)
    "tpu.region"() ({
      %run_scoped3A = tpu.sem_alloc : memref<!tpu.dma_semaphore, #tpu.memory_space<semaphore_mem>>
      %dma_start3A_33 = arith.constant 0 : i32
      %dma_start3A_34 = tpu.memref_slice %arg4[%add3A_26, %dma_start3A_33] : memref<10240x128xf32, #tpu.memory_space<hbm>> -> memref<80x128xf32, #tpu.memory_space<hbm>>
      %dma_start3A_35 = arith.constant 0 : i32
      %dma_start3A_36 = tpu.memref_slice %arg4[%add3A_26, %dma_start3A_35] : memref<10240x128xf32, #tpu.memory_space<hbm>> -> memref<80x128xf32, #tpu.memory_space<hbm>>
      tpu.enqueue_dma source(%arg6 : memref<80x128xf32, #tpu.memory_space<vmem>>) target(%dma_start3A_36 : memref<80x128xf32, #tpu.memory_space<hbm>>) target_semaphore(%run_scoped3A : memref<!tpu.dma_semaphore, #tpu.memory_space<semaphore_mem>>)
      %dma_wait3A_37 = arith.constant 0 : i32
      %dma_wait3A_38 = tpu.memref_slice %arg4[%add3A_26, %dma_wait3A_37] : memref<10240x128xf32, #tpu.memory_space<hbm>> -> memref<80x128xf32, #tpu.memory_space<hbm>>
      %dma_wait3A_39 = arith.constant 0 : i32
      %dma_wait3A_40 = tpu.memref_slice %arg4[%add3A_26, %dma_wait3A_39] : memref<10240x128xf32, #tpu.memory_space<hbm>> -> memref<80x128xf32, #tpu.memory_space<hbm>>
      tpu.wait_dma2 semaphore(%run_scoped3A : memref<!tpu.dma_semaphore, #tpu.memory_space<semaphore_mem>>) src(%arg6 : memref<80x128xf32, #tpu.memory_space<vmem>>) dst(%dma_wait3A_40 : memref<80x128xf32, #tpu.memory_space<hbm>>)
      tpu.yield
    }) : () -> ()
    return
  }
}

#map = affine_map<(d0, d1) -> (0, 0)>
#map1 = affine_map<(d0, d1) -> (0)>
module attributes {stable_mosaic.version = 14 : i64} {
  func.func @_edge_aggr(%arg0: i32, %arg1: i32, %arg2: memref<10000x128xf32, #tpu.memory_space<hbm>>, %arg3: memref<320000xi32, #tpu.memory_space<hbm>>, %arg4: memref<320000xi32, #tpu.memory_space<hbm>>, %arg5: memref<20000x128xf32, #tpu.memory_space<hbm>>, %arg6: memref<10000x128xf32, #tpu.memory_space<vmem_shared>>, %arg7: memref<80x128xf32, #tpu.memory_space<vmem>>, %arg8: memref<80xi32, #tpu.memory_space<vmem>>, %arg9: memref<80xi32, #tpu.memory_space<vmem>>, %arg10: memref<80x128xf32, #tpu.memory_space<vmem>>, %arg11: memref<!tpu.dma_semaphore, #tpu.memory_space<semaphore_mem>>) attributes {dimension_semantics = [#tpu.dimension_semantics<core_parallel>, #tpu.dimension_semantics<subcore_parallel>], iteration_bounds = array<i64: 2, 16>, scalar_prefetch = 0 : i64, scratch_operands = 6 : i64, tpu.core_type = #tpu.core_type<sc_vector_subcore>, window_params = [{transform_indices = #map}, {transform_indices = #map1}, {transform_indices = #map1}, {transform_indices = #map}]} {
    %mul3A = arith.constant 16 : i32
    %mul3A_0 = arith.muli %arg0, %mul3A : i32
    %add3A = arith.addi %mul3A_0, %arg1 : i32
    %broadcast_in_dim3A = arith.constant 0.000000e+00 : f32
    %broadcast_in_dim3A_1 = vector.broadcast %broadcast_in_dim3A : f32 to vector<16xf32>
    %scan3A = arith.constant 0 : i32
    %scan3A_2 = arith.constant 0 : i32
    %scan3A_3 = arith.constant 80 : i32
    %scan3A_4 = arith.addi %scan3A_2, %scan3A_3 : i32
    %scan3A_5 = arith.constant 1 : i32
    %scan3A_6 = scf.for %scan3A_92 = %scan3A_2 to %scan3A_4 step %scan3A_5 iter_args(%scan3A_93 = %scan3A) -> (i32)  : i32 {
      %swap3A = arith.index_cast %scan3A_92 : i32 to index
      %swap3A_94 = arith.constant 0 : index
      %swap3A_95 = tpu.vector_load %arg7[%swap3A, %swap3A_94] {strides = array<i32>} : memref<80x128xf32, #tpu.memory_space<vmem>>, vector<1x16xf32>,
      %swap3A_96 = vector.shape_cast %swap3A_95 : vector<1x16xf32> to vector<16xf32>
      %swap3A_97 = vector.shape_cast %broadcast_in_dim3A_1 : vector<16xf32> to vector<1x16xf32>
      tpu.vector_store %arg7[%swap3A, %swap3A_94], %swap3A_97 {strides = array<i32>} : memref<80x128xf32, #tpu.memory_space<vmem>>, vector<1x16xf32>,
      %scan3A_98 = arith.constant 0 : i32
      scf.yield %scan3A_98 : i32
    }
    %scan3A_7 = arith.constant 80 : i32
    %scan3A_8 = arith.constant 0 : i32
    %scan3A_9 = arith.constant 0 : i32
    %scan3A_10 = arith.constant 80 : i32
    %scan3A_11 = arith.addi %scan3A_9, %scan3A_10 : i32
    %scan3A_12 = arith.constant 1 : i32
    %scan3A_13 = scf.for %scan3A_92 = %scan3A_9 to %scan3A_11 step %scan3A_12 iter_args(%scan3A_93 = %scan3A_8) -> (i32)  : i32 {
      %swap3A = arith.index_cast %scan3A_92 : i32 to index
      %swap3A_94 = arith.constant 16 : index
      %swap3A_95 = tpu.vector_load %arg7[%swap3A, %swap3A_94] {strides = array<i32>} : memref<80x128xf32, #tpu.memory_space<vmem>>, vector<1x16xf32>,
      %swap3A_96 = vector.shape_cast %swap3A_95 : vector<1x16xf32> to vector<16xf32>
      %swap3A_97 = vector.shape_cast %broadcast_in_dim3A_1 : vector<16xf32> to vector<1x16xf32>
      tpu.vector_store %arg7[%swap3A, %swap3A_94], %swap3A_97 {strides = array<i32>} : memref<80x128xf32, #tpu.memory_space<vmem>>, vector<1x16xf32>,
      %scan3A_98 = arith.constant 0 : i32
      scf.yield %scan3A_98 : i32
    }
    %scan3A_14 = arith.constant 80 : i32
    %scan3A_15 = arith.constant 0 : i32
    %scan3A_16 = arith.constant 0 : i32
    %scan3A_17 = arith.constant 80 : i32
    %scan3A_18 = arith.addi %scan3A_16, %scan3A_17 : i32
    %scan3A_19 = arith.constant 1 : i32
    %scan3A_20 = scf.for %scan3A_92 = %scan3A_16 to %scan3A_18 step %scan3A_19 iter_args(%scan3A_93 = %scan3A_15) -> (i32)  : i32 {
      %swap3A = arith.index_cast %scan3A_92 : i32 to index
      %swap3A_94 = arith.constant 32 : index
      %swap3A_95 = tpu.vector_load %arg7[%swap3A, %swap3A_94] {strides = array<i32>} : memref<80x128xf32, #tpu.memory_space<vmem>>, vector<1x16xf32>,
      %swap3A_96 = vector.shape_cast %swap3A_95 : vector<1x16xf32> to vector<16xf32>
      %swap3A_97 = vector.shape_cast %broadcast_in_dim3A_1 : vector<16xf32> to vector<1x16xf32>
      tpu.vector_store %arg7[%swap3A, %swap3A_94], %swap3A_97 {strides = array<i32>} : memref<80x128xf32, #tpu.memory_space<vmem>>, vector<1x16xf32>,
      %scan3A_98 = arith.constant 0 : i32
      scf.yield %scan3A_98 : i32
    }
    %scan3A_21 = arith.constant 80 : i32
    %scan3A_22 = arith.constant 0 : i32
    %scan3A_23 = arith.constant 0 : i32
    %scan3A_24 = arith.constant 80 : i32
    %scan3A_25 = arith.addi %scan3A_23, %scan3A_24 : i32
    %scan3A_26 = arith.constant 1 : i32
    %scan3A_27 = scf.for %scan3A_92 = %scan3A_23 to %scan3A_25 step %scan3A_26 iter_args(%scan3A_93 = %scan3A_22) -> (i32)  : i32 {
      %swap3A = arith.index_cast %scan3A_92 : i32 to index
      %swap3A_94 = arith.constant 48 : index
      %swap3A_95 = tpu.vector_load %arg7[%swap3A, %swap3A_94] {strides = array<i32>} : memref<80x128xf32, #tpu.memory_space<vmem>>, vector<1x16xf32>,
      %swap3A_96 = vector.shape_cast %swap3A_95 : vector<1x16xf32> to vector<16xf32>
      %swap3A_97 = vector.shape_cast %broadcast_in_dim3A_1 : vector<16xf32> to vector<1x16xf32>
      tpu.vector_store %arg7[%swap3A, %swap3A_94], %swap3A_97 {strides = array<i32>} : memref<80x128xf32, #tpu.memory_space<vmem>>, vector<1x16xf32>,
      %scan3A_98 = arith.constant 0 : i32
      scf.yield %scan3A_98 : i32
    }
    %scan3A_28 = arith.constant 80 : i32
    %scan3A_29 = arith.constant 0 : i32
    %scan3A_30 = arith.constant 0 : i32
    %scan3A_31 = arith.constant 80 : i32
    %scan3A_32 = arith.addi %scan3A_30, %scan3A_31 : i32
    %scan3A_33 = arith.constant 1 : i32
    %scan3A_34 = scf.for %scan3A_92 = %scan3A_30 to %scan3A_32 step %scan3A_33 iter_args(%scan3A_93 = %scan3A_29) -> (i32)  : i32 {
      %swap3A = arith.index_cast %scan3A_92 : i32 to index
      %swap3A_94 = arith.constant 64 : index
      %swap3A_95 = tpu.vector_load %arg7[%swap3A, %swap3A_94] {strides = array<i32>} : memref<80x128xf32, #tpu.memory_space<vmem>>, vector<1x16xf32>,
      %swap3A_96 = vector.shape_cast %swap3A_95 : vector<1x16xf32> to vector<16xf32>
      %swap3A_97 = vector.shape_cast %broadcast_in_dim3A_1 : vector<16xf32> to vector<1x16xf32>
      tpu.vector_store %arg7[%swap3A, %swap3A_94], %swap3A_97 {strides = array<i32>} : memref<80x128xf32, #tpu.memory_space<vmem>>, vector<1x16xf32>,
      %scan3A_98 = arith.constant 0 : i32
      scf.yield %scan3A_98 : i32
    }
    %scan3A_35 = arith.constant 80 : i32
    %scan3A_36 = arith.constant 0 : i32
    %scan3A_37 = arith.constant 0 : i32
    %scan3A_38 = arith.constant 80 : i32
    %scan3A_39 = arith.addi %scan3A_37, %scan3A_38 : i32
    %scan3A_40 = arith.constant 1 : i32
    %scan3A_41 = scf.for %scan3A_92 = %scan3A_37 to %scan3A_39 step %scan3A_40 iter_args(%scan3A_93 = %scan3A_36) -> (i32)  : i32 {
      %swap3A = arith.index_cast %scan3A_92 : i32 to index
      %swap3A_94 = arith.constant 80 : index
      %swap3A_95 = tpu.vector_load %arg7[%swap3A, %swap3A_94] {strides = array<i32>} : memref<80x128xf32, #tpu.memory_space<vmem>>, vector<1x16xf32>,
      %swap3A_96 = vector.shape_cast %swap3A_95 : vector<1x16xf32> to vector<16xf32>
      %swap3A_97 = vector.shape_cast %broadcast_in_dim3A_1 : vector<16xf32> to vector<1x16xf32>
      tpu.vector_store %arg7[%swap3A, %swap3A_94], %swap3A_97 {strides = array<i32>} : memref<80x128xf32, #tpu.memory_space<vmem>>, vector<1x16xf32>,
      %scan3A_98 = arith.constant 0 : i32
      scf.yield %scan3A_98 : i32
    }
    %scan3A_42 = arith.constant 80 : i32
    %scan3A_43 = arith.constant 0 : i32
    %scan3A_44 = arith.constant 0 : i32
    %scan3A_45 = arith.constant 80 : i32
    %scan3A_46 = arith.addi %scan3A_44, %scan3A_45 : i32
    %scan3A_47 = arith.constant 1 : i32
    %scan3A_48 = scf.for %scan3A_92 = %scan3A_44 to %scan3A_46 step %scan3A_47 iter_args(%scan3A_93 = %scan3A_43) -> (i32)  : i32 {
      %swap3A = arith.index_cast %scan3A_92 : i32 to index
      %swap3A_94 = arith.constant 96 : index
      %swap3A_95 = tpu.vector_load %arg7[%swap3A, %swap3A_94] {strides = array<i32>} : memref<80x128xf32, #tpu.memory_space<vmem>>, vector<1x16xf32>,
      %swap3A_96 = vector.shape_cast %swap3A_95 : vector<1x16xf32> to vector<16xf32>
      %swap3A_97 = vector.shape_cast %broadcast_in_dim3A_1 : vector<16xf32> to vector<1x16xf32>
      tpu.vector_store %arg7[%swap3A, %swap3A_94], %swap3A_97 {strides = array<i32>} : memref<80x128xf32, #tpu.memory_space<vmem>>, vector<1x16xf32>,
      %scan3A_98 = arith.constant 0 : i32
      scf.yield %scan3A_98 : i32
    }
    %scan3A_49 = arith.constant 80 : i32
    %scan3A_50 = arith.constant 0 : i32
    %scan3A_51 = arith.constant 0 : i32
    %scan3A_52 = arith.constant 80 : i32
    %scan3A_53 = arith.addi %scan3A_51, %scan3A_52 : i32
    %scan3A_54 = arith.constant 1 : i32
    %scan3A_55 = scf.for %scan3A_92 = %scan3A_51 to %scan3A_53 step %scan3A_54 iter_args(%scan3A_93 = %scan3A_50) -> (i32)  : i32 {
      %swap3A = arith.index_cast %scan3A_92 : i32 to index
      %swap3A_94 = arith.constant 112 : index
      %swap3A_95 = tpu.vector_load %arg7[%swap3A, %swap3A_94] {strides = array<i32>} : memref<80x128xf32, #tpu.memory_space<vmem>>, vector<1x16xf32>,
      %swap3A_96 = vector.shape_cast %swap3A_95 : vector<1x16xf32> to vector<16xf32>
      %swap3A_97 = vector.shape_cast %broadcast_in_dim3A_1 : vector<16xf32> to vector<1x16xf32>
      tpu.vector_store %arg7[%swap3A, %swap3A_94], %swap3A_97 {strides = array<i32>} : memref<80x128xf32, #tpu.memory_space<vmem>>, vector<1x16xf32>,
      %scan3A_98 = arith.constant 0 : i32
      scf.yield %scan3A_98 : i32
    }
    %scan3A_56 = arith.constant 80 : i32
    %lt3A = arith.constant 13 : i32
    %lt3A_57 = arith.cmpi slt, %arg1, %lt3A : i32
    %jit3A = arith.constant 8 : i32
    %jit3A_58 = arith.constant 7 : i32
    %select_n3A = arith.select %lt3A_57, %jit3A, %jit3A_58 : i32
    %while3A = arith.constant 0 : i32
    %while3A_59 = arith.constant 0 : i32
    %while3A_60 = arith.subi %select_n3A, %while3A : i32
    %while3A_61 = arith.addi %while3A, %while3A_60 : i32
    %while3A_62 = arith.constant 1 : i32
    %while3A_63 = arith.divsi %while3A_60, %while3A_62 : i32
    %while3A_64 = arith.muli %while3A_63, %while3A_62 : i32
    %while3A_65 = arith.addi %while3A, %while3A_64 : i32
    %while3A_66 = arith.constant 1 : i32
    %while3A_67 = scf.for %while3A_92 = %while3A to %while3A_65 step %while3A_66 iter_args(%while3A_93 = %while3A_59) -> (i32)  : i32 {
      %mul3A_94 = arith.constant 16 : i32
      %mul3A_95 = arith.muli %mul3A_94, %while3A_92 : i32
      %add3A_96 = arith.addi %arg1, %mul3A_95 : i32
      %mul3A_97 = arith.constant 80 : i32
      %mul3A_98 = arith.muli %add3A_96, %mul3A_97 : i32
      "tpu.region"() ({
        %run_scoped3A = tpu.sem_alloc : memref<!tpu.dma_semaphore, #tpu.memory_space<semaphore_mem>>
        %dma_start3A = arith.constant 0 : i32
        %dma_start3A_100 = tpu.memref_slice %arg6[%mul3A_98, %dma_start3A] : memref<10000x128xf32, #tpu.memory_space<vmem_shared>> -> memref<80x128xf32, #tpu.memory_space<vmem_shared>>
        %dma_start3A_101 = arith.constant 0 : i32
        %dma_start3A_102 = tpu.memref_slice %arg6[%mul3A_98, %dma_start3A_101] : memref<10000x128xf32, #tpu.memory_space<vmem_shared>> -> memref<80x128xf32, #tpu.memory_space<vmem_shared>>
        tpu.enqueue_dma source(%arg7 : memref<80x128xf32, #tpu.memory_space<vmem>>) target(%dma_start3A_102 : memref<80x128xf32, #tpu.memory_space<vmem_shared>>) target_semaphore(%run_scoped3A : memref<!tpu.dma_semaphore, #tpu.memory_space<semaphore_mem>>)
        %dma_wait3A = arith.constant 0 : i32
        %dma_wait3A_103 = tpu.memref_slice %arg6[%mul3A_98, %dma_wait3A] : memref<10000x128xf32, #tpu.memory_space<vmem_shared>> -> memref<80x128xf32, #tpu.memory_space<vmem_shared>>
        %dma_wait3A_104 = arith.constant 0 : i32
        %dma_wait3A_105 = tpu.memref_slice %arg6[%mul3A_98, %dma_wait3A_104] : memref<10000x128xf32, #tpu.memory_space<vmem_shared>> -> memref<80x128xf32, #tpu.memory_space<vmem_shared>>
        tpu.wait_dma2 semaphore(%run_scoped3A : memref<!tpu.dma_semaphore, #tpu.memory_space<semaphore_mem>>) src(%arg7 : memref<80x128xf32, #tpu.memory_space<vmem>>) dst(%dma_wait3A_105 : memref<80x128xf32, #tpu.memory_space<vmem_shared>>)
        tpu.yield
      }) : () -> ()
      %while3A_99 = arith.constant 0 : i32
      scf.yield %while3A_99 : i32
    }
    %while3A_68 = arith.constant 1 : i32
    %while3A_69 = scf.for %while3A_92 = %while3A_65 to %while3A_61 step %while3A_68 iter_args(%while3A_93 = %while3A_67) -> (i32)  : i32 {
      %mul3A_94 = arith.constant 16 : i32
      %mul3A_95 = arith.muli %mul3A_94, %while3A_92 : i32
      %add3A_96 = arith.addi %arg1, %mul3A_95 : i32
      %mul3A_97 = arith.constant 80 : i32
      %mul3A_98 = arith.muli %add3A_96, %mul3A_97 : i32
      "tpu.region"() ({
        %run_scoped3A = tpu.sem_alloc : memref<!tpu.dma_semaphore, #tpu.memory_space<semaphore_mem>>
        %dma_start3A = arith.constant 0 : i32
        %dma_start3A_100 = tpu.memref_slice %arg6[%mul3A_98, %dma_start3A] : memref<10000x128xf32, #tpu.memory_space<vmem_shared>> -> memref<80x128xf32, #tpu.memory_space<vmem_shared>>
        %dma_start3A_101 = arith.constant 0 : i32
        %dma_start3A_102 = tpu.memref_slice %arg6[%mul3A_98, %dma_start3A_101] : memref<10000x128xf32, #tpu.memory_space<vmem_shared>> -> memref<80x128xf32, #tpu.memory_space<vmem_shared>>
        tpu.enqueue_dma source(%arg7 : memref<80x128xf32, #tpu.memory_space<vmem>>) target(%dma_start3A_102 : memref<80x128xf32, #tpu.memory_space<vmem_shared>>) target_semaphore(%run_scoped3A : memref<!tpu.dma_semaphore, #tpu.memory_space<semaphore_mem>>)
        %dma_wait3A = arith.constant 0 : i32
        %dma_wait3A_103 = tpu.memref_slice %arg6[%mul3A_98, %dma_wait3A] : memref<10000x128xf32, #tpu.memory_space<vmem_shared>> -> memref<80x128xf32, #tpu.memory_space<vmem_shared>>
        %dma_wait3A_104 = arith.constant 0 : i32
        %dma_wait3A_105 = tpu.memref_slice %arg6[%mul3A_98, %dma_wait3A_104] : memref<10000x128xf32, #tpu.memory_space<vmem_shared>> -> memref<80x128xf32, #tpu.memory_space<vmem_shared>>
        tpu.wait_dma2 semaphore(%run_scoped3A : memref<!tpu.dma_semaphore, #tpu.memory_space<semaphore_mem>>) src(%arg7 : memref<80x128xf32, #tpu.memory_space<vmem>>) dst(%dma_wait3A_105 : memref<80x128xf32, #tpu.memory_space<vmem_shared>>)
        tpu.yield
      }) : () -> ()
      %while3A_99 = arith.constant 0 : i32
      scf.yield %while3A_99 : i32
    }
    %barrier3A = arith.constant 0 : index
    tpu.barrier barrier_id(%barrier3A)
    %mul3A_70 = arith.constant 10000 : i32
    %mul3A_71 = arith.muli %add3A, %mul3A_70 : i32
    %scan3A_72 = arith.constant 0 : i32
    %scan3A_73 = arith.constant 0 : i32
    %scan3A_74 = arith.constant 125 : i32
    %scan3A_75 = arith.addi %scan3A_73, %scan3A_74 : i32
    %scan3A_76 = arith.constant 1 : i32
    %scan3A_77 = scf.for %scan3A_92 = %scan3A_73 to %scan3A_75 step %scan3A_76 iter_args(%scan3A_93 = %scan3A_72) -> (i32)  : i32 {
      %mul3A_94 = arith.constant 80 : i32
      %mul3A_95 = arith.muli %scan3A_92, %mul3A_94 : i32
      %add3A_96 = arith.addi %mul3A_71, %mul3A_95 : i32
      "tpu.region"() ({
        %run_scoped3A = tpu.sem_alloc : memref<!tpu.dma_semaphore, #tpu.memory_space<semaphore_mem>>
        %dma_start3A_102 = tpu.memref_slice %arg3[%add3A_96] : memref<320000xi32, #tpu.memory_space<hbm>> -> memref<80xi32, #tpu.memory_space<hbm>>
        %dma_start3A_103 = tpu.memref_slice %arg3[%add3A_96] : memref<320000xi32, #tpu.memory_space<hbm>> -> memref<80xi32, #tpu.memory_space<hbm>>
        tpu.enqueue_dma source(%dma_start3A_103 : memref<80xi32, #tpu.memory_space<hbm>>) target(%arg8 : memref<80xi32, #tpu.memory_space<vmem>>) target_semaphore(%run_scoped3A : memref<!tpu.dma_semaphore, #tpu.memory_space<semaphore_mem>>)
        %dma_wait3A_104 = tpu.memref_slice %arg3[%add3A_96] : memref<320000xi32, #tpu.memory_space<hbm>> -> memref<80xi32, #tpu.memory_space<hbm>>
        %dma_wait3A_105 = tpu.memref_slice %arg3[%add3A_96] : memref<320000xi32, #tpu.memory_space<hbm>> -> memref<80xi32, #tpu.memory_space<hbm>>
        tpu.wait_dma2 semaphore(%run_scoped3A : memref<!tpu.dma_semaphore, #tpu.memory_space<semaphore_mem>>) src(%dma_wait3A_105 : memref<80xi32, #tpu.memory_space<hbm>>) dst(%arg8 : memref<80xi32, #tpu.memory_space<vmem>>)
        tpu.yield
      }) : () -> ()
      "tpu.region"() ({
        %run_scoped3A = tpu.sem_alloc : memref<!tpu.dma_semaphore, #tpu.memory_space<semaphore_mem>>
        %dma_start3A_102 = tpu.memref_slice %arg4[%add3A_96] : memref<320000xi32, #tpu.memory_space<hbm>> -> memref<80xi32, #tpu.memory_space<hbm>>
        %dma_start3A_103 = tpu.memref_slice %arg4[%add3A_96] : memref<320000xi32, #tpu.memory_space<hbm>> -> memref<80xi32, #tpu.memory_space<hbm>>
        tpu.enqueue_dma source(%dma_start3A_103 : memref<80xi32, #tpu.memory_space<hbm>>) target(%arg9 : memref<80xi32, #tpu.memory_space<vmem>>) target_semaphore(%run_scoped3A : memref<!tpu.dma_semaphore, #tpu.memory_space<semaphore_mem>>)
        %dma_wait3A_104 = tpu.memref_slice %arg4[%add3A_96] : memref<320000xi32, #tpu.memory_space<hbm>> -> memref<80xi32, #tpu.memory_space<hbm>>
        %dma_wait3A_105 = tpu.memref_slice %arg4[%add3A_96] : memref<320000xi32, #tpu.memory_space<hbm>> -> memref<80xi32, #tpu.memory_space<hbm>>
        tpu.wait_dma2 semaphore(%run_scoped3A : memref<!tpu.dma_semaphore, #tpu.memory_space<semaphore_mem>>) src(%dma_wait3A_105 : memref<80xi32, #tpu.memory_space<hbm>>) dst(%arg9 : memref<80xi32, #tpu.memory_space<vmem>>)
        tpu.yield
      }) : () -> ()
      %dma_start3A = arith.constant 0 : i32
      %dma_start3A_97 = arith.constant 0 : i32
      %dma_start3A_98 = tpu.memref_slice %arg2[%dma_start3A, %dma_start3A_97] : memref<10000x128xf32, #tpu.memory_space<hbm>> -> memref<10000x128xf32, #tpu.memory_space<hbm>>
      tpu.enqueue_indirect_dma source(%dma_start3A_98 : memref<10000x128xf32, #tpu.memory_space<hbm>>) target(%arg10 : memref<80x128xf32, #tpu.memory_space<vmem>>) offsets(%arg8 : memref<80xi32, #tpu.memory_space<vmem>>) semaphore(%arg11 : memref<!tpu.dma_semaphore, #tpu.memory_space<semaphore_mem>>)
      %dma_wait3A = arith.constant 0 : i32
      %dma_wait3A_99 = arith.constant 0 : i32
      %dma_wait3A_100 = tpu.memref_slice %arg2[%dma_wait3A, %dma_wait3A_99] : memref<10000x128xf32, #tpu.memory_space<hbm>> -> memref<10000x128xf32, #tpu.memory_space<hbm>>
      tpu.wait_indirect_dma semaphore(%arg11 : memref<!tpu.dma_semaphore, #tpu.memory_space<semaphore_mem>>) src(%dma_wait3A_100 : memref<10000x128xf32, #tpu.memory_space<hbm>>) dst(%arg10 : memref<80x128xf32, #tpu.memory_space<vmem>>)
      "tpu.region"() ({
        %run_scoped3A = tpu.sem_alloc : memref<!tpu.dma_semaphore, #tpu.memory_space<semaphore_mem>>
        %dma_start3A_102 = arith.constant 0 : i32
        %dma_start3A_103 = arith.constant 0 : i32
        %dma_start3A_104 = tpu.memref_slice %arg6[%dma_start3A_102, %dma_start3A_103] : memref<10000x128xf32, #tpu.memory_space<vmem_shared>> -> memref<10000x128xf32, #tpu.memory_space<vmem_shared>>
        tpu.enqueue_indirect_dma source(%arg10 : memref<80x128xf32, #tpu.memory_space<vmem>>) target(%dma_start3A_104 : memref<10000x128xf32, #tpu.memory_space<vmem_shared>>) offsets(%arg9 : memref<80xi32, #tpu.memory_space<vmem>>) semaphore(%run_scoped3A : memref<!tpu.dma_semaphore, #tpu.memory_space<semaphore_mem>>) {add = true}
        %dma_wait3A_105 = arith.constant 0 : i32
        %dma_wait3A_106 = arith.constant 0 : i32
        %dma_wait3A_107 = tpu.memref_slice %arg6[%dma_wait3A_105, %dma_wait3A_106] : memref<10000x128xf32, #tpu.memory_space<vmem_shared>> -> memref<10000x128xf32, #tpu.memory_space<vmem_shared>>
        tpu.wait_indirect_dma semaphore(%run_scoped3A : memref<!tpu.dma_semaphore, #tpu.memory_space<semaphore_mem>>) src(%arg10 : memref<80x128xf32, #tpu.memory_space<vmem>>) dst(%dma_wait3A_107 : memref<10000x128xf32, #tpu.memory_space<vmem_shared>>)
        tpu.yield
      }) : () -> ()
      %scan3A_101 = arith.constant 0 : i32
      scf.yield %scan3A_101 : i32
    }
    %scan3A_78 = arith.constant 125 : i32
    %barrier3A_79 = arith.constant 0 : index
    tpu.barrier barrier_id(%barrier3A_79)
    %while3A_80 = arith.constant 0 : i32
    %while3A_81 = arith.constant 0 : i32
    %while3A_82 = arith.subi %select_n3A, %while3A_80 : i32
    %while3A_83 = arith.addi %while3A_80, %while3A_82 : i32
    %while3A_84 = arith.constant 1 : i32
    %while3A_85 = arith.divsi %while3A_82, %while3A_84 : i32
    %while3A_86 = arith.muli %while3A_85, %while3A_84 : i32
    %while3A_87 = arith.addi %while3A_80, %while3A_86 : i32
    %while3A_88 = arith.constant 1 : i32
    %while3A_89 = scf.for %while3A_92 = %while3A_80 to %while3A_87 step %while3A_88 iter_args(%while3A_93 = %while3A_81) -> (i32)  : i32 {
      %mul3A_94 = arith.constant 16 : i32
      %mul3A_95 = arith.muli %mul3A_94, %while3A_92 : i32
      %add3A_96 = arith.addi %arg1, %mul3A_95 : i32
      %mul3A_97 = arith.constant 80 : i32
      %mul3A_98 = arith.muli %add3A_96, %mul3A_97 : i32
      %mul3A_99 = arith.constant 10000 : i32
      %mul3A_100 = arith.muli %arg0, %mul3A_99 : i32
      %add3A_101 = arith.addi %mul3A_100, %mul3A_98 : i32
      "tpu.region"() ({
        %run_scoped3A = tpu.sem_alloc : memref<!tpu.dma_semaphore, #tpu.memory_space<semaphore_mem>>
        %dma_start3A = arith.constant 0 : i32
        %dma_start3A_103 = tpu.memref_slice %arg5[%add3A_101, %dma_start3A] : memref<20000x128xf32, #tpu.memory_space<hbm>> -> memref<80x128xf32, #tpu.memory_space<hbm>>
        %dma_start3A_104 = arith.constant 0 : i32
        %dma_start3A_105 = tpu.memref_slice %arg6[%mul3A_98, %dma_start3A_104] : memref<10000x128xf32, #tpu.memory_space<vmem_shared>> -> memref<80x128xf32, #tpu.memory_space<vmem_shared>>
        tpu.enqueue_dma source(%dma_start3A_105 : memref<80x128xf32, #tpu.memory_space<vmem_shared>>) target(%dma_start3A_103 : memref<80x128xf32, #tpu.memory_space<hbm>>) target_semaphore(%run_scoped3A : memref<!tpu.dma_semaphore, #tpu.memory_space<semaphore_mem>>)
        %dma_wait3A = arith.constant 0 : i32
        %dma_wait3A_106 = tpu.memref_slice %arg5[%add3A_101, %dma_wait3A] : memref<20000x128xf32, #tpu.memory_space<hbm>> -> memref<80x128xf32, #tpu.memory_space<hbm>>
        %dma_wait3A_107 = arith.constant 0 : i32
        %dma_wait3A_108 = tpu.memref_slice %arg6[%mul3A_98, %dma_wait3A_107] : memref<10000x128xf32, #tpu.memory_space<vmem_shared>> -> memref<80x128xf32, #tpu.memory_space<vmem_shared>>
        tpu.wait_dma2 semaphore(%run_scoped3A : memref<!tpu.dma_semaphore, #tpu.memory_space<semaphore_mem>>) src(%dma_wait3A_108 : memref<80x128xf32, #tpu.memory_space<vmem_shared>>) dst(%dma_wait3A_106 : memref<80x128xf32, #tpu.memory_space<hbm>>)
        tpu.yield
      }) : () -> ()
      %while3A_102 = arith.constant 0 : i32
      scf.yield %while3A_102 : i32
    }
    %while3A_90 = arith.constant 1 : i32
    %while3A_91 = scf.for %while3A_92 = %while3A_87 to %while3A_83 step %while3A_90 iter_args(%while3A_93 = %while3A_89) -> (i32)  : i32 {
      %mul3A_94 = arith.constant 16 : i32
      %mul3A_95 = arith.muli %mul3A_94, %while3A_92 : i32
      %add3A_96 = arith.addi %arg1, %mul3A_95 : i32
      %mul3A_97 = arith.constant 80 : i32
      %mul3A_98 = arith.muli %add3A_96, %mul3A_97 : i32
      %mul3A_99 = arith.constant 10000 : i32
      %mul3A_100 = arith.muli %arg0, %mul3A_99 : i32
      %add3A_101 = arith.addi %mul3A_100, %mul3A_98 : i32
      "tpu.region"() ({
        %run_scoped3A = tpu.sem_alloc : memref<!tpu.dma_semaphore, #tpu.memory_space<semaphore_mem>>
        %dma_start3A = arith.constant 0 : i32
        %dma_start3A_103 = tpu.memref_slice %arg5[%add3A_101, %dma_start3A] : memref<20000x128xf32, #tpu.memory_space<hbm>> -> memref<80x128xf32, #tpu.memory_space<hbm>>
        %dma_start3A_104 = arith.constant 0 : i32
        %dma_start3A_105 = tpu.memref_slice %arg6[%mul3A_98, %dma_start3A_104] : memref<10000x128xf32, #tpu.memory_space<vmem_shared>> -> memref<80x128xf32, #tpu.memory_space<vmem_shared>>
        tpu.enqueue_dma source(%dma_start3A_105 : memref<80x128xf32, #tpu.memory_space<vmem_shared>>) target(%dma_start3A_103 : memref<80x128xf32, #tpu.memory_space<hbm>>) target_semaphore(%run_scoped3A : memref<!tpu.dma_semaphore, #tpu.memory_space<semaphore_mem>>)
        %dma_wait3A = arith.constant 0 : i32
        %dma_wait3A_106 = tpu.memref_slice %arg5[%add3A_101, %dma_wait3A] : memref<20000x128xf32, #tpu.memory_space<hbm>> -> memref<80x128xf32, #tpu.memory_space<hbm>>
        %dma_wait3A_107 = arith.constant 0 : i32
        %dma_wait3A_108 = tpu.memref_slice %arg6[%mul3A_98, %dma_wait3A_107] : memref<10000x128xf32, #tpu.memory_space<vmem_shared>> -> memref<80x128xf32, #tpu.memory_space<vmem_shared>>
        tpu.wait_dma2 semaphore(%run_scoped3A : memref<!tpu.dma_semaphore, #tpu.memory_space<semaphore_mem>>) src(%dma_wait3A_108 : memref<80x128xf32, #tpu.memory_space<vmem_shared>>) dst(%dma_wait3A_106 : memref<80x128xf32, #tpu.memory_space<hbm>>)
        tpu.yield
      }) : () -> ()
      %while3A_102 = arith.constant 0 : i32
      scf.yield %while3A_102 : i32
    }
    return
  }
}

#map = affine_map<(d0, d1) -> (0, 0)>
#map1 = affine_map<(d0, d1) -> (0)>
module attributes {stable_mosaic.version = 14 : i64} {
  func.func @_seg_max(%arg0: i32, %arg1: i32, %arg2: memref<10000x128xf32, #tpu.memory_space<hbm>>, %arg3: memref<10000xi32, #tpu.memory_space<hbm>>, %arg4: memref<2048x128xf32, #tpu.memory_space<hbm>>, %arg5: memref<320x128xf32, #tpu.memory_space<vmem>>, %arg6: memref<336xi32, #tpu.memory_space<vmem>>, %arg7: memref<64x128xf32, #tpu.memory_space<vmem>>) attributes {dimension_semantics = [#tpu.dimension_semantics<core_parallel>, #tpu.dimension_semantics<subcore_parallel>], iteration_bounds = array<i64: 2, 16>, scalar_prefetch = 0 : i64, scratch_operands = 3 : i64, tpu.core_type = #tpu.core_type<sc_vector_subcore>, window_params = [{transform_indices = #map}, {transform_indices = #map1}, {transform_indices = #map}]} {
    %mul3A = arith.constant 16 : i32
    %mul3A_0 = arith.muli %arg0, %mul3A : i32
    %add3A = arith.addi %mul3A_0, %arg1 : i32
    %broadcast_in_dim3A = arith.constant 0xFF800000 : f32
    %broadcast_in_dim3A_1 = vector.broadcast %broadcast_in_dim3A : f32 to vector<16xf32>
    %scan3A = arith.constant 0 : i32
    %scan3A_2 = arith.constant 0 : i32
    %scan3A_3 = arith.constant 64 : i32
    %scan3A_4 = arith.addi %scan3A_2, %scan3A_3 : i32
    %scan3A_5 = arith.constant 1 : i32
    %scan3A_6 = scf.for %scan3A_96 = %scan3A_2 to %scan3A_4 step %scan3A_5 iter_args(%scan3A_97 = %scan3A) -> (i32)  : i32 {
      %swap3A = arith.index_cast %scan3A_96 : i32 to index
      %swap3A_98 = arith.constant 0 : index
      %swap3A_99 = tpu.vector_load %arg7[%swap3A, %swap3A_98] {strides = array<i32>} : memref<64x128xf32, #tpu.memory_space<vmem>>, vector<1x16xf32>,
      %swap3A_100 = vector.shape_cast %swap3A_99 : vector<1x16xf32> to vector<16xf32>
      %swap3A_101 = vector.shape_cast %broadcast_in_dim3A_1 : vector<16xf32> to vector<1x16xf32>
      tpu.vector_store %arg7[%swap3A, %swap3A_98], %swap3A_101 {strides = array<i32>} : memref<64x128xf32, #tpu.memory_space<vmem>>, vector<1x16xf32>,
      %scan3A_102 = arith.constant 0 : i32
      scf.yield %scan3A_102 : i32
    }
    %scan3A_7 = arith.constant 64 : i32
    %scan3A_8 = arith.constant 0 : i32
    %scan3A_9 = arith.constant 0 : i32
    %scan3A_10 = arith.constant 64 : i32
    %scan3A_11 = arith.addi %scan3A_9, %scan3A_10 : i32
    %scan3A_12 = arith.constant 1 : i32
    %scan3A_13 = scf.for %scan3A_96 = %scan3A_9 to %scan3A_11 step %scan3A_12 iter_args(%scan3A_97 = %scan3A_8) -> (i32)  : i32 {
      %swap3A = arith.index_cast %scan3A_96 : i32 to index
      %swap3A_98 = arith.constant 16 : index
      %swap3A_99 = tpu.vector_load %arg7[%swap3A, %swap3A_98] {strides = array<i32>} : memref<64x128xf32, #tpu.memory_space<vmem>>, vector<1x16xf32>,
      %swap3A_100 = vector.shape_cast %swap3A_99 : vector<1x16xf32> to vector<16xf32>
      %swap3A_101 = vector.shape_cast %broadcast_in_dim3A_1 : vector<16xf32> to vector<1x16xf32>
      tpu.vector_store %arg7[%swap3A, %swap3A_98], %swap3A_101 {strides = array<i32>} : memref<64x128xf32, #tpu.memory_space<vmem>>, vector<1x16xf32>,
      %scan3A_102 = arith.constant 0 : i32
      scf.yield %scan3A_102 : i32
    }
    %scan3A_14 = arith.constant 64 : i32
    %scan3A_15 = arith.constant 0 : i32
    %scan3A_16 = arith.constant 0 : i32
    %scan3A_17 = arith.constant 64 : i32
    %scan3A_18 = arith.addi %scan3A_16, %scan3A_17 : i32
    %scan3A_19 = arith.constant 1 : i32
    %scan3A_20 = scf.for %scan3A_96 = %scan3A_16 to %scan3A_18 step %scan3A_19 iter_args(%scan3A_97 = %scan3A_15) -> (i32)  : i32 {
      %swap3A = arith.index_cast %scan3A_96 : i32 to index
      %swap3A_98 = arith.constant 32 : index
      %swap3A_99 = tpu.vector_load %arg7[%swap3A, %swap3A_98] {strides = array<i32>} : memref<64x128xf32, #tpu.memory_space<vmem>>, vector<1x16xf32>,
      %swap3A_100 = vector.shape_cast %swap3A_99 : vector<1x16xf32> to vector<16xf32>
      %swap3A_101 = vector.shape_cast %broadcast_in_dim3A_1 : vector<16xf32> to vector<1x16xf32>
      tpu.vector_store %arg7[%swap3A, %swap3A_98], %swap3A_101 {strides = array<i32>} : memref<64x128xf32, #tpu.memory_space<vmem>>, vector<1x16xf32>,
      %scan3A_102 = arith.constant 0 : i32
      scf.yield %scan3A_102 : i32
    }
    %scan3A_21 = arith.constant 64 : i32
    %scan3A_22 = arith.constant 0 : i32
    %scan3A_23 = arith.constant 0 : i32
    %scan3A_24 = arith.constant 64 : i32
    %scan3A_25 = arith.addi %scan3A_23, %scan3A_24 : i32
    %scan3A_26 = arith.constant 1 : i32
    %scan3A_27 = scf.for %scan3A_96 = %scan3A_23 to %scan3A_25 step %scan3A_26 iter_args(%scan3A_97 = %scan3A_22) -> (i32)  : i32 {
      %swap3A = arith.index_cast %scan3A_96 : i32 to index
      %swap3A_98 = arith.constant 48 : index
      %swap3A_99 = tpu.vector_load %arg7[%swap3A, %swap3A_98] {strides = array<i32>} : memref<64x128xf32, #tpu.memory_space<vmem>>, vector<1x16xf32>,
      %swap3A_100 = vector.shape_cast %swap3A_99 : vector<1x16xf32> to vector<16xf32>
      %swap3A_101 = vector.shape_cast %broadcast_in_dim3A_1 : vector<16xf32> to vector<1x16xf32>
      tpu.vector_store %arg7[%swap3A, %swap3A_98], %swap3A_101 {strides = array<i32>} : memref<64x128xf32, #tpu.memory_space<vmem>>, vector<1x16xf32>,
      %scan3A_102 = arith.constant 0 : i32
      scf.yield %scan3A_102 : i32
    }
    %scan3A_28 = arith.constant 64 : i32
    %scan3A_29 = arith.constant 0 : i32
    %scan3A_30 = arith.constant 0 : i32
    %scan3A_31 = arith.constant 64 : i32
    %scan3A_32 = arith.addi %scan3A_30, %scan3A_31 : i32
    %scan3A_33 = arith.constant 1 : i32
    %scan3A_34 = scf.for %scan3A_96 = %scan3A_30 to %scan3A_32 step %scan3A_33 iter_args(%scan3A_97 = %scan3A_29) -> (i32)  : i32 {
      %swap3A = arith.index_cast %scan3A_96 : i32 to index
      %swap3A_98 = arith.constant 64 : index
      %swap3A_99 = tpu.vector_load %arg7[%swap3A, %swap3A_98] {strides = array<i32>} : memref<64x128xf32, #tpu.memory_space<vmem>>, vector<1x16xf32>,
      %swap3A_100 = vector.shape_cast %swap3A_99 : vector<1x16xf32> to vector<16xf32>
      %swap3A_101 = vector.shape_cast %broadcast_in_dim3A_1 : vector<16xf32> to vector<1x16xf32>
      tpu.vector_store %arg7[%swap3A, %swap3A_98], %swap3A_101 {strides = array<i32>} : memref<64x128xf32, #tpu.memory_space<vmem>>, vector<1x16xf32>,
      %scan3A_102 = arith.constant 0 : i32
      scf.yield %scan3A_102 : i32
    }
    %scan3A_35 = arith.constant 64 : i32
    %scan3A_36 = arith.constant 0 : i32
    %scan3A_37 = arith.constant 0 : i32
    %scan3A_38 = arith.constant 64 : i32
    %scan3A_39 = arith.addi %scan3A_37, %scan3A_38 : i32
    %scan3A_40 = arith.constant 1 : i32
    %scan3A_41 = scf.for %scan3A_96 = %scan3A_37 to %scan3A_39 step %scan3A_40 iter_args(%scan3A_97 = %scan3A_36) -> (i32)  : i32 {
      %swap3A = arith.index_cast %scan3A_96 : i32 to index
      %swap3A_98 = arith.constant 80 : index
      %swap3A_99 = tpu.vector_load %arg7[%swap3A, %swap3A_98] {strides = array<i32>} : memref<64x128xf32, #tpu.memory_space<vmem>>, vector<1x16xf32>,
      %swap3A_100 = vector.shape_cast %swap3A_99 : vector<1x16xf32> to vector<16xf32>
      %swap3A_101 = vector.shape_cast %broadcast_in_dim3A_1 : vector<16xf32> to vector<1x16xf32>
      tpu.vector_store %arg7[%swap3A, %swap3A_98], %swap3A_101 {strides = array<i32>} : memref<64x128xf32, #tpu.memory_space<vmem>>, vector<1x16xf32>,
      %scan3A_102 = arith.constant 0 : i32
      scf.yield %scan3A_102 : i32
    }
    %scan3A_42 = arith.constant 64 : i32
    %scan3A_43 = arith.constant 0 : i32
    %scan3A_44 = arith.constant 0 : i32
    %scan3A_45 = arith.constant 64 : i32
    %scan3A_46 = arith.addi %scan3A_44, %scan3A_45 : i32
    %scan3A_47 = arith.constant 1 : i32
    %scan3A_48 = scf.for %scan3A_96 = %scan3A_44 to %scan3A_46 step %scan3A_47 iter_args(%scan3A_97 = %scan3A_43) -> (i32)  : i32 {
      %swap3A = arith.index_cast %scan3A_96 : i32 to index
      %swap3A_98 = arith.constant 96 : index
      %swap3A_99 = tpu.vector_load %arg7[%swap3A, %swap3A_98] {strides = array<i32>} : memref<64x128xf32, #tpu.memory_space<vmem>>, vector<1x16xf32>,
      %swap3A_100 = vector.shape_cast %swap3A_99 : vector<1x16xf32> to vector<16xf32>
      %swap3A_101 = vector.shape_cast %broadcast_in_dim3A_1 : vector<16xf32> to vector<1x16xf32>
      tpu.vector_store %arg7[%swap3A, %swap3A_98], %swap3A_101 {strides = array<i32>} : memref<64x128xf32, #tpu.memory_space<vmem>>, vector<1x16xf32>,
      %scan3A_102 = arith.constant 0 : i32
      scf.yield %scan3A_102 : i32
    }
    %scan3A_49 = arith.constant 64 : i32
    %scan3A_50 = arith.constant 0 : i32
    %scan3A_51 = arith.constant 0 : i32
    %scan3A_52 = arith.constant 64 : i32
    %scan3A_53 = arith.addi %scan3A_51, %scan3A_52 : i32
    %scan3A_54 = arith.constant 1 : i32
    %scan3A_55 = scf.for %scan3A_96 = %scan3A_51 to %scan3A_53 step %scan3A_54 iter_args(%scan3A_97 = %scan3A_50) -> (i32)  : i32 {
      %swap3A = arith.index_cast %scan3A_96 : i32 to index
      %swap3A_98 = arith.constant 112 : index
      %swap3A_99 = tpu.vector_load %arg7[%swap3A, %swap3A_98] {strides = array<i32>} : memref<64x128xf32, #tpu.memory_space<vmem>>, vector<1x16xf32>,
      %swap3A_100 = vector.shape_cast %swap3A_99 : vector<1x16xf32> to vector<16xf32>
      %swap3A_101 = vector.shape_cast %broadcast_in_dim3A_1 : vector<16xf32> to vector<1x16xf32>
      tpu.vector_store %arg7[%swap3A, %swap3A_98], %swap3A_101 {strides = array<i32>} : memref<64x128xf32, #tpu.memory_space<vmem>>, vector<1x16xf32>,
      %scan3A_102 = arith.constant 0 : i32
      scf.yield %scan3A_102 : i32
    }
    %scan3A_56 = arith.constant 64 : i32
    %mul3A_57 = arith.constant 313 : i32
    %mul3A_58 = arith.muli %add3A, %mul3A_57 : i32
    %sub3A = arith.constant 10000 : i32
    %sub3A_59 = arith.subi %sub3A, %mul3A_58 : i32
    %min3A = arith.constant 313 : i32
    %min3A_60 = arith.minsi %min3A, %sub3A_59 : i32
    %jit3A = arith.constant 8 : i32
    %div3A = arith.divsi %mul3A_58, %jit3A : i32
    %sign3A = arith.constant 0 : i32
    %sign3A_61 = arith.cmpi sgt, %mul3A_58, %sign3A : i32
    %sign3A_62 = arith.extui %sign3A_61 : i1 to i32
    %sign3A_63 = arith.constant 0 : i32
    %sign3A_64 = arith.cmpi slt, %mul3A_58, %sign3A_63 : i32
    %sign3A_65 = arith.extui %sign3A_64 : i1 to i32
    %sign3A_66 = arith.subi %sign3A_62, %sign3A_65 : i32
    %sign3A_67 = arith.constant 0 : i32
    %sign3A_68 = arith.cmpi sgt, %jit3A, %sign3A_67 : i32
    %sign3A_69 = arith.extui %sign3A_68 : i1 to i32
    %sign3A_70 = arith.constant 0 : i32
    %sign3A_71 = arith.cmpi slt, %jit3A, %sign3A_70 : i32
    %sign3A_72 = arith.extui %sign3A_71 : i1 to i32
    %sign3A_73 = arith.subi %sign3A_69, %sign3A_72 : i32
    %ne3A = arith.cmpi ne, %sign3A_66, %sign3A_73 : i32
    %rem3A = arith.remsi %mul3A_58, %jit3A : i32
    %ne3A_74 = arith.constant 0 : i32
    %ne3A_75 = arith.cmpi ne, %rem3A, %ne3A_74 : i32
    %and3A = arith.andi %ne3A, %ne3A_75 : i1
    %sub3A_76 = arith.constant 1 : i32
    %sub3A_77 = arith.subi %div3A, %sub3A_76 : i32
    %select_n3A = arith.select %and3A, %sub3A_77, %div3A : i32
    %mul3A_78 = arith.constant 8 : i32
    %mul3A_79 = arith.muli %select_n3A, %mul3A_78 : i32
    %min3A_80 = arith.constant 9680 : i32
    %min3A_81 = arith.minsi %mul3A_79, %min3A_80 : i32
    %sub3A_82 = arith.subi %mul3A_58, %min3A_81 : i32
    "tpu.region"() ({
      %run_scoped3A = tpu.sem_alloc : memref<!tpu.dma_semaphore, #tpu.memory_space<semaphore_mem>>
      %dma_start3A = arith.constant 0 : i32
      %dma_start3A_96 = tpu.memref_slice %arg2[%min3A_81, %dma_start3A] : memref<10000x128xf32, #tpu.memory_space<hbm>> -> memref<320x128xf32, #tpu.memory_space<hbm>>
      %dma_start3A_97 = arith.constant 0 : i32
      %dma_start3A_98 = tpu.memref_slice %arg2[%min3A_81, %dma_start3A_97] : memref<10000x128xf32, #tpu.memory_space<hbm>> -> memref<320x128xf32, #tpu.memory_space<hbm>>
      tpu.enqueue_dma source(%dma_start3A_98 : memref<320x128xf32, #tpu.memory_space<hbm>>) target(%arg5 : memref<320x128xf32, #tpu.memory_space<vmem>>) target_semaphore(%run_scoped3A : memref<!tpu.dma_semaphore, #tpu.memory_space<semaphore_mem>>)
      %dma_wait3A = arith.constant 0 : i32
      %dma_wait3A_99 = tpu.memref_slice %arg2[%min3A_81, %dma_wait3A] : memref<10000x128xf32, #tpu.memory_space<hbm>> -> memref<320x128xf32, #tpu.memory_space<hbm>>
      %dma_wait3A_100 = arith.constant 0 : i32
      %dma_wait3A_101 = tpu.memref_slice %arg2[%min3A_81, %dma_wait3A_100] : memref<10000x128xf32, #tpu.memory_space<hbm>> -> memref<320x128xf32, #tpu.memory_space<hbm>>
      tpu.wait_dma2 semaphore(%run_scoped3A : memref<!tpu.dma_semaphore, #tpu.memory_space<semaphore_mem>>) src(%dma_wait3A_101 : memref<320x128xf32, #tpu.memory_space<hbm>>) dst(%arg5 : memref<320x128xf32, #tpu.memory_space<vmem>>)
      tpu.yield
    }) : () -> ()
    "tpu.region"() ({
      %run_scoped3A = tpu.sem_alloc : memref<!tpu.dma_semaphore, #tpu.memory_space<semaphore_mem>>
      %dma_start3A = arith.constant 0 : i32
      %dma_start3A_96 = tpu.memref_slice %arg6[%dma_start3A] : memref<336xi32, #tpu.memory_space<vmem>> -> memref<320xi32, #tpu.memory_space<vmem>>
      %dma_start3A_97 = tpu.memref_slice %arg3[%min3A_81] : memref<10000xi32, #tpu.memory_space<hbm>> -> memref<320xi32, #tpu.memory_space<hbm>>
      %dma_start3A_98 = arith.constant 0 : i32
      %dma_start3A_99 = tpu.memref_slice %arg6[%dma_start3A_98] : memref<336xi32, #tpu.memory_space<vmem>> -> memref<320xi32, #tpu.memory_space<vmem>>
      %dma_start3A_100 = tpu.memref_slice %arg3[%min3A_81] : memref<10000xi32, #tpu.memory_space<hbm>> -> memref<320xi32, #tpu.memory_space<hbm>>
      tpu.enqueue_dma source(%dma_start3A_100 : memref<320xi32, #tpu.memory_space<hbm>>) target(%dma_start3A_99 : memref<320xi32, #tpu.memory_space<vmem>>) target_semaphore(%run_scoped3A : memref<!tpu.dma_semaphore, #tpu.memory_space<semaphore_mem>>)
      %dma_wait3A = arith.constant 0 : i32
      %dma_wait3A_101 = tpu.memref_slice %arg6[%dma_wait3A] : memref<336xi32, #tpu.memory_space<vmem>> -> memref<320xi32, #tpu.memory_space<vmem>>
      %dma_wait3A_102 = tpu.memref_slice %arg3[%min3A_81] : memref<10000xi32, #tpu.memory_space<hbm>> -> memref<320xi32, #tpu.memory_space<hbm>>
      %dma_wait3A_103 = arith.constant 0 : i32
      %dma_wait3A_104 = tpu.memref_slice %arg6[%dma_wait3A_103] : memref<336xi32, #tpu.memory_space<vmem>> -> memref<320xi32, #tpu.memory_space<vmem>>
      %dma_wait3A_105 = tpu.memref_slice %arg3[%min3A_81] : memref<10000xi32, #tpu.memory_space<hbm>> -> memref<320xi32, #tpu.memory_space<hbm>>
      tpu.wait_dma2 semaphore(%run_scoped3A : memref<!tpu.dma_semaphore, #tpu.memory_space<semaphore_mem>>) src(%dma_wait3A_105 : memref<320xi32, #tpu.memory_space<hbm>>) dst(%dma_wait3A_104 : memref<320xi32, #tpu.memory_space<vmem>>)
      tpu.yield
    }) : () -> ()
    %while3A = arith.constant 0 : i32
    %while3A_83 = arith.constant 0 : i32
    %while3A_84 = arith.subi %min3A_60, %while3A : i32
    %while3A_85 = arith.addi %while3A, %while3A_84 : i32
    %while3A_86 = arith.constant 1 : i32
    %while3A_87 = arith.divsi %while3A_84, %while3A_86 : i32
    %while3A_88 = arith.muli %while3A_87, %while3A_86 : i32
    %while3A_89 = arith.addi %while3A, %while3A_88 : i32
    %while3A_90 = arith.constant 1 : i32
    %while3A_91 = scf.for %while3A_96 = %while3A to %while3A_89 step %while3A_90 iter_args(%while3A_97 = %while3A_83) -> (i32)  : i32 {
      %add3A_98 = arith.addi %sub3A_82, %while3A_96 : i32
      %get3A = arith.index_cast %add3A_98 : i32 to index
      %get3A_99 = tpu.vector_load %arg6[%get3A] {strides = array<i32>} : memref<336xi32, #tpu.memory_space<vmem>>, vector<16xi32>,
      %get3A_100 = vector.shape_cast %get3A_99 : vector<16xi32> to vector<16xi32>
      %slice3A = vector.extract_strided_slice %get3A_100 {offsets = [0], sizes = [1], strides = [1]} : vector<16xi32> to vector<1xi32>
      %squeeze3A = vector.extract %slice3A[0] : i32 from vector<1xi32>
      %add3A_101 = arith.addi %sub3A_82, %while3A_96 : i32
      %get3A_102 = arith.index_cast %add3A_101 : i32 to index
      %get3A_103 = arith.constant 0 : index
      %get3A_104 = tpu.vector_load %arg5[%get3A_102, %get3A_103] {strides = array<i32>} : memref<320x128xf32, #tpu.memory_space<vmem>>, vector<1x16xf32>,
      %get3A_105 = vector.shape_cast %get3A_104 : vector<1x16xf32> to vector<16xf32>
      %get3A_106 = arith.index_cast %squeeze3A : i32 to index
      %get3A_107 = arith.constant 0 : index
      %get3A_108 = tpu.vector_load %arg7[%get3A_106, %get3A_107] {strides = array<i32>} : memref<64x128xf32, #tpu.memory_space<vmem>>, vector<1x16xf32>,
      %get3A_109 = vector.shape_cast %get3A_108 : vector<1x16xf32> to vector<16xf32>
      %max3A = arith.maximumf %get3A_109, %get3A_105 : vector<16xf32>
      %swap3A = arith.index_cast %squeeze3A : i32 to index
      %swap3A_110 = arith.constant 0 : index
      %swap3A_111 = tpu.vector_load %arg7[%swap3A, %swap3A_110] {strides = array<i32>} : memref<64x128xf32, #tpu.memory_space<vmem>>, vector<1x16xf32>,
      %swap3A_112 = vector.shape_cast %swap3A_111 : vector<1x16xf32> to vector<16xf32>
      %swap3A_113 = vector.shape_cast %max3A : vector<16xf32> to vector<1x16xf32>
      tpu.vector_store %arg7[%swap3A, %swap3A_110], %swap3A_113 {strides = array<i32>} : memref<64x128xf32, #tpu.memory_space<vmem>>, vector<1x16xf32>,
      %add3A_114 = arith.addi %sub3A_82, %while3A_96 : i32
      %get3A_115 = arith.index_cast %add3A_114 : i32 to index
      %get3A_116 = arith.constant 16 : index
      %get3A_117 = tpu.vector_load %arg5[%get3A_115, %get3A_116] {strides = array<i32>} : memref<320x128xf32, #tpu.memory_space<vmem>>, vector<1x16xf32>,
      %get3A_118 = vector.shape_cast %get3A_117 : vector<1x16xf32> to vector<16xf32>
      %get3A_119 = arith.index_cast %squeeze3A : i32 to index
      %get3A_120 = arith.constant 16 : index
      %get3A_121 = tpu.vector_load %arg7[%get3A_119, %get3A_120] {strides = array<i32>} : memref<64x128xf32, #tpu.memory_space<vmem>>, vector<1x16xf32>,
      %get3A_122 = vector.shape_cast %get3A_121 : vector<1x16xf32> to vector<16xf32>
      %max3A_123 = arith.maximumf %get3A_122, %get3A_118 : vector<16xf32>
      %swap3A_124 = arith.index_cast %squeeze3A : i32 to index
      %swap3A_125 = arith.constant 16 : index
      %swap3A_126 = tpu.vector_load %arg7[%swap3A_124, %swap3A_125] {strides = array<i32>} : memref<64x128xf32, #tpu.memory_space<vmem>>, vector<1x16xf32>,
      %swap3A_127 = vector.shape_cast %swap3A_126 : vector<1x16xf32> to vector<16xf32>
      %swap3A_128 = vector.shape_cast %max3A_123 : vector<16xf32> to vector<1x16xf32>
      tpu.vector_store %arg7[%swap3A_124, %swap3A_125], %swap3A_128 {strides = array<i32>} : memref<64x128xf32, #tpu.memory_space<vmem>>, vector<1x16xf32>,
      %add3A_129 = arith.addi %sub3A_82, %while3A_96 : i32
      %get3A_130 = arith.index_cast %add3A_129 : i32 to index
      %get3A_131 = arith.constant 32 : index
      %get3A_132 = tpu.vector_load %arg5[%get3A_130, %get3A_131] {strides = array<i32>} : memref<320x128xf32, #tpu.memory_space<vmem>>, vector<1x16xf32>,
      %get3A_133 = vector.shape_cast %get3A_132 : vector<1x16xf32> to vector<16xf32>
      %get3A_134 = arith.index_cast %squeeze3A : i32 to index
      %get3A_135 = arith.constant 32 : index
      %get3A_136 = tpu.vector_load %arg7[%get3A_134, %get3A_135] {strides = array<i32>} : memref<64x128xf32, #tpu.memory_space<vmem>>, vector<1x16xf32>,
      %get3A_137 = vector.shape_cast %get3A_136 : vector<1x16xf32> to vector<16xf32>
      %max3A_138 = arith.maximumf %get3A_137, %get3A_133 : vector<16xf32>
      %swap3A_139 = arith.index_cast %squeeze3A : i32 to index
      %swap3A_140 = arith.constant 32 : index
      %swap3A_141 = tpu.vector_load %arg7[%swap3A_139, %swap3A_140] {strides = array<i32>} : memref<64x128xf32, #tpu.memory_space<vmem>>, vector<1x16xf32>,
      %swap3A_142 = vector.shape_cast %swap3A_141 : vector<1x16xf32> to vector<16xf32>
      %swap3A_143 = vector.shape_cast %max3A_138 : vector<16xf32> to vector<1x16xf32>
      tpu.vector_store %arg7[%swap3A_139, %swap3A_140], %swap3A_143 {strides = array<i32>} : memref<64x128xf32, #tpu.memory_space<vmem>>, vector<1x16xf32>,
      %add3A_144 = arith.addi %sub3A_82, %while3A_96 : i32
      %get3A_145 = arith.index_cast %add3A_144 : i32 to index
      %get3A_146 = arith.constant 48 : index
      %get3A_147 = tpu.vector_load %arg5[%get3A_145, %get3A_146] {strides = array<i32>} : memref<320x128xf32, #tpu.memory_space<vmem>>, vector<1x16xf32>,
      %get3A_148 = vector.shape_cast %get3A_147 : vector<1x16xf32> to vector<16xf32>
      %get3A_149 = arith.index_cast %squeeze3A : i32 to index
      %get3A_150 = arith.constant 48 : index
      %get3A_151 = tpu.vector_load %arg7[%get3A_149, %get3A_150] {strides = array<i32>} : memref<64x128xf32, #tpu.memory_space<vmem>>, vector<1x16xf32>,
      %get3A_152 = vector.shape_cast %get3A_151 : vector<1x16xf32> to vector<16xf32>
      %max3A_153 = arith.maximumf %get3A_152, %get3A_148 : vector<16xf32>
      %swap3A_154 = arith.index_cast %squeeze3A : i32 to index
      %swap3A_155 = arith.constant 48 : index
      %swap3A_156 = tpu.vector_load %arg7[%swap3A_154, %swap3A_155] {strides = array<i32>} : memref<64x128xf32, #tpu.memory_space<vmem>>, vector<1x16xf32>,
      %swap3A_157 = vector.shape_cast %swap3A_156 : vector<1x16xf32> to vector<16xf32>
      %swap3A_158 = vector.shape_cast %max3A_153 : vector<16xf32> to vector<1x16xf32>
      tpu.vector_store %arg7[%swap3A_154, %swap3A_155], %swap3A_158 {strides = array<i32>} : memref<64x128xf32, #tpu.memory_space<vmem>>, vector<1x16xf32>,
      %add3A_159 = arith.addi %sub3A_82, %while3A_96 : i32
      %get3A_160 = arith.index_cast %add3A_159 : i32 to index
      %get3A_161 = arith.constant 64 : index
      %get3A_162 = tpu.vector_load %arg5[%get3A_160, %get3A_161] {strides = array<i32>} : memref<320x128xf32, #tpu.memory_space<vmem>>, vector<1x16xf32>,
      %get3A_163 = vector.shape_cast %get3A_162 : vector<1x16xf32> to vector<16xf32>
      %get3A_164 = arith.index_cast %squeeze3A : i32 to index
      %get3A_165 = arith.constant 64 : index
      %get3A_166 = tpu.vector_load %arg7[%get3A_164, %get3A_165] {strides = array<i32>} : memref<64x128xf32, #tpu.memory_space<vmem>>, vector<1x16xf32>,
      %get3A_167 = vector.shape_cast %get3A_166 : vector<1x16xf32> to vector<16xf32>
      %max3A_168 = arith.maximumf %get3A_167, %get3A_163 : vector<16xf32>
      %swap3A_169 = arith.index_cast %squeeze3A : i32 to index
      %swap3A_170 = arith.constant 64 : index
      %swap3A_171 = tpu.vector_load %arg7[%swap3A_169, %swap3A_170] {strides = array<i32>} : memref<64x128xf32, #tpu.memory_space<vmem>>, vector<1x16xf32>,
      %swap3A_172 = vector.shape_cast %swap3A_171 : vector<1x16xf32> to vector<16xf32>
      %swap3A_173 = vector.shape_cast %max3A_168 : vector<16xf32> to vector<1x16xf32>
      tpu.vector_store %arg7[%swap3A_169, %swap3A_170], %swap3A_173 {strides = array<i32>} : memref<64x128xf32, #tpu.memory_space<vmem>>, vector<1x16xf32>,
      %add3A_174 = arith.addi %sub3A_82, %while3A_96 : i32
      %get3A_175 = arith.index_cast %add3A_174 : i32 to index
      %get3A_176 = arith.constant 80 : index
      %get3A_177 = tpu.vector_load %arg5[%get3A_175, %get3A_176] {strides = array<i32>} : memref<320x128xf32, #tpu.memory_space<vmem>>, vector<1x16xf32>,
      %get3A_178 = vector.shape_cast %get3A_177 : vector<1x16xf32> to vector<16xf32>
      %get3A_179 = arith.index_cast %squeeze3A : i32 to index
      %get3A_180 = arith.constant 80 : index
      %get3A_181 = tpu.vector_load %arg7[%get3A_179, %get3A_180] {strides = array<i32>} : memref<64x128xf32, #tpu.memory_space<vmem>>, vector<1x16xf32>,
      %get3A_182 = vector.shape_cast %get3A_181 : vector<1x16xf32> to vector<16xf32>
      %max3A_183 = arith.maximumf %get3A_182, %get3A_178 : vector<16xf32>
      %swap3A_184 = arith.index_cast %squeeze3A : i32 to index
      %swap3A_185 = arith.constant 80 : index
      %swap3A_186 = tpu.vector_load %arg7[%swap3A_184, %swap3A_185] {strides = array<i32>} : memref<64x128xf32, #tpu.memory_space<vmem>>, vector<1x16xf32>,
      %swap3A_187 = vector.shape_cast %swap3A_186 : vector<1x16xf32> to vector<16xf32>
      %swap3A_188 = vector.shape_cast %max3A_183 : vector<16xf32> to vector<1x16xf32>
      tpu.vector_store %arg7[%swap3A_184, %swap3A_185], %swap3A_188 {strides = array<i32>} : memref<64x128xf32, #tpu.memory_space<vmem>>, vector<1x16xf32>,
      %add3A_189 = arith.addi %sub3A_82, %while3A_96 : i32
      %get3A_190 = arith.index_cast %add3A_189 : i32 to index
      %get3A_191 = arith.constant 96 : index
      %get3A_192 = tpu.vector_load %arg5[%get3A_190, %get3A_191] {strides = array<i32>} : memref<320x128xf32, #tpu.memory_space<vmem>>, vector<1x16xf32>,
      %get3A_193 = vector.shape_cast %get3A_192 : vector<1x16xf32> to vector<16xf32>
      %get3A_194 = arith.index_cast %squeeze3A : i32 to index
      %get3A_195 = arith.constant 96 : index
      %get3A_196 = tpu.vector_load %arg7[%get3A_194, %get3A_195] {strides = array<i32>} : memref<64x128xf32, #tpu.memory_space<vmem>>, vector<1x16xf32>,
      %get3A_197 = vector.shape_cast %get3A_196 : vector<1x16xf32> to vector<16xf32>
      %max3A_198 = arith.maximumf %get3A_197, %get3A_193 : vector<16xf32>
      %swap3A_199 = arith.index_cast %squeeze3A : i32 to index
      %swap3A_200 = arith.constant 96 : index
      %swap3A_201 = tpu.vector_load %arg7[%swap3A_199, %swap3A_200] {strides = array<i32>} : memref<64x128xf32, #tpu.memory_space<vmem>>, vector<1x16xf32>,
      %swap3A_202 = vector.shape_cast %swap3A_201 : vector<1x16xf32> to vector<16xf32>
      %swap3A_203 = vector.shape_cast %max3A_198 : vector<16xf32> to vector<1x16xf32>
      tpu.vector_store %arg7[%swap3A_199, %swap3A_200], %swap3A_203 {strides = array<i32>} : memref<64x128xf32, #tpu.memory_space<vmem>>, vector<1x16xf32>,
      %add3A_204 = arith.addi %sub3A_82, %while3A_96 : i32
      %get3A_205 = arith.index_cast %add3A_204 : i32 to index
      %get3A_206 = arith.constant 112 : index
      %get3A_207 = tpu.vector_load %arg5[%get3A_205, %get3A_206] {strides = array<i32>} : memref<320x128xf32, #tpu.memory_space<vmem>>, vector<1x16xf32>,
      %get3A_208 = vector.shape_cast %get3A_207 : vector<1x16xf32> to vector<16xf32>
      %get3A_209 = arith.index_cast %squeeze3A : i32 to index
      %get3A_210 = arith.constant 112 : index
      %get3A_211 = tpu.vector_load %arg7[%get3A_209, %get3A_210] {strides = array<i32>} : memref<64x128xf32, #tpu.memory_space<vmem>>, vector<1x16xf32>,
      %get3A_212 = vector.shape_cast %get3A_211 : vector<1x16xf32> to vector<16xf32>
      %max3A_213 = arith.maximumf %get3A_212, %get3A_208 : vector<16xf32>
      %swap3A_214 = arith.index_cast %squeeze3A : i32 to index
      %swap3A_215 = arith.constant 112 : index
      %swap3A_216 = tpu.vector_load %arg7[%swap3A_214, %swap3A_215] {strides = array<i32>} : memref<64x128xf32, #tpu.memory_space<vmem>>, vector<1x16xf32>,
      %swap3A_217 = vector.shape_cast %swap3A_216 : vector<1x16xf32> to vector<16xf32>
      %swap3A_218 = vector.shape_cast %max3A_213 : vector<16xf32> to vector<1x16xf32>
      tpu.vector_store %arg7[%swap3A_214, %swap3A_215], %swap3A_218 {strides = array<i32>} : memref<64x128xf32, #tpu.memory_space<vmem>>, vector<1x16xf32>,
      %while3A_219 = arith.constant 0 : i32
      scf.yield %while3A_219 : i32
    }
    %while3A_92 = arith.constant 1 : i32
    %while3A_93 = scf.for %while3A_96 = %while3A_89 to %while3A_85 step %while3A_92 iter_args(%while3A_97 = %while3A_91) -> (i32)  : i32 {
      %add3A_98 = arith.addi %sub3A_82, %while3A_96 : i32
      %get3A = arith.index_cast %add3A_98 : i32 to index
      %get3A_99 = tpu.vector_load %arg6[%get3A] {strides = array<i32>} : memref<336xi32, #tpu.memory_space<vmem>>, vector<16xi32>,
      %get3A_100 = vector.shape_cast %get3A_99 : vector<16xi32> to vector<16xi32>
      %slice3A = vector.extract_strided_slice %get3A_100 {offsets = [0], sizes = [1], strides = [1]} : vector<16xi32> to vector<1xi32>
      %squeeze3A = vector.extract %slice3A[0] : i32 from vector<1xi32>
      %add3A_101 = arith.addi %sub3A_82, %while3A_96 : i32
      %get3A_102 = arith.index_cast %add3A_101 : i32 to index
      %get3A_103 = arith.constant 0 : index
      %get3A_104 = tpu.vector_load %arg5[%get3A_102, %get3A_103] {strides = array<i32>} : memref<320x128xf32, #tpu.memory_space<vmem>>, vector<1x16xf32>,
      %get3A_105 = vector.shape_cast %get3A_104 : vector<1x16xf32> to vector<16xf32>
      %get3A_106 = arith.index_cast %squeeze3A : i32 to index
      %get3A_107 = arith.constant 0 : index
      %get3A_108 = tpu.vector_load %arg7[%get3A_106, %get3A_107] {strides = array<i32>} : memref<64x128xf32, #tpu.memory_space<vmem>>, vector<1x16xf32>,
      %get3A_109 = vector.shape_cast %get3A_108 : vector<1x16xf32> to vector<16xf32>
      %max3A = arith.maximumf %get3A_109, %get3A_105 : vector<16xf32>
      %swap3A = arith.index_cast %squeeze3A : i32 to index
      %swap3A_110 = arith.constant 0 : index
      %swap3A_111 = tpu.vector_load %arg7[%swap3A, %swap3A_110] {strides = array<i32>} : memref<64x128xf32, #tpu.memory_space<vmem>>, vector<1x16xf32>,
      %swap3A_112 = vector.shape_cast %swap3A_111 : vector<1x16xf32> to vector<16xf32>
      %swap3A_113 = vector.shape_cast %max3A : vector<16xf32> to vector<1x16xf32>
      tpu.vector_store %arg7[%swap3A, %swap3A_110], %swap3A_113 {strides = array<i32>} : memref<64x128xf32, #tpu.memory_space<vmem>>, vector<1x16xf32>,
      %add3A_114 = arith.addi %sub3A_82, %while3A_96 : i32
      %get3A_115 = arith.index_cast %add3A_114 : i32 to index
      %get3A_116 = arith.constant 16 : index
      %get3A_117 = tpu.vector_load %arg5[%get3A_115, %get3A_116] {strides = array<i32>} : memref<320x128xf32, #tpu.memory_space<vmem>>, vector<1x16xf32>,
      %get3A_118 = vector.shape_cast %get3A_117 : vector<1x16xf32> to vector<16xf32>
      %get3A_119 = arith.index_cast %squeeze3A : i32 to index
      %get3A_120 = arith.constant 16 : index
      %get3A_121 = tpu.vector_load %arg7[%get3A_119, %get3A_120] {strides = array<i32>} : memref<64x128xf32, #tpu.memory_space<vmem>>, vector<1x16xf32>,
      %get3A_122 = vector.shape_cast %get3A_121 : vector<1x16xf32> to vector<16xf32>
      %max3A_123 = arith.maximumf %get3A_122, %get3A_118 : vector<16xf32>
      %swap3A_124 = arith.index_cast %squeeze3A : i32 to index
      %swap3A_125 = arith.constant 16 : index
      %swap3A_126 = tpu.vector_load %arg7[%swap3A_124, %swap3A_125] {strides = array<i32>} : memref<64x128xf32, #tpu.memory_space<vmem>>, vector<1x16xf32>,
      %swap3A_127 = vector.shape_cast %swap3A_126 : vector<1x16xf32> to vector<16xf32>
      %swap3A_128 = vector.shape_cast %max3A_123 : vector<16xf32> to vector<1x16xf32>
      tpu.vector_store %arg7[%swap3A_124, %swap3A_125], %swap3A_128 {strides = array<i32>} : memref<64x128xf32, #tpu.memory_space<vmem>>, vector<1x16xf32>,
      %add3A_129 = arith.addi %sub3A_82, %while3A_96 : i32
      %get3A_130 = arith.index_cast %add3A_129 : i32 to index
      %get3A_131 = arith.constant 32 : index
      %get3A_132 = tpu.vector_load %arg5[%get3A_130, %get3A_131] {strides = array<i32>} : memref<320x128xf32, #tpu.memory_space<vmem>>, vector<1x16xf32>,
      %get3A_133 = vector.shape_cast %get3A_132 : vector<1x16xf32> to vector<16xf32>
      %get3A_134 = arith.index_cast %squeeze3A : i32 to index
      %get3A_135 = arith.constant 32 : index
      %get3A_136 = tpu.vector_load %arg7[%get3A_134, %get3A_135] {strides = array<i32>} : memref<64x128xf32, #tpu.memory_space<vmem>>, vector<1x16xf32>,
      %get3A_137 = vector.shape_cast %get3A_136 : vector<1x16xf32> to vector<16xf32>
      %max3A_138 = arith.maximumf %get3A_137, %get3A_133 : vector<16xf32>
      %swap3A_139 = arith.index_cast %squeeze3A : i32 to index
      %swap3A_140 = arith.constant 32 : index
      %swap3A_141 = tpu.vector_load %arg7[%swap3A_139, %swap3A_140] {strides = array<i32>} : memref<64x128xf32, #tpu.memory_space<vmem>>, vector<1x16xf32>,
      %swap3A_142 = vector.shape_cast %swap3A_141 : vector<1x16xf32> to vector<16xf32>
      %swap3A_143 = vector.shape_cast %max3A_138 : vector<16xf32> to vector<1x16xf32>
      tpu.vector_store %arg7[%swap3A_139, %swap3A_140], %swap3A_143 {strides = array<i32>} : memref<64x128xf32, #tpu.memory_space<vmem>>, vector<1x16xf32>,
      %add3A_144 = arith.addi %sub3A_82, %while3A_96 : i32
      %get3A_145 = arith.index_cast %add3A_144 : i32 to index
      %get3A_146 = arith.constant 48 : index
      %get3A_147 = tpu.vector_load %arg5[%get3A_145, %get3A_146] {strides = array<i32>} : memref<320x128xf32, #tpu.memory_space<vmem>>, vector<1x16xf32>,
      %get3A_148 = vector.shape_cast %get3A_147 : vector<1x16xf32> to vector<16xf32>
      %get3A_149 = arith.index_cast %squeeze3A : i32 to index
      %get3A_150 = arith.constant 48 : index
      %get3A_151 = tpu.vector_load %arg7[%get3A_149, %get3A_150] {strides = array<i32>} : memref<64x128xf32, #tpu.memory_space<vmem>>, vector<1x16xf32>,
      %get3A_152 = vector.shape_cast %get3A_151 : vector<1x16xf32> to vector<16xf32>
      %max3A_153 = arith.maximumf %get3A_152, %get3A_148 : vector<16xf32>
      %swap3A_154 = arith.index_cast %squeeze3A : i32 to index
      %swap3A_155 = arith.constant 48 : index
      %swap3A_156 = tpu.vector_load %arg7[%swap3A_154, %swap3A_155] {strides = array<i32>} : memref<64x128xf32, #tpu.memory_space<vmem>>, vector<1x16xf32>,
      %swap3A_157 = vector.shape_cast %swap3A_156 : vector<1x16xf32> to vector<16xf32>
      %swap3A_158 = vector.shape_cast %max3A_153 : vector<16xf32> to vector<1x16xf32>
      tpu.vector_store %arg7[%swap3A_154, %swap3A_155], %swap3A_158 {strides = array<i32>} : memref<64x128xf32, #tpu.memory_space<vmem>>, vector<1x16xf32>,
      %add3A_159 = arith.addi %sub3A_82, %while3A_96 : i32
      %get3A_160 = arith.index_cast %add3A_159 : i32 to index
      %get3A_161 = arith.constant 64 : index
      %get3A_162 = tpu.vector_load %arg5[%get3A_160, %get3A_161] {strides = array<i32>} : memref<320x128xf32, #tpu.memory_space<vmem>>, vector<1x16xf32>,
      %get3A_163 = vector.shape_cast %get3A_162 : vector<1x16xf32> to vector<16xf32>
      %get3A_164 = arith.index_cast %squeeze3A : i32 to index
      %get3A_165 = arith.constant 64 : index
      %get3A_166 = tpu.vector_load %arg7[%get3A_164, %get3A_165] {strides = array<i32>} : memref<64x128xf32, #tpu.memory_space<vmem>>, vector<1x16xf32>,
      %get3A_167 = vector.shape_cast %get3A_166 : vector<1x16xf32> to vector<16xf32>
      %max3A_168 = arith.maximumf %get3A_167, %get3A_163 : vector<16xf32>
      %swap3A_169 = arith.index_cast %squeeze3A : i32 to index
      %swap3A_170 = arith.constant 64 : index
      %swap3A_171 = tpu.vector_load %arg7[%swap3A_169, %swap3A_170] {strides = array<i32>} : memref<64x128xf32, #tpu.memory_space<vmem>>, vector<1x16xf32>,
      %swap3A_172 = vector.shape_cast %swap3A_171 : vector<1x16xf32> to vector<16xf32>
      %swap3A_173 = vector.shape_cast %max3A_168 : vector<16xf32> to vector<1x16xf32>
      tpu.vector_store %arg7[%swap3A_169, %swap3A_170], %swap3A_173 {strides = array<i32>} : memref<64x128xf32, #tpu.memory_space<vmem>>, vector<1x16xf32>,
      %add3A_174 = arith.addi %sub3A_82, %while3A_96 : i32
      %get3A_175 = arith.index_cast %add3A_174 : i32 to index
      %get3A_176 = arith.constant 80 : index
      %get3A_177 = tpu.vector_load %arg5[%get3A_175, %get3A_176] {strides = array<i32>} : memref<320x128xf32, #tpu.memory_space<vmem>>, vector<1x16xf32>,
      %get3A_178 = vector.shape_cast %get3A_177 : vector<1x16xf32> to vector<16xf32>
      %get3A_179 = arith.index_cast %squeeze3A : i32 to index
      %get3A_180 = arith.constant 80 : index
      %get3A_181 = tpu.vector_load %arg7[%get3A_179, %get3A_180] {strides = array<i32>} : memref<64x128xf32, #tpu.memory_space<vmem>>, vector<1x16xf32>,
      %get3A_182 = vector.shape_cast %get3A_181 : vector<1x16xf32> to vector<16xf32>
      %max3A_183 = arith.maximumf %get3A_182, %get3A_178 : vector<16xf32>
      %swap3A_184 = arith.index_cast %squeeze3A : i32 to index
      %swap3A_185 = arith.constant 80 : index
      %swap3A_186 = tpu.vector_load %arg7[%swap3A_184, %swap3A_185] {strides = array<i32>} : memref<64x128xf32, #tpu.memory_space<vmem>>, vector<1x16xf32>,
      %swap3A_187 = vector.shape_cast %swap3A_186 : vector<1x16xf32> to vector<16xf32>
      %swap3A_188 = vector.shape_cast %max3A_183 : vector<16xf32> to vector<1x16xf32>
      tpu.vector_store %arg7[%swap3A_184, %swap3A_185], %swap3A_188 {strides = array<i32>} : memref<64x128xf32, #tpu.memory_space<vmem>>, vector<1x16xf32>,
      %add3A_189 = arith.addi %sub3A_82, %while3A_96 : i32
      %get3A_190 = arith.index_cast %add3A_189 : i32 to index
      %get3A_191 = arith.constant 96 : index
      %get3A_192 = tpu.vector_load %arg5[%get3A_190, %get3A_191] {strides = array<i32>} : memref<320x128xf32, #tpu.memory_space<vmem>>, vector<1x16xf32>,
      %get3A_193 = vector.shape_cast %get3A_192 : vector<1x16xf32> to vector<16xf32>
      %get3A_194 = arith.index_cast %squeeze3A : i32 to index
      %get3A_195 = arith.constant 96 : index
      %get3A_196 = tpu.vector_load %arg7[%get3A_194, %get3A_195] {strides = array<i32>} : memref<64x128xf32, #tpu.memory_space<vmem>>, vector<1x16xf32>,
      %get3A_197 = vector.shape_cast %get3A_196 : vector<1x16xf32> to vector<16xf32>
      %max3A_198 = arith.maximumf %get3A_197, %get3A_193 : vector<16xf32>
      %swap3A_199 = arith.index_cast %squeeze3A : i32 to index
      %swap3A_200 = arith.constant 96 : index
      %swap3A_201 = tpu.vector_load %arg7[%swap3A_199, %swap3A_200] {strides = array<i32>} : memref<64x128xf32, #tpu.memory_space<vmem>>, vector<1x16xf32>,
      %swap3A_202 = vector.shape_cast %swap3A_201 : vector<1x16xf32> to vector<16xf32>
      %swap3A_203 = vector.shape_cast %max3A_198 : vector<16xf32> to vector<1x16xf32>
      tpu.vector_store %arg7[%swap3A_199, %swap3A_200], %swap3A_203 {strides = array<i32>} : memref<64x128xf32, #tpu.memory_space<vmem>>, vector<1x16xf32>,
      %add3A_204 = arith.addi %sub3A_82, %while3A_96 : i32
      %get3A_205 = arith.index_cast %add3A_204 : i32 to index
      %get3A_206 = arith.constant 112 : index
      %get3A_207 = tpu.vector_load %arg5[%get3A_205, %get3A_206] {strides = array<i32>} : memref<320x128xf32, #tpu.memory_space<vmem>>, vector<1x16xf32>,
      %get3A_208 = vector.shape_cast %get3A_207 : vector<1x16xf32> to vector<16xf32>
      %get3A_209 = arith.index_cast %squeeze3A : i32 to index
      %get3A_210 = arith.constant 112 : index
      %get3A_211 = tpu.vector_load %arg7[%get3A_209, %get3A_210] {strides = array<i32>} : memref<64x128xf32, #tpu.memory_space<vmem>>, vector<1x16xf32>,
      %get3A_212 = vector.shape_cast %get3A_211 : vector<1x16xf32> to vector<16xf32>
      %max3A_213 = arith.maximumf %get3A_212, %get3A_208 : vector<16xf32>
      %swap3A_214 = arith.index_cast %squeeze3A : i32 to index
      %swap3A_215 = arith.constant 112 : index
      %swap3A_216 = tpu.vector_load %arg7[%swap3A_214, %swap3A_215] {strides = array<i32>} : memref<64x128xf32, #tpu.memory_space<vmem>>, vector<1x16xf32>,
      %swap3A_217 = vector.shape_cast %swap3A_216 : vector<1x16xf32> to vector<16xf32>
      %swap3A_218 = vector.shape_cast %max3A_213 : vector<16xf32> to vector<1x16xf32>
      tpu.vector_store %arg7[%swap3A_214, %swap3A_215], %swap3A_218 {strides = array<i32>} : memref<64x128xf32, #tpu.memory_space<vmem>>, vector<1x16xf32>,
      %while3A_219 = arith.constant 0 : i32
      scf.yield %while3A_219 : i32
    }
    %mul3A_94 = arith.constant 64 : i32
    %mul3A_95 = arith.muli %add3A, %mul3A_94 : i32
    "tpu.region"() ({
      %run_scoped3A = tpu.sem_alloc : memref<!tpu.dma_semaphore, #tpu.memory_space<semaphore_mem>>
      %dma_start3A = arith.constant 0 : i32
      %dma_start3A_96 = tpu.memref_slice %arg4[%mul3A_95, %dma_start3A] : memref<2048x128xf32, #tpu.memory_space<hbm>> -> memref<64x128xf32, #tpu.memory_space<hbm>>
      %dma_start3A_97 = arith.constant 0 : i32
      %dma_start3A_98 = tpu.memref_slice %arg4[%mul3A_95, %dma_start3A_97] : memref<2048x128xf32, #tpu.memory_space<hbm>> -> memref<64x128xf32, #tpu.memory_space<hbm>>
      tpu.enqueue_dma source(%arg7 : memref<64x128xf32, #tpu.memory_space<vmem>>) target(%dma_start3A_98 : memref<64x128xf32, #tpu.memory_space<hbm>>) target_semaphore(%run_scoped3A : memref<!tpu.dma_semaphore, #tpu.memory_space<semaphore_mem>>)
      %dma_wait3A = arith.constant 0 : i32
      %dma_wait3A_99 = tpu.memref_slice %arg4[%mul3A_95, %dma_wait3A] : memref<2048x128xf32, #tpu.memory_space<hbm>> -> memref<64x128xf32, #tpu.memory_space<hbm>>
      %dma_wait3A_100 = arith.constant 0 : i32
      %dma_wait3A_101 = tpu.memref_slice %arg4[%mul3A_95, %dma_wait3A_100] : memref<2048x128xf32, #tpu.memory_space<hbm>> -> memref<64x128xf32, #tpu.memory_space<hbm>>
      tpu.wait_dma2 semaphore(%run_scoped3A : memref<!tpu.dma_semaphore, #tpu.memory_space<semaphore_mem>>) src(%arg7 : memref<64x128xf32, #tpu.memory_space<vmem>>) dst(%dma_wait3A_101 : memref<64x128xf32, #tpu.memory_space<hbm>>)
      tpu.yield
    }) : () -> ()
    return
  }
}

module attributes {stable_mosaic.version = 14 : i64} {
  func.func @_mm_body(%arg0: i32, %arg1: memref<1000x128xf32, #tpu.memory_space<vmem>>, %arg2: memref<128x128xf32, #tpu.memory_space<vmem>>, %arg3: memref<1000x128xf32, #tpu.memory_space<vmem>>) attributes {dimension_semantics = [#tpu.dimension_semantics<arbitrary>], iteration_bounds = array<i64: 10>, scalar_prefetch = 0 : i64, scratch_operands = 0 : i64, tpu.core_type = #tpu.core_type<tc>, window_params = [{transform_indices = @transform_0, window_bounds = array<i64: 1000, 128>}, {pipeline_mode = #tpu.pipeline_mode<synchronous>, transform_indices = @transform_1, window_bounds = array<i64: 128, 128>}, {transform_indices = @transform_2, window_bounds = array<i64: 1000, 128>}]} {
    %get3A = arith.constant 0 : index
    %get3A_0 = arith.constant 0 : index
    %get3A_1 = vector.load %arg1[%get3A, %get3A_0] : memref<1000x128xf32, #tpu.memory_space<vmem>>, vector<1000x128xf32>
    %get3A_2 = arith.constant 0 : index
    %get3A_3 = arith.constant 0 : index
    %get3A_4 = vector.load %arg2[%get3A_2, %get3A_3] : memref<128x128xf32, #tpu.memory_space<vmem>>, vector<128x128xf32>
    %dot_general3A = arith.constant dense<0.000000e+00> : vector<1000x128xf32>
    %dot_general3A_5 = tpu.matmul %get3A_1, %get3A_4, %dot_general3A {dimension_numbers = #tpu.dot_dimension_numbers<[1], [0], [0], [1], [0, 0, 1, 1], [], []>, transpose_lhs_hint = false} : vector<1000x128xf32>, vector<128x128xf32>, vector<1000x128xf32> -> vector<1000x128xf32>
    %swap3A = arith.constant 0 : index
    %swap3A_6 = arith.constant 0 : index
    %swap3A_7 = vector.load %arg3[%swap3A, %swap3A_6] : memref<1000x128xf32, #tpu.memory_space<vmem>>, vector<1000x128xf32>
    tpu.vector_store %arg3[%swap3A, %swap3A_6], %dot_general3A_5 {strides = array<i32>} : memref<1000x128xf32, #tpu.memory_space<vmem>>, vector<1000x128xf32>,
    return
  }
  func.func @transform_0(%arg0: i32) -> (i32, i32) {
    %c0_i32 = arith.constant 0 : i32
    %c0_i32_0 = arith.constant 0 : i32
    return %arg0, %c0_i32 : i32, i32
  }
  func.func @transform_1(%arg0: i32) -> (i32, i32) {
    %c0_i32 = arith.constant 0 : i32
    %c0_i32_0 = arith.constant 0 : i32
    %c0_i32_1 = arith.constant 0 : i32
    return %c0_i32, %c0_i32_0 : i32, i32
  }
  func.func @transform_2(%arg0: i32) -> (i32, i32) {
    %c0_i32 = arith.constant 0 : i32
    %c0_i32_0 = arith.constant 0 : i32
    return %arg0, %c0_i32 : i32, i32
  }
}

module attributes {stable_mosaic.version = 14 : i64} {
  func.func @_gru_body(%arg0: i32, %arg1: memref<1000x128xf32, #tpu.memory_space<vmem>>, %arg2: memref<1000x128xf32, #tpu.memory_space<vmem>>, %arg3: memref<1000x128xf32, #tpu.memory_space<vmem>>, %arg4: memref<384x128xf32, #tpu.memory_space<vmem>>, %arg5: memref<384x128xf32, #tpu.memory_space<vmem>>, %arg6: memref<1x384xf32, #tpu.memory_space<vmem>>, %arg7: memref<1x384xf32, #tpu.memory_space<vmem>>, %arg8: memref<128x128xf32, #tpu.memory_space<vmem>>, %arg9: memref<1000x128xf32, #tpu.memory_space<vmem>>, %arg10: memref<1000x128xf32, #tpu.memory_space<vmem>>) attributes {dimension_semantics = [#tpu.dimension_semantics<arbitrary>], iteration_bounds = array<i64: 10>, scalar_prefetch = 0 : i64, scratch_operands = 0 : i64, tpu.core_type = #tpu.core_type<tc>, window_params = [{transform_indices = @transform_0, window_bounds = array<i64: 1000, 128>}, {transform_indices = @transform_1, window_bounds = array<i64: 1000, 128>}, {transform_indices = @transform_2, window_bounds = array<i64: 1000, 128>}, {pipeline_mode = #tpu.pipeline_mode<synchronous>, transform_indices = @transform_3, window_bounds = array<i64: 384, 128>}, {pipeline_mode = #tpu.pipeline_mode<synchronous>, transform_indices = @transform_4, window_bounds = array<i64: 384, 128>}, {pipeline_mode = #tpu.pipeline_mode<synchronous>, transform_indices = @transform_5, window_bounds = array<i64: 1, 384>}, {pipeline_mode = #tpu.pipeline_mode<synchronous>, transform_indices = @transform_6, window_bounds = array<i64: 1, 384>}, {pipeline_mode = #tpu.pipeline_mode<synchronous>, transform_indices = @transform_7, window_bounds = array<i64: 128, 128>}, {transform_indices = @transform_8, window_bounds = array<i64: 1000, 128>}, {transform_indices = @transform_9, window_bounds = array<i64: 1000, 128>}]} {
    %get3A = arith.constant 0 : index
    %get3A_0 = arith.constant 0 : index
    %get3A_1 = vector.load %arg1[%get3A, %get3A_0] : memref<1000x128xf32, #tpu.memory_space<vmem>>, vector<1000x128xf32>
    %get3A_2 = arith.constant 0 : index
    %get3A_3 = arith.constant 0 : index
    %get3A_4 = vector.load %arg2[%get3A_2, %get3A_3] : memref<1000x128xf32, #tpu.memory_space<vmem>>, vector<1000x128xf32>
    %add3A = arith.addf %get3A_1, %get3A_4 : vector<1000x128xf32>
    %get3A_5 = arith.constant 0 : index
    %get3A_6 = arith.constant 0 : index
    %get3A_7 = vector.load %arg3[%get3A_5, %get3A_6] : memref<1000x128xf32, #tpu.memory_space<vmem>>, vector<1000x128xf32>
    %get3A_8 = arith.constant 0 : index
    %get3A_9 = arith.constant 0 : index
    %get3A_10 = vector.load %arg4[%get3A_8, %get3A_9] : memref<384x128xf32, #tpu.memory_space<vmem>>, vector<384x128xf32>
    %dot_general3A = arith.constant dense<0.000000e+00> : vector<1000x384xf32>
    %dot_general3A_11 = tpu.matmul %add3A, %get3A_10, %dot_general3A {dimension_numbers = #tpu.dot_dimension_numbers<[1], [1], [0], [0], [0, 0, 1, 0], [], []>, transpose_lhs_hint = false} : vector<1000x128xf32>, vector<384x128xf32>, vector<1000x384xf32> -> vector<1000x384xf32>
    %get3A_12 = arith.constant 0 : index
    %get3A_13 = arith.constant 0 : index
    %get3A_14 = vector.load %arg6[%get3A_12, %get3A_13] : memref<1x384xf32, #tpu.memory_space<vmem>>, vector<1x384xf32>
    %add3A_15 = vector.broadcast %get3A_14 : vector<1x384xf32> to vector<1000x384xf32>
    %add3A_16 = arith.addf %dot_general3A_11, %add3A_15 : vector<1000x384xf32>
    %get3A_17 = arith.constant 0 : index
    %get3A_18 = arith.constant 0 : index
    %get3A_19 = vector.load %arg5[%get3A_17, %get3A_18] : memref<384x128xf32, #tpu.memory_space<vmem>>, vector<384x128xf32>
    %dot_general3A_20 = arith.constant dense<0.000000e+00> : vector<1000x384xf32>
    %dot_general3A_21 = tpu.matmul %get3A_7, %get3A_19, %dot_general3A_20 {dimension_numbers = #tpu.dot_dimension_numbers<[1], [1], [0], [0], [0, 0, 1, 0], [], []>, transpose_lhs_hint = false} : vector<1000x128xf32>, vector<384x128xf32>, vector<1000x384xf32> -> vector<1000x384xf32>
    %get3A_22 = arith.constant 0 : index
    %get3A_23 = arith.constant 0 : index
    %get3A_24 = vector.load %arg7[%get3A_22, %get3A_23] : memref<1x384xf32, #tpu.memory_space<vmem>>, vector<1x384xf32>
    %add3A_25 = vector.broadcast %get3A_24 : vector<1x384xf32> to vector<1000x384xf32>
    %add3A_26 = arith.addf %dot_general3A_21, %add3A_25 : vector<1000x384xf32>
    %slice3A = vector.extract_strided_slice %add3A_16 {offsets = [0, 0], sizes = [1000, 128], strides = [1, 1]} : vector<1000x384xf32> to vector<1000x128xf32>
    %slice3A_27 = vector.extract_strided_slice %add3A_26 {offsets = [0, 0], sizes = [1000, 128], strides = [1, 1]} : vector<1000x384xf32> to vector<1000x128xf32>
    %add3A_28 = arith.addf %slice3A, %slice3A_27 : vector<1000x128xf32>
    %logistic3A = arith.negf %add3A_28 : vector<1000x128xf32>
    %logistic3A_29 = math.exp %logistic3A : vector<1000x128xf32>
    %logistic3A_30 = arith.constant 1.000000e+00 : f32
    %logistic3A_31 = vector.broadcast %logistic3A_30 : f32 to vector<1000x128xf32>
    %logistic3A_32 = arith.addf %logistic3A_31, %logistic3A_29 : vector<1000x128xf32>
    %logistic3A_33 = arith.divf %logistic3A_31, %logistic3A_32 : vector<1000x128xf32>
    %slice3A_34 = vector.extract_strided_slice %add3A_16 {offsets = [0, 128], sizes = [1000, 128], strides = [1, 1]} : vector<1000x384xf32> to vector<1000x128xf32>
    %slice3A_35 = vector.extract_strided_slice %add3A_26 {offsets = [0, 128], sizes = [1000, 128], strides = [1, 1]} : vector<1000x384xf32> to vector<1000x128xf32>
    %add3A_36 = arith.addf %slice3A_34, %slice3A_35 : vector<1000x128xf32>
    %logistic3A_37 = arith.negf %add3A_36 : vector<1000x128xf32>
    %logistic3A_38 = math.exp %logistic3A_37 : vector<1000x128xf32>
    %logistic3A_39 = arith.constant 1.000000e+00 : f32
    %logistic3A_40 = vector.broadcast %logistic3A_39 : f32 to vector<1000x128xf32>
    %logistic3A_41 = arith.addf %logistic3A_40, %logistic3A_38 : vector<1000x128xf32>
    %logistic3A_42 = arith.divf %logistic3A_40, %logistic3A_41 : vector<1000x128xf32>
    %slice3A_43 = vector.extract_strided_slice %add3A_16 {offsets = [0, 256], sizes = [1000, 128], strides = [1, 1]} : vector<1000x384xf32> to vector<1000x128xf32>
    %slice3A_44 = vector.extract_strided_slice %add3A_26 {offsets = [0, 256], sizes = [1000, 128], strides = [1, 1]} : vector<1000x384xf32> to vector<1000x128xf32>
    %mul3A = arith.mulf %logistic3A_33, %slice3A_44 : vector<1000x128xf32>
    %add3A_45 = arith.addf %slice3A_43, %mul3A : vector<1000x128xf32>
    %tanh3A = math.tanh %add3A_45 : vector<1000x128xf32>
    %sub3A = arith.constant 1.000000e+00 : f32
    %sub3A_46 = vector.broadcast %sub3A : f32 to vector<1000x128xf32>
    %sub3A_47 = arith.subf %sub3A_46, %logistic3A_42 : vector<1000x128xf32>
    %mul3A_48 = arith.mulf %sub3A_47, %tanh3A : vector<1000x128xf32>
    %mul3A_49 = arith.mulf %logistic3A_42, %get3A_7 : vector<1000x128xf32>
    %add3A_50 = arith.addf %mul3A_48, %mul3A_49 : vector<1000x128xf32>
    %swap3A = arith.constant 0 : index
    %swap3A_51 = arith.constant 0 : index
    %swap3A_52 = vector.load %arg9[%swap3A, %swap3A_51] : memref<1000x128xf32, #tpu.memory_space<vmem>>, vector<1000x128xf32>
    tpu.vector_store %arg9[%swap3A, %swap3A_51], %add3A_50 {strides = array<i32>} : memref<1000x128xf32, #tpu.memory_space<vmem>>, vector<1000x128xf32>,
    %get3A_53 = arith.constant 0 : index
    %get3A_54 = arith.constant 0 : index
    %get3A_55 = vector.load %arg8[%get3A_53, %get3A_54] : memref<128x128xf32, #tpu.memory_space<vmem>>, vector<128x128xf32>
    %dot_general3A_56 = arith.constant dense<0.000000e+00> : vector<1000x128xf32>
    %dot_general3A_57 = tpu.matmul %add3A_50, %get3A_55, %dot_general3A_56 {dimension_numbers = #tpu.dot_dimension_numbers<[1], [0], [0], [1], [0, 0, 1, 1], [], []>, transpose_lhs_hint = false} : vector<1000x128xf32>, vector<128x128xf32>, vector<1000x128xf32> -> vector<1000x128xf32>
    %swap3A_58 = arith.constant 0 : index
    %swap3A_59 = arith.constant 0 : index
    %swap3A_60 = vector.load %arg10[%swap3A_58, %swap3A_59] : memref<1000x128xf32, #tpu.memory_space<vmem>>, vector<1000x128xf32>
    tpu.vector_store %arg10[%swap3A_58, %swap3A_59], %dot_general3A_57 {strides = array<i32>} : memref<1000x128xf32, #tpu.memory_space<vmem>>, vector<1000x128xf32>,
    return
  }
  func.func @transform_0(%arg0: i32) -> (i32, i32) {
    %c0_i32 = arith.constant 0 : i32
    %c0_i32_0 = arith.constant 0 : i32
    return %arg0, %c0_i32 : i32, i32
  }
  func.func @transform_1(%arg0: i32) -> (i32, i32) {
    %add3A = arith.constant 10 : i32
    %add3A_0 = arith.addi %arg0, %add3A : i32
    %c0_i32 = arith.constant 0 : i32
    %c0_i32_1 = arith.constant 0 : i32
    return %add3A_0, %c0_i32 : i32, i32
  }
  func.func @transform_2(%arg0: i32) -> (i32, i32) {
    %c0_i32 = arith.constant 0 : i32
    %c0_i32_0 = arith.constant 0 : i32
    return %arg0, %c0_i32 : i32, i32
  }
  func.func @transform_3(%arg0: i32) -> (i32, i32) {
    %c0_i32 = arith.constant 0 : i32
    %c0_i32_0 = arith.constant 0 : i32
    %c0_i32_1 = arith.constant 0 : i32
    return %c0_i32, %c0_i32_0 : i32, i32
  }
  func.func @transform_4(%arg0: i32) -> (i32, i32) {
    %c0_i32 = arith.constant 0 : i32
    %c0_i32_0 = arith.constant 0 : i32
    %c0_i32_1 = arith.constant 0 : i32
    return %c0_i32, %c0_i32_0 : i32, i32
  }
  func.func @transform_5(%arg0: i32) -> (i32, i32) {
    %c0_i32 = arith.constant 0 : i32
    %c0_i32_0 = arith.constant 0 : i32
    %c0_i32_1 = arith.constant 0 : i32
    return %c0_i32, %c0_i32_0 : i32, i32
  }
  func.func @transform_6(%arg0: i32) -> (i32, i32) {
    %c0_i32 = arith.constant 0 : i32
    %c0_i32_0 = arith.constant 0 : i32
    %c0_i32_1 = arith.constant 0 : i32
    return %c0_i32, %c0_i32_0 : i32, i32
  }
  func.func @transform_7(%arg0: i32) -> (i32, i32) {
    %c0_i32 = arith.constant 0 : i32
    %c0_i32_0 = arith.constant 0 : i32
    %c0_i32_1 = arith.constant 0 : i32
    return %c0_i32, %c0_i32_0 : i32, i32
  }
  func.func @transform_8(%arg0: i32) -> (i32, i32) {
    %c0_i32 = arith.constant 0 : i32
    %c0_i32_0 = arith.constant 0 : i32
    return %arg0, %c0_i32 : i32, i32
  }
  func.func @transform_9(%arg0: i32) -> (i32, i32) {
    %c0_i32 = arith.constant 0 : i32
    %c0_i32_0 = arith.constant 0 : i32
    return %arg0, %c0_i32 : i32, i32
  }
}

module attributes {stable_mosaic.version = 14 : i64} {
  func.func @_gru_body(%arg0: i32, %arg1: memref<1000x128xf32, #tpu.memory_space<vmem>>, %arg2: memref<1000x128xf32, #tpu.memory_space<vmem>>, %arg3: memref<1000x128xf32, #tpu.memory_space<vmem>>, %arg4: memref<384x128xf32, #tpu.memory_space<vmem>>, %arg5: memref<384x128xf32, #tpu.memory_space<vmem>>, %arg6: memref<1x384xf32, #tpu.memory_space<vmem>>, %arg7: memref<1x384xf32, #tpu.memory_space<vmem>>, %arg8: memref<128x128xf32, #tpu.memory_space<vmem>>, %arg9: memref<1000x128xf32, #tpu.memory_space<vmem>>, %arg10: memref<1000x128xf32, #tpu.memory_space<vmem>>) attributes {dimension_semantics = [#tpu.dimension_semantics<arbitrary>], iteration_bounds = array<i64: 10>, scalar_prefetch = 0 : i64, scratch_operands = 0 : i64, tpu.core_type = #tpu.core_type<tc>, window_params = [{transform_indices = @transform_0, window_bounds = array<i64: 1000, 128>}, {transform_indices = @transform_1, window_bounds = array<i64: 1000, 128>}, {transform_indices = @transform_2, window_bounds = array<i64: 1000, 128>}, {pipeline_mode = #tpu.pipeline_mode<synchronous>, transform_indices = @transform_3, window_bounds = array<i64: 384, 128>}, {pipeline_mode = #tpu.pipeline_mode<synchronous>, transform_indices = @transform_4, window_bounds = array<i64: 384, 128>}, {pipeline_mode = #tpu.pipeline_mode<synchronous>, transform_indices = @transform_5, window_bounds = array<i64: 1, 384>}, {pipeline_mode = #tpu.pipeline_mode<synchronous>, transform_indices = @transform_6, window_bounds = array<i64: 1, 384>}, {pipeline_mode = #tpu.pipeline_mode<synchronous>, transform_indices = @transform_7, window_bounds = array<i64: 128, 128>}, {transform_indices = @transform_8, window_bounds = array<i64: 1000, 128>}, {transform_indices = @transform_9, window_bounds = array<i64: 1000, 128>}]} {
    %get3A = arith.constant 0 : index
    %get3A_0 = arith.constant 0 : index
    %get3A_1 = vector.load %arg1[%get3A, %get3A_0] : memref<1000x128xf32, #tpu.memory_space<vmem>>, vector<1000x128xf32>
    %get3A_2 = arith.constant 0 : index
    %get3A_3 = arith.constant 0 : index
    %get3A_4 = vector.load %arg2[%get3A_2, %get3A_3] : memref<1000x128xf32, #tpu.memory_space<vmem>>, vector<1000x128xf32>
    %add3A = arith.addf %get3A_1, %get3A_4 : vector<1000x128xf32>
    %get3A_5 = arith.constant 0 : index
    %get3A_6 = arith.constant 0 : index
    %get3A_7 = vector.load %arg3[%get3A_5, %get3A_6] : memref<1000x128xf32, #tpu.memory_space<vmem>>, vector<1000x128xf32>
    %get3A_8 = arith.constant 0 : index
    %get3A_9 = arith.constant 0 : index
    %get3A_10 = vector.load %arg4[%get3A_8, %get3A_9] : memref<384x128xf32, #tpu.memory_space<vmem>>, vector<384x128xf32>
    %dot_general3A = arith.constant dense<0.000000e+00> : vector<1000x384xf32>
    %dot_general3A_11 = tpu.matmul %add3A, %get3A_10, %dot_general3A {dimension_numbers = #tpu.dot_dimension_numbers<[1], [1], [0], [0], [0, 0, 1, 0], [], []>, transpose_lhs_hint = false} : vector<1000x128xf32>, vector<384x128xf32>, vector<1000x384xf32> -> vector<1000x384xf32>
    %get3A_12 = arith.constant 0 : index
    %get3A_13 = arith.constant 0 : index
    %get3A_14 = vector.load %arg6[%get3A_12, %get3A_13] : memref<1x384xf32, #tpu.memory_space<vmem>>, vector<1x384xf32>
    %add3A_15 = vector.broadcast %get3A_14 : vector<1x384xf32> to vector<1000x384xf32>
    %add3A_16 = arith.addf %dot_general3A_11, %add3A_15 : vector<1000x384xf32>
    %get3A_17 = arith.constant 0 : index
    %get3A_18 = arith.constant 0 : index
    %get3A_19 = vector.load %arg5[%get3A_17, %get3A_18] : memref<384x128xf32, #tpu.memory_space<vmem>>, vector<384x128xf32>
    %dot_general3A_20 = arith.constant dense<0.000000e+00> : vector<1000x384xf32>
    %dot_general3A_21 = tpu.matmul %get3A_7, %get3A_19, %dot_general3A_20 {dimension_numbers = #tpu.dot_dimension_numbers<[1], [1], [0], [0], [0, 0, 1, 0], [], []>, transpose_lhs_hint = false} : vector<1000x128xf32>, vector<384x128xf32>, vector<1000x384xf32> -> vector<1000x384xf32>
    %get3A_22 = arith.constant 0 : index
    %get3A_23 = arith.constant 0 : index
    %get3A_24 = vector.load %arg7[%get3A_22, %get3A_23] : memref<1x384xf32, #tpu.memory_space<vmem>>, vector<1x384xf32>
    %add3A_25 = vector.broadcast %get3A_24 : vector<1x384xf32> to vector<1000x384xf32>
    %add3A_26 = arith.addf %dot_general3A_21, %add3A_25 : vector<1000x384xf32>
    %slice3A = vector.extract_strided_slice %add3A_16 {offsets = [0, 0], sizes = [1000, 128], strides = [1, 1]} : vector<1000x384xf32> to vector<1000x128xf32>
    %slice3A_27 = vector.extract_strided_slice %add3A_26 {offsets = [0, 0], sizes = [1000, 128], strides = [1, 1]} : vector<1000x384xf32> to vector<1000x128xf32>
    %add3A_28 = arith.addf %slice3A, %slice3A_27 : vector<1000x128xf32>
    %logistic3A = arith.negf %add3A_28 : vector<1000x128xf32>
    %logistic3A_29 = math.exp %logistic3A : vector<1000x128xf32>
    %logistic3A_30 = arith.constant 1.000000e+00 : f32
    %logistic3A_31 = vector.broadcast %logistic3A_30 : f32 to vector<1000x128xf32>
    %logistic3A_32 = arith.addf %logistic3A_31, %logistic3A_29 : vector<1000x128xf32>
    %logistic3A_33 = arith.divf %logistic3A_31, %logistic3A_32 : vector<1000x128xf32>
    %slice3A_34 = vector.extract_strided_slice %add3A_16 {offsets = [0, 128], sizes = [1000, 128], strides = [1, 1]} : vector<1000x384xf32> to vector<1000x128xf32>
    %slice3A_35 = vector.extract_strided_slice %add3A_26 {offsets = [0, 128], sizes = [1000, 128], strides = [1, 1]} : vector<1000x384xf32> to vector<1000x128xf32>
    %add3A_36 = arith.addf %slice3A_34, %slice3A_35 : vector<1000x128xf32>
    %logistic3A_37 = arith.negf %add3A_36 : vector<1000x128xf32>
    %logistic3A_38 = math.exp %logistic3A_37 : vector<1000x128xf32>
    %logistic3A_39 = arith.constant 1.000000e+00 : f32
    %logistic3A_40 = vector.broadcast %logistic3A_39 : f32 to vector<1000x128xf32>
    %logistic3A_41 = arith.addf %logistic3A_40, %logistic3A_38 : vector<1000x128xf32>
    %logistic3A_42 = arith.divf %logistic3A_40, %logistic3A_41 : vector<1000x128xf32>
    %slice3A_43 = vector.extract_strided_slice %add3A_16 {offsets = [0, 256], sizes = [1000, 128], strides = [1, 1]} : vector<1000x384xf32> to vector<1000x128xf32>
    %slice3A_44 = vector.extract_strided_slice %add3A_26 {offsets = [0, 256], sizes = [1000, 128], strides = [1, 1]} : vector<1000x384xf32> to vector<1000x128xf32>
    %mul3A = arith.mulf %logistic3A_33, %slice3A_44 : vector<1000x128xf32>
    %add3A_45 = arith.addf %slice3A_43, %mul3A : vector<1000x128xf32>
    %tanh3A = math.tanh %add3A_45 : vector<1000x128xf32>
    %sub3A = arith.constant 1.000000e+00 : f32
    %sub3A_46 = vector.broadcast %sub3A : f32 to vector<1000x128xf32>
    %sub3A_47 = arith.subf %sub3A_46, %logistic3A_42 : vector<1000x128xf32>
    %mul3A_48 = arith.mulf %sub3A_47, %tanh3A : vector<1000x128xf32>
    %mul3A_49 = arith.mulf %logistic3A_42, %get3A_7 : vector<1000x128xf32>
    %add3A_50 = arith.addf %mul3A_48, %mul3A_49 : vector<1000x128xf32>
    %swap3A = arith.constant 0 : index
    %swap3A_51 = arith.constant 0 : index
    %swap3A_52 = vector.load %arg9[%swap3A, %swap3A_51] : memref<1000x128xf32, #tpu.memory_space<vmem>>, vector<1000x128xf32>
    tpu.vector_store %arg9[%swap3A, %swap3A_51], %add3A_50 {strides = array<i32>} : memref<1000x128xf32, #tpu.memory_space<vmem>>, vector<1000x128xf32>,
    %get3A_53 = arith.constant 0 : index
    %get3A_54 = arith.constant 0 : index
    %get3A_55 = vector.load %arg8[%get3A_53, %get3A_54] : memref<128x128xf32, #tpu.memory_space<vmem>>, vector<128x128xf32>
    %dot_general3A_56 = arith.constant dense<0.000000e+00> : vector<1000x128xf32>
    %dot_general3A_57 = tpu.matmul %add3A_50, %get3A_55, %dot_general3A_56 {dimension_numbers = #tpu.dot_dimension_numbers<[1], [0], [0], [1], [0, 0, 1, 1], [], []>, transpose_lhs_hint = false} : vector<1000x128xf32>, vector<128x128xf32>, vector<1000x128xf32> -> vector<1000x128xf32>
    %swap3A_58 = arith.constant 0 : index
    %swap3A_59 = arith.constant 0 : index
    %swap3A_60 = vector.load %arg10[%swap3A_58, %swap3A_59] : memref<1000x128xf32, #tpu.memory_space<vmem>>, vector<1000x128xf32>
    tpu.vector_store %arg10[%swap3A_58, %swap3A_59], %dot_general3A_57 {strides = array<i32>} : memref<1000x128xf32, #tpu.memory_space<vmem>>, vector<1000x128xf32>,
    return
  }
  func.func @transform_0(%arg0: i32) -> (i32, i32) {
    %c0_i32 = arith.constant 0 : i32
    %c0_i32_0 = arith.constant 0 : i32
    return %arg0, %c0_i32 : i32, i32
  }
  func.func @transform_1(%arg0: i32) -> (i32, i32) {
    %add3A = arith.constant 10 : i32
    %add3A_0 = arith.addi %arg0, %add3A : i32
    %c0_i32 = arith.constant 0 : i32
    %c0_i32_1 = arith.constant 0 : i32
    return %add3A_0, %c0_i32 : i32, i32
  }
  func.func @transform_2(%arg0: i32) -> (i32, i32) {
    %c0_i32 = arith.constant 0 : i32
    %c0_i32_0 = arith.constant 0 : i32
    return %arg0, %c0_i32 : i32, i32
  }
  func.func @transform_3(%arg0: i32) -> (i32, i32) {
    %c0_i32 = arith.constant 0 : i32
    %c0_i32_0 = arith.constant 0 : i32
    %c0_i32_1 = arith.constant 0 : i32
    return %c0_i32, %c0_i32_0 : i32, i32
  }
  func.func @transform_4(%arg0: i32) -> (i32, i32) {
    %c0_i32 = arith.constant 0 : i32
    %c0_i32_0 = arith.constant 0 : i32
    %c0_i32_1 = arith.constant 0 : i32
    return %c0_i32, %c0_i32_0 : i32, i32
  }
  func.func @transform_5(%arg0: i32) -> (i32, i32) {
    %c0_i32 = arith.constant 0 : i32
    %c0_i32_0 = arith.constant 0 : i32
    %c0_i32_1 = arith.constant 0 : i32
    return %c0_i32, %c0_i32_0 : i32, i32
  }
  func.func @transform_6(%arg0: i32) -> (i32, i32) {
    %c0_i32 = arith.constant 0 : i32
    %c0_i32_0 = arith.constant 0 : i32
    %c0_i32_1 = arith.constant 0 : i32
    return %c0_i32, %c0_i32_0 : i32, i32
  }
  func.func @transform_7(%arg0: i32) -> (i32, i32) {
    %c0_i32 = arith.constant 0 : i32
    %c0_i32_0 = arith.constant 0 : i32
    %c0_i32_1 = arith.constant 0 : i32
    return %c0_i32, %c0_i32_0 : i32, i32
  }
  func.func @transform_8(%arg0: i32) -> (i32, i32) {
    %c0_i32 = arith.constant 0 : i32
    %c0_i32_0 = arith.constant 0 : i32
    return %arg0, %c0_i32 : i32, i32
  }
  func.func @transform_9(%arg0: i32) -> (i32, i32) {
    %c0_i32 = arith.constant 0 : i32
    %c0_i32_0 = arith.constant 0 : i32
    return %arg0, %c0_i32 : i32, i32
  }
}

module attributes {stable_mosaic.version = 14 : i64} {
  func.func @_head_body(%arg0: memref<2048x128xf32, #tpu.memory_space<vmem>>, %arg1: memref<32x128xf32, #tpu.memory_space<vmem>>, %arg2: memref<1x32xf32, #tpu.memory_space<vmem>>, %arg3: memref<1x32xf32, #tpu.memory_space<vmem>>, %arg4: memref<1x1xf32, #tpu.memory_space<vmem>>, %arg5: memref<64x1xf32, #tpu.memory_space<vmem>>, %arg6: memref<64x128xf32, #tpu.memory_space<vmem>>) attributes {dimension_semantics = [], scalar_prefetch = 0 : i64, scratch_operands = 0 : i64, tpu.core_type = #tpu.core_type<tc>} {
    %get3A = arith.constant 0 : index
    %get3A_0 = arith.constant 0 : index
    %get3A_1 = vector.load %arg0[%get3A, %get3A_0] : memref<2048x128xf32, #tpu.memory_space<vmem>>, vector<2048x128xf32>
    %reshape3A = vector.shape_cast %get3A_1 : vector<2048x128xf32> to vector<32x64x128xf32>
    %reduce_max3A = arith.constant dense<0xFF800000> : vector<64x128xf32>
    %reduce_max3A_2 = vector.multi_reduction <maximumf>, %reshape3A, %reduce_max3A [0] : vector<32x64x128xf32> to vector<64x128xf32>
    %get3A_3 = arith.constant 0 : index
    %get3A_4 = arith.constant 0 : index
    %get3A_5 = vector.load %arg1[%get3A_3, %get3A_4] : memref<32x128xf32, #tpu.memory_space<vmem>>, vector<32x128xf32>
    %dot_general3A = arith.constant dense<0.000000e+00> : vector<64x32xf32>
    %dot_general3A_6 = tpu.matmul %reduce_max3A_2, %get3A_5, %dot_general3A {dimension_numbers = #tpu.dot_dimension_numbers<[1], [1], [0], [0], [0, 0, 1, 0], [], []>, transpose_lhs_hint = false} : vector<64x128xf32>, vector<32x128xf32>, vector<64x32xf32> -> vector<64x32xf32>
    %get3A_7 = arith.constant 0 : index
    %get3A_8 = arith.constant 0 : index
    %get3A_9 = vector.load %arg2[%get3A_7, %get3A_8] : memref<1x32xf32, #tpu.memory_space<vmem>>, vector<1x32xf32>
    %add3A = vector.broadcast %get3A_9 : vector<1x32xf32> to vector<64x32xf32>
    %add3A_10 = arith.addf %dot_general3A_6, %add3A : vector<64x32xf32>
    %max3A = arith.constant 0.000000e+00 : f32
    %max3A_11 = vector.broadcast %max3A : f32 to vector<64x32xf32>
    %max3A_12 = arith.maximumf %add3A_10, %max3A_11 : vector<64x32xf32>
    %get3A_13 = arith.constant 0 : index
    %get3A_14 = arith.constant 0 : index
    %get3A_15 = vector.load %arg3[%get3A_13, %get3A_14] : memref<1x32xf32, #tpu.memory_space<vmem>>, vector<1x32xf32>
    %mul3A = vector.broadcast %get3A_15 : vector<1x32xf32> to vector<64x32xf32>
    %mul3A_16 = arith.mulf %max3A_12, %mul3A : vector<64x32xf32>
    %reduce_sum3A = arith.constant dense<0.000000e+00> : vector<64xf32>
    %reduce_sum3A_17 = vector.multi_reduction <add>, %mul3A_16, %reduce_sum3A [1] : vector<64x32xf32> to vector<64xf32>
    %broadcast_in_dim3A = vector.shape_cast %reduce_sum3A_17 : vector<64xf32> to vector<64x1xf32>
    %get3A_18 = arith.constant 0 : index
    %get3A_19 = arith.constant 0 : index
    %get3A_20 = vector.load %arg4[%get3A_18, %get3A_19] : memref<1x1xf32, #tpu.memory_space<vmem>>, vector<1x1xf32>
    %add3A_21 = vector.broadcast %get3A_20 : vector<1x1xf32> to vector<64x1xf32>
    %add3A_22 = arith.addf %broadcast_in_dim3A, %add3A_21 : vector<64x1xf32>
    %swap3A = arith.constant 0 : index
    %swap3A_23 = arith.constant 0 : index
    %swap3A_24 = vector.load %arg5[%swap3A, %swap3A_23] : memref<64x1xf32, #tpu.memory_space<vmem>>, vector<64x1xf32>
    tpu.vector_store %arg5[%swap3A, %swap3A_23], %add3A_22 {strides = array<i32>} : memref<64x1xf32, #tpu.memory_space<vmem>>, vector<64x1xf32>,
    %swap3A_25 = arith.constant 0 : index
    %swap3A_26 = arith.constant 0 : index
    %swap3A_27 = vector.load %arg6[%swap3A_25, %swap3A_26] : memref<64x128xf32, #tpu.memory_space<vmem>>, vector<64x128xf32>
    tpu.vector_store %arg6[%swap3A_25, %swap3A_26], %reduce_max3A_2 {strides = array<i32>} : memref<64x128xf32, #tpu.memory_space<vmem>>, vector<64x128xf32>,
    return
  }
}

</mosaic_0001>

<sc_bundles>
// kernel: kernel.12.cloned.1.call-start
scs
__scs_entry_jumppad:
0x0: {  	(pc) =	sbr.rel $0x88, $3  }
0x1: {  	(tag) =	ssettag $0x0;
	lr =	simm.s32 $0x1  }
0x2: {  	[smem:$0x3F94] =	sst lr;
	_ =	strace $0xD0000000  }
0x3: {  	_ = 	snop  }
0x4: {  	_ = 	snop  }
0x5: {  	_ = 	snop  }
0x6: {  	_ = 	snop  }
0x7: {  	_ = 	snop  }
__scs_overlays_trampoline_lowered:
0x8: {  	[smem:$0x3FA3] =	sst s0  }
0x9: {  	[smem:$0x3FA4] =	sst s1  }
0xa: {  	[smem:$0x3FA5] =	sst s2  }
0xb: {  	[smem:$0x3FA6] =	sst s3  }
0xc: {  	[smem:$0x3FA7] =	sst s4  }
0xd: {  	[smem:$0x3FA8] =	sst s5  }
0xe: {  	[smem:$0x3FA9] =	sst s6  }
0xf: {  	[smem:$0x3FAA] =	sst s7  }
0x10: {  	[smem:$0x3FAB] =	sst s8  }
0x11: {  	[smem:$0x3FAC] =	sst s9;
	s0 =	simm.s32 @!p0 $0x0  }
0x12: {  	s1 =	sld [smem:$0x3F92];
	s0 =	simm.s32 @p0 $0x1  }
0x13: {  	[smem:$0x3FAD] =	sst s0;
	s0 =	simm.s32 @!p1 $0x0  }
0x14: {  	s2 =	sld [smem:$0x3F91];
	s0 =	simm.s32 @p1 $0x1  }
0x15: {  	[smem:$0x3FAE] =	sst s0;
	s0 =	simm.s32 @!p2 $0x0  }
0x16: {  	s3 =	sld [smem:$0x3FDB];
	s0 =	simm.s32 @p2 $0x1  }
0x17: {  	s4 =	simm.s32 $0x1BF5;
	[smem:$0x3FB0] =	sst s0  }
0x18: {  	s0 =	sld [smem:$0x3F93];
	_ =	swait.ge [sflag:s4], $0x0  }
0x19: {  	s7 =	sld [smem:$0x3F94]  }
0x1a: {  	s8 =	sadd.s32 $0xFFFFE003, lr  }
0x1b: {  	s9 =	sadd.s32 $0xFFFFFEF7, lr;
	s5 =	simm.s32 $0xFFFFFFFF;
	p2 =	slt.u32 s8, $0xFFFFF086  }
0x1c: {  	p1 =	slt.u32 s9, $0xF7A;
	s5 =	simm.s32 @!p2 $0x0  }
0x1d: {  	s5 =	simm.s32 @p1 $0x1;
	p0 =	seq.s32 s7, s2  }
0x1e: {  	s7 =	smul.u32 @!p0 $0xF7A, s2;
	p2 =	seq.s32 @!p0 s5, $0x0  }
0x1f: {  	s9 =	smul.u32 $0xF7A, s1;
	s8 =	simm.s32 @!p0 $0x1BF5;
	p2 =	por !p2, p0  }
0x20: {  	[sflag:s8] =	ssyncset.s32 @!p0 $0xFFFFF086;
	s6 =	sadd.s32 @!p0 s3, s7;
	s7 =	simm.s32 @!p0 $0x108  }
0x21: {  	s3 =	sadd.s32 s3, s9;
	s6 =	sadd.s32 @!p0 $0x88, s6;
	s7 =	simm.s32 @p2 $0x1082  }
0x22: {  	[simem:s7], [sflag:s8] =	dma.local @!p0 [hbm:s6], $0xF7A  }
0x23: {  	s9 =	sor.u32 $0xD0000000, s2;
	s6 =	simm.s32 $0x108;
	_ =	swait.ge @!p0 [sflag:s8], $0x0  }
0x24: {  	s3 =	sadd.s32 $0x88, s3;
	s6 =	simm.s32 @!p1 $0x1082;
	[sflag:s4] =	ssyncset.s32 $0xFFFFF086  }
0x25: {  	[simem:s6], [sflag:s4] =	dma.local [hbm:s3], $0xF7A  }
0x26: {  	[smem:$0x3F94] =	sst s1;
	(tag) =	ssettag s2;
	_ =	strace s9  }
0x27: {  	s1 =	sld [smem:$0x3FA4]  }
0x28: {  	s2 =	sld [smem:$0x3FA5]  }
0x29: {  	s4 =	sld [smem:$0x3FA7]  }
0x2a: {  	p0 =	seq.s32 s5, $0x0;
	s5 =	sld [smem:$0x3FA8]  }
0x2b: {  	s6 =	sld [smem:$0x3FA9]  }
0x2c: {  	s7 =	sld [smem:$0x3FAA]  }
0x2d: {  	s3 =	simm.s32 $0x108;
	s8 =	sld [smem:$0x3FAB]  }
0x2e: {  	s3 =	simm.s32 @!p0 $0x1082;
	s9 =	sld [smem:$0x3FAC]  }
0x2f: {  	lr =	sadd.s32 s0, s3;
	s0 =	sld [smem:$0x3FA3]  }
0x30: {  	s3 =	sld [smem:$0x3FA6]  }
0x31: {  	[smem:$0x3FAF] =	sst s10  }
0x32: {  	s10 =	sld [smem:$0x3FAD];
	_ =	sdelay $0x3  }
0x33: {  	p0 =	seq.s32 s10, $0x1;
	s10 =	sld [smem:$0x3FAF];
	_ =	sdelay $0x3  }
0x34: {  	[smem:$0x3FAF] =	sst s10  }
0x35: {  	s10 =	sld [smem:$0x3FAE];
	_ =	sdelay $0x3  }
0x36: {  	p1 =	seq.s32 s10, $0x1;
	s10 =	sld [smem:$0x3FAF];
	_ =	sdelay $0x3  }
0x37: {  	[smem:$0x3FAF] =	sst s10  }
0x38: {  	s10 =	sld [smem:$0x3FB0]  }
0x39: {  	_ = 	snop;
	(pc) =	sbr.ind lr, $3  }
0x3a: {  	_ = 	snop  }
0x3b: {  	_ = 	snop  }
0x3c: {  	p2 =	seq.s32 s10, $0x1;
	s10 =	sld [smem:$0x3FAF]  }
0x3d: {  	_ =	shalt  }
0x3e: {  	_ =	shalt  }
0x3f: {  	_ =	shalt  }
0x40: {  	_ =	shalt  }
0x41: {  	_ =	shalt  }
0x42: {  	_ =	shalt  }
0x43: {  	_ =	shalt  }
0x44: {  	_ =	shalt  }
0x45: {  	_ =	shalt  }
0x46: {  	_ =	shalt  }
0x47: {  	_ =	shalt  }
0x48: {  	_ =	shalt  }
0x49: {  	_ =	shalt  }
0x4a: {  	_ =	shalt  }
0x4b: {  	_ =	shalt  }
0x4c: {  	_ =	shalt  }
0x4d: {  	_ =	shalt  }
0x4e: {  	_ =	shalt  }
0x4f: {  	_ =	shalt  }
0x50: {  	_ =	shalt  }
0x51: {  	_ =	shalt  }
0x52: {  	_ =	shalt  }
0x53: {  	_ =	shalt  }
0x54: {  	_ =	shalt  }
0x55: {  	_ =	shalt  }
0x56: {  	_ =	shalt  }
0x57: {  	_ =	shalt  }
0x58: {  	_ =	shalt  }
0x59: {  	_ =	shalt  }
0x5a: {  	_ =	shalt  }
0x5b: {  	_ =	shalt  }
0x5c: {  	_ =	shalt  }
0x5d: {  	_ =	shalt  }
0x5e: {  	_ =	shalt  }
0x5f: {  	_ =	shalt  }
0x60: {  	_ =	shalt  }
0x61: {  	_ =	shalt  }
0x62: {  	_ =	shalt  }
0x63: {  	_ =	shalt  }
0x64: {  	_ =	shalt  }
0x65: {  	_ =	shalt  }
0x66: {  	_ =	shalt  }
0x67: {  	_ =	shalt  }
0x68: {  	_ =	shalt  }
0x69: {  	_ =	shalt  }
0x6a: {  	_ =	shalt  }
0x6b: {  	_ =	shalt  }
0x6c: {  	_ =	shalt  }
0x6d: {  	_ =	shalt  }
0x6e: {  	_ =	shalt  }
0x6f: {  	_ =	shalt  }
0x70: {  	_ =	shalt  }
0x71: {  	_ =	shalt  }
0x72: {  	_ =	shalt  }
0x73: {  	_ =	shalt  }
0x74: {  	_ =	shalt  }
0x75: {  	_ =	shalt  }
0x76: {  	_ =	shalt  }
0x77: {  	_ =	shalt  }
0x78: {  	_ =	shalt  }
0x79: {  	_ =	shalt  }
0x7a: {  	_ =	shalt  }
0x7b: {  	_ =	shalt  }
0x7c: {  	_ =	shalt  }
0x7d: {  	_ =	shalt  }
0x7e: {  	_ =	shalt  }
0x7f: {  	_ =	shalt  }
0x80: {  	_ =	shalt  }
0x81: {  	_ =	shalt  }
0x82: {  	_ =	shalt  }
0x83: {  	_ =	shalt  }
0x84: {  	_ =	shalt  }
0x85: {  	_ =	shalt  }
0x86: {  	_ =	shalt  }
0x87: {  	_ =	shalt  }
.Lfunc_end0:
.L_simem_size_0:
called_computation_lowered:
.L_overlay_start_0:
0x88: {  	s2 =	sld [smem:$0x3FD9]  }
0x89: {  	s3 =	sld [smem:$0x3FFE];
	_ =	sdelay $0x1  }
0x8a: {  	s1 =	srdreg.scid  }
0x8b: {  	s0 =	sand.u32 $0x1, s1  }
0x8c: {  	s17 =	sshll.u32 s0, $0xA;
	s2 =	sadd.s32 s3, s2  }
0x8d: {  	s2 =	sadd.s32 s2, s17  }
0x8e: {  	[smem:$0x3FBB] =	sst s2  }
0x8f: {  	_ = 	snop  }
0x90: {  	s2 =	sld [smem:$0x3FC6];
	(tm) =	ssettm $0x1  }
0x91: {  	s18 =	sld [smem:$0x3FFB];
	_ =	sdelay $0x3  }
0x92: {  	_ =	strace s18  }
0x93: {  	s3 =	sld [smem:$0x3FFC];
	_ =	sdelay $0x3  }
0x94: {  	_ =	strace s3  }
0x95: {  	s3 =	sld [smem:$0x3FFD];
	_ =	sdelay $0x3  }
0x96: {  	_ =	strace s3  }
0x97: {  	_ =	strace $0x8FFFFFFF  }
0x98: {  	s19 =	sld [smem:$0x3FDB];
	_ =	sdelay $0x1  }
0x99: {  	s4 =	simm.s32 $_scs_section_size  }
0x9a: {  	s5 =	simm.s32 $_size__tile_overlayer_lowered;
	s6 =	simm.s32 $_tile_overlayer_lowered  }
0x9b: {  	s22 =	simm.s32 $0x1BFF;
	s21 =	sshll.u32 s6, $0x1;
	s3 =	sadd.s32 s4, s19  }
0x9c: {  	s7 =	simm.s32 $0x0;
	s20 =	sshll.u32 s5, $0x1;
	s5 =	sadd.s32 s21, s3  }
0x9d: {  	[timem:s7], [sflag:s22] =	dma.local [hbm:s5], s20  }
0x9e: {  	_ =	swait.ge [sflag:s22], s20  }
0x9f: {  	s4 =	ssub.s32 $0x0, s20;
	[sflag:s22] =	ssyncset.done $0x0  }
0xa0: {  	[sflag:s22] =	ssyncadd.s32 s4;
	_ =	sdelay $0x1  }
0xa1: {  	s23 =	simm.s32 $0x1B8B  }
0xa2: {  	_ =	swait.ge [sflag:s23], $0x1  }
0xa3: {  	[sflag:s23] =	ssyncset.done $0x0  }
0xa4: {  	s25 =	simm.s32 $0x1B8E;
	s24 =	sld [smem:$0x3FFE];
	[sflag:s23] =	ssyncadd.s32 $0xFFFFFFFF  }
0xa5: {  	s26 =	simm.s32 $execute0_lowered;
	[smem:$0x3FD2] =	sst s25  }
0xa6: {  	s5 =	sshll.u32 s26, $0x1;
	_ =	strace $0x80000046;
	[dreg:$0x1] =	wrdreg $0xFFFFFFFF  }
0xa7: {  	s28 =	simm.s32 $_size_execute0_lowered;
	s3 =	sadd.s32 s3, s5;
	[dreg:$0x0] =	wrdreg $0x0  }
0xa8: {  	s5 =	sshll.u32 s28, $0x1;
	[dreg:$0x2] =	wrdreg s3  }
0xa9: {  	[dreg:$0x3] =	wrdreg s5  }
0xaa: {  	[dreg:$0x4] =	wrdreg $0xC0  }
0xab: {  	_ =	task [dreg:s7], $0x5FFFF  }
0xac: {  	[dreg:$0x1] =	wrdreg $0xFFFFFFFF  }
0xad: {  	[dreg:$0x0] =	wrdreg $0x60  }
0xae: {  	[dreg:$0x2] =	wrdreg s2  }
0xaf: {  	[dreg:$0x3] =	wrdreg s24  }
0xb0: {  	[dreg:$0x4] =	wrdreg $0x9  }
0xb1: {  	_ =	task.clear_ibuf [dreg:s7], $0x5FFFF;
	_ =	strace $0x90000046  }
0xb2: {  	s29 =	simm.s32 $0x9;
	_ =	strace $0x80000048  }
0xb3: {  	_ =	swait.ge [sflag:s29], $0x1  }
0xb4: {  	[sflag:s29] =	ssyncadd.s32 $0xFFFFFFFF  }
0xb5: {  	_ =	strace $0x90000048  }
0xb6: {  	_ =	sfence  }
0xb7: {  	s30 =	sld [smem:$0x0];
	_ =	sdelay $0x2  }
0xb8: {  	s31 =	sshll.u32 s1, $0xD;
	s1 =	sshrl.u32 s1, $0x2  }
0xb9: {  	s3 =	sand.u32 $0x4000, s31;
	s1 =	sadd.s32 s1, s30  }
0xba: {  	s0 =	sor.u32 s3, s0;
	s1 =	sshll.u32 s1, $0x11  }
0xbb: {  	s0 =	sor.u32 s1, s0  }
0xbc: {  	s0 =	sadd.s32 $0x8F2B, s0  }
0xbd: {  	[sflag:s0] =	ssyncadd.remote.s32 $0x1  }
0xbe: {  	_ =	sfence.sel $0xFFFF  }
0xbf: {  	[dreg:$0x0] =	wrdreg $0xFFFFFFFF;
	(pc) =	sbr.abs _section_cstart, $3  }
0xc0: {  	[dreg:$0x1] =	wrdreg $0xFFFFFFFF  }
0xc1: {  	_ =	task.clear_ibuf [dreg:s7], $0x2FFFF;
	_ =	strace $0x9FFFFFFF  }
0xc2: {  	(tm) =	ssettm $0x7FFFFFFF  }
0xc3: {  	_ =	shalt  }
tec
execute0_lowered:
.L_overlay_start_1:
0x0: {  	(tag) =	ssettag $0x1  }
0x1: {  	s0 =	srdreg.scid  }
0x2: {  	s15 =	sand.u32 $0x1, s0  }
0x3: {  	s0 =	stileid.u32;
	s1 =	sshll.u32 s15, $0x4  }
0x4: {  	s2 =	rddreg [dreg:$0x0];
	s9 =	sor.u32 s0, s1  }
0x5: {  	s10 =	rddreg [dreg:$0x1];
	s3 =	simm.s32 $0x0;
	s14 =	smul.u32 $0x140, s9  }
0x6: {  	[smem:$0x7FF] =	sst s3  }
0x7: {  	s16 =	sadd.s32 $0x3200, s10;
	s1 =	rddreg [dreg:$0x2];
	s4 =	sshrl.u32 s14, $0x3  }
0x8: {  	_ =	strace $0x80000047;
	s5 =	sadd.s32 s16, s4;
	s4 =	simm.s32 $0x2  }
0x9: {  	[tilespmem:s3], [sflag:$0x2] =	stream.linear.gather [hbm4b:s5+s3], $0x50, $0x38;
	[tilespmem:$0x2880] =	vst v63  }
0xa: {  	_ =	swait.ge [sflag:s4], $0x50  }
0xb: {  	s6 =	simm.s32 $0x50;
	[sflag:s4] =	ssyncset.done $0x0  }
0xc: {  	s7 =	simm.s32 $0x80;
	s8 =	simm.s32 $0x1;
	[sflag:s4] =	ssyncadd.s32 $0xFFFFFFB0  }
0xd: {  	[tilespmem:s7], [sflag:$0x1] =	stream.indirect.gather [hbm4b:s2+s6], $0x80, s3, s6, $0xb8;
	[tilespmem:$0x2880] =	vst v63  }
0xe: {  	s9 =	smul.u32 $0x1400, s9;
	_ =	swait.ge [sflag:s8], $0x2800  }
0xf: {  	s17 =	sadd.s32 $0x3800, s10;
	[sflag:s8] =	ssyncset.done $0x0  }
0x10: {  	s9 =	sadd.s32 s17, s9;
	[sflag:s8] =	ssyncadd.s32 $0xFFFFD800  }
0x11: {  	[hbm4b:s9+s3] =	stream.linear.scatter [tilespmem:s7], [sflag:$0x2], $0x2800, $0x38;
	[tilespmem:$0x2880] =	vst v63  }
0x12: {  	s11 =	sadd.s32 $0x50, s14;
	_ =	swait.ge [sflag:s4], $0x2800  }
0x13: {  	s29 =	sshrl.u32 s11, $0x3;
	[sflag:s4] =	ssyncset.done $0x0  }
0x14: {  	s10 =	sadd.s32 s16, s29;
	[sflag:s4] =	ssyncadd.s32 $0xFFFFD800  }
0x15: {  	[tilespmem:s3], [sflag:$0x2] =	stream.linear.gather [hbm4b:s10+s3], $0x50, $0x38;
	[tilespmem:$0x2880] =	vst v63  }
0x16: {  	_ =	swait.ge [sflag:s4], $0x50  }
0x17: {  	[sflag:s4] =	ssyncset.done $0x0  }
0x18: {  	[sflag:s4] =	ssyncadd.s32 $0xFFFFFFB0  }
0x19: {  	[tilespmem:s7], [sflag:$0x1] =	stream.indirect.gather [hbm4b:s2+s6], $0x80, s3, s6, $0xb8;
	[tilespmem:$0x2880] =	vst v63  }
0x1a: {  	_ =	swait.ge [sflag:s8], $0x2800  }
0x1b: {  	s11 =	sshll.u32 s11, $0x4;
	[sflag:s8] =	ssyncset.done $0x0  }
0x1c: {  	s11 =	sadd.s32 s17, s11;
	[sflag:s8] =	ssyncadd.s32 $0xFFFFD800  }
0x1d: {  	[hbm4b:s11+s3] =	stream.linear.scatter [tilespmem:s7], [sflag:$0x2], $0x2800, $0x38;
	[tilespmem:$0x2880] =	vst v63  }
0x1e: {  	s13 =	sadd.s32 $0xA0, s14;
	_ =	swait.ge [sflag:s4], $0x2800  }
0x1f: {  	s12 =	sshrl.u32 s13, $0x3;
	[sflag:s4] =	ssyncset.done $0x0  }
0x20: {  	s12 =	sadd.s32 s16, s12;
	[sflag:s4] =	ssyncadd.s32 $0xFFFFD800  }
0x21: {  	[tilespmem:s3], [sflag:$0x2] =	stream.linear.gather [hbm4b:s12+s3], $0x50, $0x38;
	[tilespmem:$0x2880] =	vst v63  }
0x22: {  	_ =	swait.ge [sflag:s4], $0x50  }
0x23: {  	[sflag:s4] =	ssyncset.done $0x0  }
0x24: {  	[sflag:s4] =	ssyncadd.s32 $0xFFFFFFB0  }
0x25: {  	[tilespmem:s7], [sflag:$0x1] =	stream.indirect.gather [hbm4b:s2+s6], $0x80, s3, s6, $0xb8;
	[tilespmem:$0x2880] =	vst v63  }
0x26: {  	_ =	swait.ge [sflag:s8], $0x2800  }
0x27: {  	s13 =	sshll.u32 s13, $0x4;
	[sflag:s8] =	ssyncset.done $0x0  }
0x28: {  	s13 =	sadd.s32 s17, s13;
	[sflag:s8] =	ssyncadd.s32 $0xFFFFD800  }
0x29: {  	[hbm4b:s13+s3] =	stream.linear.scatter [tilespmem:s7], [sflag:$0x2], $0x2800, $0x38;
	[tilespmem:$0x2880] =	vst v63  }
0x2a: {  	s18 =	sadd.s32 $0xF0, s14;
	_ =	swait.ge [sflag:s4], $0x2800  }
0x2b: {  	s14 =	sshrl.u32 s18, $0x3;
	[sflag:s4] =	ssyncset.done $0x0  }
0x2c: {  	s15 =	ssub.s32 $0x2, s15;
	s14 =	sadd.s32 s16, s14;
	[sflag:s4] =	ssyncadd.s32 $0xFFFFD800  }
0x2d: {  	[tilespmem:s3], [sflag:$0x2] =	stream.linear.gather [hbm4b:s14+s3], $0x50, $0x38;
	[tilespmem:$0x2880] =	vst v63  }
0x2e: {  	s30 =	sshrl.u32 s15, $0x1;
	_ =	swait.ge [sflag:s4], $0x50  }
0x2f: {  	s16 =	ssub.s32 s15, s30;
	[sflag:s4] =	ssyncset.done $0x0  }
0x30: {  	s16 =	smax.u32 s16, $0x1;
	[sflag:s4] =	ssyncadd.s32 $0xFFFFFFB0  }
0x31: {  	[tilespmem:s7], [sflag:$0x1] =	stream.indirect.gather [hbm4b:s2+s6], $0x80, s3, s6, $0xb8;
	[tilespmem:$0x2880] =	vst v63  }
0x32: {  	p0 =	sne.s32 s16, $0x1;
	_ =	swait.ge [sflag:s8], $0x2800  }
.Ltmp0:
0x33: {  	s31 =	sshll.u32 s18, $0x4;
	[sflag:s8] =	ssyncset.done $0x0;
	(pc) =	sbr.rel @!p0 .LBB2_2-.Ltmp0, $4  }
0x34: {  	s15 =	sadd.s32 s17, s31;
	[sflag:s8] =	ssyncadd.s32 $0xFFFFD800  }
0x35: {  	[hbm4b:s15+s3] =	stream.linear.scatter [tilespmem:s7], [sflag:$0x2], $0x2800, $0x38;
	[tilespmem:$0x2880] =	vst v63  }
0x36: {  	_ =	swait.ge [sflag:s4], $0x2800  }
0x37: {  	s16 =	sadd.s32 $0xFFFFFFFF, s16;
	[sflag:s4] =	ssyncset.done $0x0  }
.LBB2_1:
0x38: {  	p0 =	sne.s32 s16, $0x1;
	s16 =	sadd.s32 $0xFFFFFFFF, s16;
	[sflag:s4] =	ssyncadd.s32 $0xFFFFD800  }
0x39: {  	[tilespmem:s3], [sflag:$0x2] =	stream.linear.gather [hbm4b:s5+s3], $0x50, $0x38;
	[tilespmem:$0x2880] =	vst v63  }
0x3a: {  	_ =	swait.ge [sflag:s4], $0x50  }
0x3b: {  	[sflag:s4] =	ssyncset.done $0x0  }
0x3c: {  	[sflag:s4] =	ssyncadd.s32 $0xFFFFFFB0  }
0x3d: {  	[tilespmem:s7], [sflag:$0x1] =	stream.indirect.gather [hbm4b:s2+s6], $0x80, s3, s6, $0xb8;
	[tilespmem:$0x2880] =	vst v63  }
0x3e: {  	_ =	swait.ge [sflag:s8], $0x2800  }
0x3f: {  	[sflag:s8] =	ssyncset.done $0x0  }
0x40: {  	[sflag:s8] =	ssyncadd.s32 $0xFFFFD800  }
0x41: {  	[hbm4b:s9+s3] =	stream.linear.scatter [tilespmem:s7], [sflag:$0x2], $0x2800, $0x38;
	[tilespmem:$0x2880] =	vst v63  }
0x42: {  	_ =	swait.ge [sflag:s4], $0x2800  }
0x43: {  	[sflag:s4] =	ssyncset.done $0x0  }
0x44: {  	[sflag:s4] =	ssyncadd.s32 $0xFFFFD800  }
0x45: {  	[tilespmem:s3], [sflag:$0x2] =	stream.linear.gather [hbm4b:s10+s3], $0x50, $0x38;
	[tilespmem:$0x2880] =	vst v63  }
0x46: {  	_ =	swait.ge [sflag:s4], $0x50  }
0x47: {  	[sflag:s4] =	ssyncset.done $0x0  }
0x48: {  	[sflag:s4] =	ssyncadd.s32 $0xFFFFFFB0  }
0x49: {  	[tilespmem:s7], [sflag:$0x1] =	stream.indirect.gather [hbm4b:s2+s6], $0x80, s3, s6, $0xb8;
	[tilespmem:$0x2880] =	vst v63  }
0x4a: {  	_ =	swait.ge [sflag:s8], $0x2800  }
0x4b: {  	[sflag:s8] =	ssyncset.done $0x0  }
0x4c: {  	[sflag:s8] =	ssyncadd.s32 $0xFFFFD800  }
0x4d: {  	[hbm4b:s11+s3] =	stream.linear.scatter [tilespmem:s7], [sflag:$0x2], $0x2800, $0x38;
	[tilespmem:$0x2880] =	vst v63  }
0x4e: {  	_ =	swait.ge [sflag:s4], $0x2800  }
0x4f: {  	[sflag:s4] =	ssyncset.done $0x0  }
0x50: {  	[sflag:s4] =	ssyncadd.s32 $0xFFFFD800  }
0x51: {  	[tilespmem:s3], [sflag:$0x2] =	stream.linear.gather [hbm4b:s12+s3], $0x50, $0x38;
	[tilespmem:$0x2880] =	vst v63  }
0x52: {  	_ =	swait.ge [sflag:s4], $0x50  }
0x53: {  	[sflag:s4] =	ssyncset.done $0x0  }
0x54: {  	[sflag:s4] =	ssyncadd.s32 $0xFFFFFFB0  }
0x55: {  	[tilespmem:s7], [sflag:$0x1] =	stream.indirect.gather [hbm4b:s2+s6], $0x80, s3, s6, $0xb8;
	[tilespmem:$0x2880] =	vst v63  }
0x56: {  	_ =	swait.ge [sflag:s8], $0x2800  }
0x57: {  	[sflag:s8] =	ssyncset.done $0x0  }
0x58: {  	[sflag:s8] =	ssyncadd.s32 $0xFFFFD800  }
0x59: {  	[hbm4b:s13+s3] =	stream.linear.scatter [tilespmem:s7], [sflag:$0x2], $0x2800, $0x38;
	[tilespmem:$0x2880] =	vst v63  }
0x5a: {  	_ =	swait.ge [sflag:s4], $0x2800  }
0x5b: {  	[sflag:s4] =	ssyncset.done $0x0  }
0x5c: {  	[sflag:s4] =	ssyncadd.s32 $0xFFFFD800  }
0x5d: {  	[tilespmem:s3], [sflag:$0x2] =	stream.linear.gather [hbm4b:s14+s3], $0x50, $0x38;
	[tilespmem:$0x2880] =	vst v63  }
0x5e: {  	_ =	swait.ge [sflag:s4], $0x50  }
0x5f: {  	[sflag:s4] =	ssyncset.done $0x0  }
0x60: {  	[sflag:s4] =	ssyncadd.s32 $0xFFFFFFB0  }
0x61: {  	[tilespmem:s7], [sflag:$0x1] =	stream.indirect.gather [hbm4b:s2+s6], $0x80, s3, s6, $0xb8;
	[tilespmem:$0x2880] =	vst v63  }
0x62: {  	_ =	swait.ge [sflag:s8], $0x2800  }
.Ltmp1:
0x63: {  	[sflag:s8] =	ssyncset.done $0x0;
	(pc) =	sbr.rel @p0 .LBB2_1-.Ltmp1, $4  }
0x64: {  	[sflag:s8] =	ssyncadd.s32 $0xFFFFD800  }
0x65: {  	[hbm4b:s15+s3] =	stream.linear.scatter [tilespmem:s7], [sflag:$0x2], $0x2800, $0x38;
	[tilespmem:$0x2880] =	vst v63  }
0x66: {  	_ =	swait.ge [sflag:s4], $0x2800  }
0x67: {  	[sflag:s4] =	ssyncset.done $0x0  }
.LBB2_2:
0x68: {  	[sflag:s4] =	ssyncadd.s32 $0xFFFFD800  }
0x69: {  	_ =	sfence.sel $0x180000  }
0x6a: {  	[bflag:$0x0] =	sbarrier.arrive $0xFFFF  }
0x6b: {  	p0 =	sne.s32 s0, $0x0;
	_ =	strace $0x90000047  }
0x6c: {  	s0 =	sadd.s32 @!p0 $0x100000, s1;
	[bflag:$0x2] =	sbarrier.arrive $0xFFFF  }
0x6d: {  	[sflag:s0] =	ssyncadd.tile.s32 @!p0 $0x1;
	_ =	shalt  }
.Lfunc_end2:
_tile_overlayer_lowered:
.L_overlay_start_2:
0x6e: {  	(tag) =	ssettag $0x2  }
0x6f: {  	s0 =	rddreg [dreg:$0x0];
	s2 =	stileid.u32  }
0x70: {  	s1 =	rddreg [dreg:$0x1];
	p0 =	sne.s32 s2, $0x0  }
0x71: {  	s3 =	rddreg [dreg:$0x2];
	[bflag:$0x3] =	sbarrier.arrive $0xFFFF;
	s2 =	simm.s32 @!p0 $0x1C02  }
0x72: {  	[timem:s3], [sflag:s2] =	dma.local @!p0 [hbm:s0], s1  }
0x73: {  	s0 =	simm.s32 @!p0 $0x2  }
0x74: {  	_ =	swait.ge @!p0 [sflag:s0], s1  }
0x75: {  	s1 =	ssub.s32 @!p0 $0x0, s1;
	[sflag:s0] =	ssyncset.done @!p0 $0x0  }
0x76: {  	[sflag:s0] =	ssyncadd.s32 @!p0 s1  }
0x77: {  	[bflag:$0x3] =	sbarrier.arrive $0xFFFF  }
0x78: {  	_ =	shalt  }

// kernel: kernel.15.cloned.1.call-start
scs
__scs_entry_jumppad:
0x0: {  	(pc) =	sbr.rel $0x88, $3  }
0x1: {  	(tag) =	ssettag $0x0;
	lr =	simm.s32 $0x1  }
0x2: {  	[smem:$0x3F94] =	sst lr;
	_ =	strace $0xD0000000  }
0x3: {  	_ = 	snop  }
0x4: {  	_ = 	snop  }
0x5: {  	_ = 	snop  }
0x6: {  	_ = 	snop  }
0x7: {  	_ = 	snop  }
__scs_overlays_trampoline_lowered:
0x8: {  	[smem:$0x3FA3] =	sst s0  }
0x9: {  	[smem:$0x3FA4] =	sst s1  }
0xa: {  	[smem:$0x3FA5] =	sst s2  }
0xb: {  	[smem:$0x3FA6] =	sst s3  }
0xc: {  	[smem:$0x3FA7] =	sst s4  }
0xd: {  	[smem:$0x3FA8] =	sst s5  }
0xe: {  	[smem:$0x3FA9] =	sst s6  }
0xf: {  	[smem:$0x3FAA] =	sst s7  }
0x10: {  	[smem:$0x3FAB] =	sst s8  }
0x11: {  	[smem:$0x3FAC] =	sst s9;
	s0 =	simm.s32 @!p0 $0x0  }
0x12: {  	s1 =	sld [smem:$0x3F92];
	s0 =	simm.s32 @p0 $0x1  }
0x13: {  	[smem:$0x3FAD] =	sst s0;
	s0 =	simm.s32 @!p1 $0x0  }
0x14: {  	s2 =	sld [smem:$0x3F91];
	s0 =	simm.s32 @p1 $0x1  }
0x15: {  	[smem:$0x3FAE] =	sst s0;
	s0 =	simm.s32 @!p2 $0x0  }
0x16: {  	s3 =	sld [smem:$0x3FDB];
	s0 =	simm.s32 @p2 $0x1  }
0x17: {  	s4 =	simm.s32 $0x1BF5;
	[smem:$0x3FB0] =	sst s0  }
0x18: {  	s0 =	sld [smem:$0x3F93];
	_ =	swait.ge [sflag:s4], $0x0  }
0x19: {  	s7 =	sld [smem:$0x3F94]  }
0x1a: {  	s8 =	sadd.s32 $0xFFFFE003, lr  }
0x1b: {  	s9 =	sadd.s32 $0xFFFFFEF7, lr;
	s5 =	simm.s32 $0xFFFFFFFF;
	p2 =	slt.u32 s8, $0xFFFFF086  }
0x1c: {  	p1 =	slt.u32 s9, $0xF7A;
	s5 =	simm.s32 @!p2 $0x0  }
0x1d: {  	s5 =	simm.s32 @p1 $0x1;
	p0 =	seq.s32 s7, s2  }
0x1e: {  	s7 =	smul.u32 @!p0 $0xF7A, s2;
	p2 =	seq.s32 @!p0 s5, $0x0  }
0x1f: {  	s9 =	smul.u32 $0xF7A, s1;
	s8 =	simm.s32 @!p0 $0x1BF5;
	p2 =	por !p2, p0  }
0x20: {  	[sflag:s8] =	ssyncset.s32 @!p0 $0xFFFFF086;
	s6 =	sadd.s32 @!p0 s3, s7;
	s7 =	simm.s32 @!p0 $0x108  }
0x21: {  	s3 =	sadd.s32 s3, s9;
	s6 =	sadd.s32 @!p0 $0x88, s6;
	s7 =	simm.s32 @p2 $0x1082  }
0x22: {  	[simem:s7], [sflag:s8] =	dma.local @!p0 [hbm:s6], $0xF7A  }
0x23: {  	s9 =	sor.u32 $0xD0000000, s2;
	s6 =	simm.s32 $0x108;
	_ =	swait.ge @!p0 [sflag:s8], $0x0  }
0x24: {  	s3 =	sadd.s32 $0x88, s3;
	s6 =	simm.s32 @!p1 $0x1082;
	[sflag:s4] =	ssyncset.s32 $0xFFFFF086  }
0x25: {  	[simem:s6], [sflag:s4] =	dma.local [hbm:s3], $0xF7A  }
0x26: {  	[smem:$0x3F94] =	sst s1;
	(tag) =	ssettag s2;
	_ =	strace s9  }
0x27: {  	s1 =	sld [smem:$0x3FA4]  }
0x28: {  	s2 =	sld [smem:$0x3FA5]  }
0x29: {  	s4 =	sld [smem:$0x3FA7]  }
0x2a: {  	p0 =	seq.s32 s5, $0x0;
	s5 =	sld [smem:$0x3FA8]  }
0x2b: {  	s6 =	sld [smem:$0x3FA9]  }
0x2c: {  	s7 =	sld [smem:$0x3FAA]  }
0x2d: {  	s3 =	simm.s32 $0x108;
	s8 =	sld [smem:$0x3FAB]  }
0x2e: {  	s3 =	simm.s32 @!p0 $0x1082;
	s9 =	sld [smem:$0x3FAC]  }
0x2f: {  	lr =	sadd.s32 s0, s3;
	s0 =	sld [smem:$0x3FA3]  }
0x30: {  	s3 =	sld [smem:$0x3FA6]  }
0x31: {  	[smem:$0x3FAF] =	sst s10  }
0x32: {  	s10 =	sld [smem:$0x3FAD];
	_ =	sdelay $0x3  }
0x33: {  	p0 =	seq.s32 s10, $0x1;
	s10 =	sld [smem:$0x3FAF];
	_ =	sdelay $0x3  }
0x34: {  	[smem:$0x3FAF] =	sst s10  }
0x35: {  	s10 =	sld [smem:$0x3FAE];
	_ =	sdelay $0x3  }
0x36: {  	p1 =	seq.s32 s10, $0x1;
	s10 =	sld [smem:$0x3FAF];
	_ =	sdelay $0x3  }
0x37: {  	[smem:$0x3FAF] =	sst s10  }
0x38: {  	s10 =	sld [smem:$0x3FB0]  }
0x39: {  	_ = 	snop;
	(pc) =	sbr.ind lr, $3  }
0x3a: {  	_ = 	snop  }
0x3b: {  	_ = 	snop  }
0x3c: {  	p2 =	seq.s32 s10, $0x1;
	s10 =	sld [smem:$0x3FAF]  }
0x3d: {  	_ =	shalt  }
0x3e: {  	_ =	shalt  }
0x3f: {  	_ =	shalt  }
0x40: {  	_ =	shalt  }
0x41: {  	_ =	shalt  }
0x42: {  	_ =	shalt  }
0x43: {  	_ =	shalt  }
0x44: {  	_ =	shalt  }
0x45: {  	_ =	shalt  }
0x46: {  	_ =	shalt  }
0x47: {  	_ =	shalt  }
0x48: {  	_ =	shalt  }
0x49: {  	_ =	shalt  }
0x4a: {  	_ =	shalt  }
0x4b: {  	_ =	shalt  }
0x4c: {  	_ =	shalt  }
0x4d: {  	_ =	shalt  }
0x4e: {  	_ =	shalt  }
0x4f: {  	_ =	shalt  }
0x50: {  	_ =	shalt  }
0x51: {  	_ =	shalt  }
0x52: {  	_ =	shalt  }
0x53: {  	_ =	shalt  }
0x54: {  	_ =	shalt  }
0x55: {  	_ =	shalt  }
0x56: {  	_ =	shalt  }
0x57: {  	_ =	shalt  }
0x58: {  	_ =	shalt  }
0x59: {  	_ =	shalt  }
0x5a: {  	_ =	shalt  }
0x5b: {  	_ =	shalt  }
0x5c: {  	_ =	shalt  }
0x5d: {  	_ =	shalt  }
0x5e: {  	_ =	shalt  }
0x5f: {  	_ =	shalt  }
0x60: {  	_ =	shalt  }
0x61: {  	_ =	shalt  }
0x62: {  	_ =	shalt  }
0x63: {  	_ =	shalt  }
0x64: {  	_ =	shalt  }
0x65: {  	_ =	shalt  }
0x66: {  	_ =	shalt  }
0x67: {  	_ =	shalt  }
0x68: {  	_ =	shalt  }
0x69: {  	_ =	shalt  }
0x6a: {  	_ =	shalt  }
0x6b: {  	_ =	shalt  }
0x6c: {  	_ =	shalt  }
0x6d: {  	_ =	shalt  }
0x6e: {  	_ =	shalt  }
0x6f: {  	_ =	shalt  }
0x70: {  	_ =	shalt  }
0x71: {  	_ =	shalt  }
0x72: {  	_ =	shalt  }
0x73: {  	_ =	shalt  }
0x74: {  	_ =	shalt  }
0x75: {  	_ =	shalt  }
0x76: {  	_ =	shalt  }
0x77: {  	_ =	shalt  }
0x78: {  	_ =	shalt  }
0x79: {  	_ =	shalt  }
0x7a: {  	_ =	shalt  }
0x7b: {  	_ =	shalt  }
0x7c: {  	_ =	shalt  }
0x7d: {  	_ =	shalt  }
0x7e: {  	_ =	shalt  }
0x7f: {  	_ =	shalt  }
0x80: {  	_ =	shalt  }
0x81: {  	_ =	shalt  }
0x82: {  	_ =	shalt  }
0x83: {  	_ =	shalt  }
0x84: {  	_ =	shalt  }
0x85: {  	_ =	shalt  }
0x86: {  	_ =	shalt  }
0x87: {  	_ =	shalt  }
.Lfunc_end0:
.L_simem_size_0:
called_computation.1_lowered:
.L_overlay_start_0:
0x88: {  	s2 =	sld [smem:$0x3FD9]  }
0x89: {  	s3 =	sld [smem:$0x3FFE];
	_ =	sdelay $0x1  }
0x8a: {  	s1 =	srdreg.scid  }
0x8b: {  	s0 =	sand.u32 $0x1, s1  }
0x8c: {  	s16 =	sshll.u32 s0, $0xA;
	s2 =	sadd.s32 s3, s2  }
0x8d: {  	s2 =	sadd.s32 s2, s16  }
0x8e: {  	[smem:$0x3FBB] =	sst s2  }
0x8f: {  	_ = 	snop  }
0x90: {  	(tm) =	ssettm $0x1  }
0x91: {  	s17 =	sld [smem:$0x3FFB];
	_ =	sdelay $0x3  }
0x92: {  	_ =	strace s17  }
0x93: {  	s2 =	sld [smem:$0x3FFC];
	_ =	sdelay $0x3  }
0x94: {  	_ =	strace s2  }
0x95: {  	s2 =	sld [smem:$0x3FFD];
	_ =	sdelay $0x3  }
0x96: {  	_ =	strace s2  }
0x97: {  	_ =	strace $0x8FFFFFFF  }
0x98: {  	s18 =	sld [smem:$0x3FDB];
	_ =	sdelay $0x1  }
0x99: {  	s19 =	simm.s32 $_scs_section_size  }
0x9a: {  	s4 =	simm.s32 $_size__tile_overlayer_lowered;
	s5 =	simm.s32 $_tile_overlayer_lowered  }
0x9b: {  	s22 =	simm.s32 $0x1BFF;
	s21 =	sshll.u32 s5, $0x1;
	s2 =	sadd.s32 s19, s18  }
0x9c: {  	s6 =	simm.s32 $0x0;
	s20 =	sshll.u32 s4, $0x1;
	s4 =	sadd.s32 s21, s2  }
0x9d: {  	[timem:s6], [sflag:s22] =	dma.local [hbm:s4], s20  }
0x9e: {  	_ =	swait.ge [sflag:s22], s20  }
0x9f: {  	s3 =	ssub.s32 $0x0, s20;
	[sflag:s22] =	ssyncset.done $0x0  }
0xa0: {  	[sflag:s22] =	ssyncadd.s32 s3;
	_ =	sdelay $0x1  }
0xa1: {  	s23 =	simm.s32 $0x1B8B  }
0xa2: {  	_ =	swait.ge [sflag:s23], $0x1  }
0xa3: {  	[sflag:s23] =	ssyncset.done $0x0  }
0xa4: {  	s25 =	simm.s32 $0x1B8E;
	s24 =	sld [smem:$0x3FFE];
	[sflag:s23] =	ssyncadd.s32 $0xFFFFFFFF  }
0xa5: {  	s26 =	simm.s32 $execute0_lowered;
	[smem:$0x3FD2] =	sst s25  }
0xa6: {  	s4 =	sshll.u32 s26, $0x1;
	_ =	strace $0x80000049;
	[dreg:$0x1] =	wrdreg $0xFFFFFFFF  }
0xa7: {  	s28 =	simm.s32 $_size_execute0_lowered;
	s2 =	sadd.s32 s2, s4;
	[dreg:$0x0] =	wrdreg $0x0  }
0xa8: {  	s4 =	sshll.u32 s28, $0x1;
	[dreg:$0x2] =	wrdreg s2  }
0xa9: {  	[dreg:$0x3] =	wrdreg s4  }
0xaa: {  	[dreg:$0x4] =	wrdreg $0xC0  }
0xab: {  	_ =	task [dreg:s6], $0x5FFFF  }
0xac: {  	[dreg:$0x1] =	wrdreg $0xFFFFFFFF  }
0xad: {  	[dreg:$0x0] =	wrdreg $0x60  }
0xae: {  	[dreg:$0x2] =	wrdreg s24  }
0xaf: {  	[dreg:$0x3] =	wrdreg $0x0  }
0xb0: {  	[dreg:$0x4] =	wrdreg $0x9  }
0xb1: {  	_ =	task.clear_ibuf [dreg:s6], $0x5FFFF;
	_ =	strace $0x90000049  }
0xb2: {  	s29 =	simm.s32 $0x9;
	_ =	strace $0x8000004B  }
0xb3: {  	_ =	swait.ge [sflag:s29], $0x1  }
0xb4: {  	[sflag:s29] =	ssyncadd.s32 $0xFFFFFFFF  }
0xb5: {  	_ =	strace $0x9000004B  }
0xb6: {  	_ =	sfence  }
0xb7: {  	s30 =	sld [smem:$0x0];
	_ =	sdelay $0x2  }
0xb8: {  	s31 =	sshll.u32 s1, $0xD;
	s1 =	sshrl.u32 s1, $0x2  }
0xb9: {  	s3 =	sand.u32 $0x4000, s31;
	s1 =	sadd.s32 s1, s30  }
0xba: {  	s0 =	sor.u32 s3, s0;
	s1 =	sshll.u32 s1, $0x11  }
0xbb: {  	s0 =	sor.u32 s1, s0  }
0xbc: {  	s0 =	sadd.s32 $0x8F2B, s0  }
0xbd: {  	[sflag:s0] =	ssyncadd.remote.s32 $0x1  }
0xbe: {  	_ =	sfence.sel $0xFFFF  }
0xbf: {  	[dreg:$0x0] =	wrdreg $0xFFFFFFFF;
	(pc) =	sbr.abs _section_cstart, $3  }
0xc0: {  	[dreg:$0x1] =	wrdreg $0xFFFFFFFF  }
0xc1: {  	_ =	task.clear_ibuf [dreg:s6], $0x2FFFF;
	_ =	strace $0x9FFFFFFF  }
0xc2: {  	(tm) =	ssettm $0x7FFFFFFF  }
0xc3: {  	_ =	shalt  }
tec
execute0_lowered:
.L_overlay_start_1:
0x0: {  	(tag) =	ssettag $0x1  }
0x1: {  	s5 =	rddreg [dreg:$0x0]  }
0x2: {  	s0 =	srdreg.scid;
	s2 =	rddreg [dreg:$0x1]  }
0x3: {  	s1 =	stileid.u32;
	s3 =	simm.s32 $0x0;
	s12 =	simm.s32 $0x2  }
0x4: {  	s13 =	simm.s32 $0x16080;
	s14 =	simm.s32 $0x16100;
	s15 =	simm.s32 $0x50  }
0x5: {  	s16 =	simm.s32 $0x16180;
	s17 =	simm.s32 $0x1;
	s4 =	smul.u32 $0x2710, s1  }
0x6: {  	s6 =	sand.u32 $0x1, s0;
	s0 =	rddreg [dreg:$0x2];
	s10 =	smul.u32 $0xA000, s1  }
0x7: {  	s18 =	simm.s32 $0x0;
	[smem:$0x7FF] =	sst s3;
	s31 =	smul.u32 $0x500, s1  }
0x8: {  	p0 =	slt.u32 s1, $0xD;
	s7 =	smul.u32 $0x27100, s6;
	s6 =	ssub.s32 $0x2, s6  }
0x9: {  	_ =	strace $0x8000004A;
	s29 =	sshrl.u32 s6, $0x1;
	s30 =	sshrl.u32 s10, $0x2  }
0xa: {  	s8 =	sadd.s32 s4, s7;
	s4 =	sadd.s32 $0x3200, s5;
	s11 =	sadd.s32 s7, s5  }
0xb: {  	s6 =	ssub.s32 s6, s29;
	s7 =	sadd.s32 s30, s2;
	s8 =	sshrl.u32 s8, $0x3  }
0xc: {  	s6 =	smax.u32 s6, $0x1;
	s10 =	sadd.s32 s31, s11;
	s11 =	simm.s32 $0x13880  }
0xd: {  	s9 =	sadd.s32 s8, s5;
	s5 =	simm.s32 $0x8;
	s10 =	sadd.s32 $0x3F400, s10  }
0xe: {  	v0 =	vimm.f32 $0.0e+00;
	s5 =	simm.s32 @!p0 $0x7;
	s8 =	sadd.s32 $0x2B800, s9;
	s9 =	sadd.s32 $0x35600, s9  }
.LBB2_1:
0xf: {  	s19 =	simm.s32 $0x0  }
.LBB2_2:
0x10: {  	p0 =	sne.s32 s19, $0x9E00  }
.Ltmp0:
0x11: {  	_ = 	snop;
	(pc) =	sbr.rel @p0 .LBB2_2-.Ltmp0, $3  }
0x12: {  	_ =	sdelay $0x1  }
0x13: {  	s20 =	sshra.s32 s19, $0x2  }
0x14: {  	s19 =	sadd.s32 $0x200, s19;
	[tilespmem:s20+$0x13880] =	vst v0  }
0x15: {  	s19 =	simm.s32 $0x40  }
.LBB2_4:
0x16: {  	p0 =	sne.s32 s19, $0x9E40  }
.Ltmp1:
0x17: {  	_ = 	snop;
	(pc) =	sbr.rel @p0 .LBB2_4-.Ltmp1, $3  }
0x18: {  	_ =	sdelay $0x1  }
0x19: {  	s20 =	sshra.s32 s19, $0x2  }
0x1a: {  	s19 =	sadd.s32 $0x200, s19;
	[tilespmem:s20+$0x13880] =	vst v0  }
0x1b: {  	s19 =	simm.s32 $0x80  }
.LBB2_6:
0x1c: {  	p0 =	sne.s32 s19, $0x9E80  }
.Ltmp2:
0x1d: {  	_ = 	snop;
	(pc) =	sbr.rel @p0 .LBB2_6-.Ltmp2, $3  }
0x1e: {  	_ =	sdelay $0x1  }
0x1f: {  	s20 =	sshra.s32 s19, $0x2  }
0x20: {  	s19 =	sadd.s32 $0x200, s19;
	[tilespmem:s20+$0x13880] =	vst v0  }
0x21: {  	s19 =	simm.s32 $0xC0  }
.LBB2_8:
0x22: {  	p0 =	sne.s32 s19, $0x9EC0  }
.Ltmp3:
0x23: {  	_ = 	snop;
	(pc) =	sbr.rel @p0 .LBB2_8-.Ltmp3, $3  }
0x24: {  	_ =	sdelay $0x1  }
0x25: {  	s20 =	sshra.s32 s19, $0x2  }
0x26: {  	s19 =	sadd.s32 $0x200, s19;
	[tilespmem:s20+$0x13880] =	vst v0  }
0x27: {  	s19 =	simm.s32 $0x100  }
.LBB2_10:
0x28: {  	p0 =	sne.s32 s19, $0x9F00  }
.Ltmp4:
0x29: {  	_ = 	snop;
	(pc) =	sbr.rel @p0 .LBB2_10-.Ltmp4, $3  }
0x2a: {  	_ =	sdelay $0x1  }
0x2b: {  	s20 =	sshra.s32 s19, $0x2  }
0x2c: {  	s19 =	sadd.s32 $0x200, s19;
	[tilespmem:s20+$0x13880] =	vst v0  }
0x2d: {  	s19 =	simm.s32 $0x140  }
.LBB2_12:
0x2e: {  	p0 =	sne.s32 s19, $0x9F40  }
.Ltmp5:
0x2f: {  	_ = 	snop;
	(pc) =	sbr.rel @p0 .LBB2_12-.Ltmp5, $3  }
0x30: {  	_ =	sdelay $0x1  }
0x31: {  	s20 =	sshra.s32 s19, $0x2  }
0x32: {  	s19 =	sadd.s32 $0x200, s19;
	[tilespmem:s20+$0x13880] =	vst v0  }
0x33: {  	s19 =	simm.s32 $0x180  }
.LBB2_14:
0x34: {  	p0 =	sne.s32 s19, $0x9F80  }
.Ltmp6:
0x35: {  	_ = 	snop;
	(pc) =	sbr.rel @p0 .LBB2_14-.Ltmp6, $3  }
0x36: {  	_ =	sdelay $0x1  }
0x37: {  	s20 =	sshra.s32 s19, $0x2  }
0x38: {  	s19 =	sadd.s32 $0x200, s19;
	[tilespmem:s20+$0x13880] =	vst v0  }
0x39: {  	s19 =	simm.s32 $0x3C0;
	s20 =	simm.s32 $0x70  }
.LBB2_16:
0x3a: {  	p0 =	sne.s32 s19, $0x9FC0;
	[tilespmem:s20+$0x13880] =	vst v0;
	s20 =	smov.u32 s19;
	s19 =	sadd.s32 $0x200, s19  }
.Ltmp7:
0x3b: {  	(pc) =	sbr.rel @p0 .LBB2_16-.Ltmp7, $2  }
0x3c: {  	_ =	sdelay $0x2  }
0x3d: {  	s20 =	sshra.s32 s20, $0x2  }
0x3e: {  	p0 =	sne.s32 s5, $0x1  }
.Ltmp8:
0x3f: {  	_ = 	snop;
	(pc) =	sbr.rel @!p0 .LBB2_19-.Ltmp8, $4  }
0x40: {  	[tilespmem:s20+$0x13880] =	vst v0  }
0x41: {  	[spmem:s7] =	stream.linear.scatter [tilespmem:s11], [sflag:$0x2], $0x2800, $0x38;
	[tilespmem:$0x18980] =	vst v63  }
0x42: {  	_ =	swait.ge [sflag:s12], $0x2800  }
0x43: {  	s19 =	sadd.s32 $0xFFFFFFFF, s5;
	s20 =	smov.u32 s7;
	[sflag:s12] =	ssyncset.done $0x0  }
.LBB2_18:
0x44: {  	p1 =	sne.s32 s19, $0x1;
	[sflag:s12] =	ssyncadd.s32 $0xFFFFD800;
	s20 =	sadd.s32 $0x28000, s20  }
.Ltmp9:
0x45: {  	s19 =	sadd.s32 $0xFFFFFFFF, s19;
	(pc) =	sbr.rel @p1 .LBB2_18-.Ltmp9, $4  }
0x46: {  	_ = 	snop  }
0x47: {  	[spmem:s20] =	stream.linear.scatter [tilespmem:s11], [sflag:$0x2], $0x2800, $0x38;
	[tilespmem:$0x18980] =	vst v63  }
0x48: {  	_ =	swait.ge [sflag:s12], $0x2800  }
0x49: {  	[sflag:s12] =	ssyncset.done $0x0  }
.LBB2_19:
0x4a: {  	[sflag:s12] =	ssyncadd.s32 $0xFFFFD800  }
0x4b: {  	s19 =	sadd.s32 $0x0, s9;
	[bflag:$0x0] =	sbarrier.arrive $0xFFFF  }
0x4c: {  	[tilespmem:s13], [sflag:$0x2] =	stream.linear.gather [hbm4b:s19+s3], $0x50, $0x38;
	[tilespmem:$0x18980] =	vst v63  }
0x4d: {  	_ =	swait.ge [sflag:s12], $0x50  }
0x4e: {  	[sflag:s12] =	ssyncset.done $0x0  }
0x4f: {  	s31 =	sadd.s32 $0x0, s8;
	[sflag:s12] =	ssyncadd.s32 $0xFFFFFFB0  }
0x50: {  	[tilespmem:s14], [sflag:$0x2] =	stream.linear.gather [hbm4b:s31+s3], $0x50, $0x38;
	[tilespmem:$0x18980] =	vst v63  }
0x51: {  	_ =	swait.ge [sflag:s12], $0x50  }
0x52: {  	[sflag:s12] =	ssyncset.done $0x0  }
0x53: {  	[sflag:s12] =	ssyncadd.s32 $0xFFFFFFB0  }
0x54: {  	[tilespmem:s16], [sflag:$0x1] =	stream.indirect.gather [hbm4b:s4+s15], $0x80, s13, s15, $0xb8;
	[tilespmem:$0x18980] =	vst v63  }
0x55: {  	_ =	swait.ge [sflag:s17], $0x2800  }
0x56: {  	[sflag:s17] =	ssyncset.done $0x0  }
0x57: {  	[sflag:s17] =	ssyncadd.s32 $0xFFFFD800  }
0x58: {  	[spmem:s2] =	stream.indirect.scatter.add.f32 [tilespmem:s16], [sflag:$0x2], $0x80, s14, s15, $0xb8;
	[tilespmem:$0x18980] =	vst v63  }
0x59: {  	_ =	swait.ge [sflag:s12], $0x2800  }
0x5a: {  	s20 =	simm.s32 $0x14;
	s19 =	simm.s32 $0xA;
	[sflag:s12] =	ssyncset.done $0x0  }
.LBB2_20:
0x5b: {  	s21 =	sadd.s32 s19, s9  }
0x5c: {  	[sflag:s12] =	ssyncadd.s32 $0xFFFFD800;
	s22 =	smov.u32 s20;
	s23 =	sadd.s32 $0xA, s20  }
0x5d: {  	[tilespmem:s13], [sflag:$0x2] =	stream.linear.gather [hbm4b:s21+s3], $0x50, $0x38;
	[tilespmem:$0x18980] =	vst v63  }
0x5e: {  	p1 =	sne.s32 s20, $0x4D8;
	_ =	swait.ge [sflag:s12], $0x50  }
0x5f: {  	[sflag:s12] =	ssyncset.done $0x0  }
0x60: {  	s20 =	sadd.s32 s19, s8;
	s19 =	smov.u32 s22;
	[sflag:s12] =	ssyncadd.s32 $0xFFFFFFB0  }
0x61: {  	[tilespmem:s14], [sflag:$0x2] =	stream.linear.gather [hbm4b:s20+s3], $0x50, $0x38;
	[tilespmem:$0x18980] =	vst v63  }
0x62: {  	_ =	swait.ge [sflag:s12], $0x50  }
0x63: {  	[sflag:s12] =	ssyncset.done $0x0  }
0x64: {  	[sflag:s12] =	ssyncadd.s32 $0xFFFFFFB0  }
0x65: {  	[tilespmem:s16], [sflag:$0x1] =	stream.indirect.gather [hbm4b:s4+s15], $0x80, s13, s15, $0xb8;
	[tilespmem:$0x18980] =	vst v63  }
0x66: {  	_ =	swait.ge [sflag:s17], $0x2800  }
.Ltmp10:
0x67: {  	[sflag:s17] =	ssyncset.done $0x0;
	(pc) =	sbr.rel @p1 .LBB2_20-.Ltmp10, $4  }
0x68: {  	[sflag:s17] =	ssyncadd.s32 $0xFFFFD800  }
0x69: {  	[spmem:s2] =	stream.indirect.scatter.add.f32 [tilespmem:s16], [sflag:$0x2], $0x80, s14, s15, $0xb8;
	[tilespmem:$0x18980] =	vst v63  }
0x6a: {  	_ =	swait.ge [sflag:s12], $0x2800  }
0x6b: {  	s20 =	smov.u32 s23;
	[sflag:s12] =	ssyncset.done $0x0  }
0x6c: {  	s20 =	sadd.s32 s19, s9;
	[sflag:s12] =	ssyncadd.s32 $0xFFFFD800  }
0x6d: {  	[tilespmem:s13], [sflag:$0x2] =	stream.linear.gather [hbm4b:s20+s3], $0x50, $0x38;
	[tilespmem:$0x18980] =	vst v63  }
0x6e: {  	_ =	swait.ge [sflag:s12], $0x50  }
0x6f: {  	[sflag:s12] =	ssyncset.done $0x0  }
0x70: {  	s29 =	sadd.s32 s19, s8;
	[sflag:s12] =	ssyncadd.s32 $0xFFFFFFB0  }
0x71: {  	[tilespmem:s14], [sflag:$0x2] =	stream.linear.gather [hbm4b:s29+s3], $0x50, $0x38;
	[tilespmem:$0x18980] =	vst v63  }
0x72: {  	_ =	swait.ge [sflag:s12], $0x50  }
0x73: {  	[sflag:s12] =	ssyncset.done $0x0  }
0x74: {  	[sflag:s12] =	ssyncadd.s32 $0xFFFFFFB0  }
0x75: {  	[tilespmem:s16], [sflag:$0x1] =	stream.indirect.gather [hbm4b:s4+s15], $0x80, s13, s15, $0xb8;
	[tilespmem:$0x18980] =	vst v63  }
0x76: {  	_ =	swait.ge [sflag:s17], $0x2800  }
0x77: {  	[sflag:s17] =	ssyncset.done $0x0  }
0x78: {  	[sflag:s17] =	ssyncadd.s32 $0xFFFFD800  }
0x79: {  	[spmem:s2] =	stream.indirect.scatter.add.f32 [tilespmem:s16], [sflag:$0x2], $0x80, s14, s15, $0xb8;
	[tilespmem:$0x18980] =	vst v63  }
0x7a: {  	_ =	swait.ge [sflag:s12], $0x2800  }
.Ltmp11:
0x7b: {  	[sflag:s12] =	ssyncset.done $0x0;
	(pc) =	sbr.rel @!p0 .LBB2_23-.Ltmp11, $4  }
0x7c: {  	s30 =	sshll.u32 s1, $0x6;
	s31 =	sshrl.u32 s7, $0x3;
	[sflag:s12] =	ssyncadd.s32 $0xFFFFD800  }
0x7d: {  	s21 =	sadd.s32 $0x5000, s10;
	s19 =	sor.u32 $0x1C02, s30;
	[bflag:$0x0] =	sbarrier.arrive $0xFFFF  }
0x7e: {  	[hbm:s10], [sflag:s19] =	dma.local [spmem:s31], $0x500  }
0x7f: {  	s22 =	smov.u32 s7;
	s20 =	sadd.s32 $0xFFFFFFFF, s5;
	_ =	swait.ge [sflag:s12], $0x500  }
.LBB2_22:
0x80: {  	[sflag:s12] =	ssyncset.done $0x0;
	s22 =	sadd.s32 $0x28000, s22;
	p0 =	sne.s32 s20, $0x1  }
.Ltmp12:
0x81: {  	s23 =	sshrl.u32 s22, $0x3;
	[sflag:s12] =	ssyncadd.s32 $0xFFFFFB00;
	(pc) =	sbr.rel @p0 .LBB2_22-.Ltmp12, $3  }
0x82: {  	[hbm:s21], [sflag:s19] =	dma.local [spmem:s23], $0x500  }
0x83: {  	s20 =	sadd.s32 $0xFFFFFFFF, s20;
	_ =	sdelay $0x1  }
0x84: {  	s21 =	sadd.s32 $0x5000, s21;
	_ =	swait.ge [sflag:s12], $0x500  }
.LBB2_23:
0x85: {  	s18 =	sadd.s32 $0x1, s18  }
0x86: {  	p0 =	sne.s32 s18, s6  }
.Ltmp13:
0x87: {  	_ = 	snop;
	(pc) =	sbr.rel @p0 .LBB2_1-.Ltmp13, $3  }
0x88: {  	_ =	sdelay $0x1  }
0x89: {  	[sflag:s12] =	ssyncset.done $0x0  }
0x8a: {  	[sflag:s12] =	ssyncadd.s32 $0xFFFFFB00  }
0x8b: {  	_ =	sfence.sel $0x180000  }
0x8c: {  	[bflag:$0x0] =	sbarrier.arrive $0xFFFF  }
0x8d: {  	p0 =	sne.s32 s1, $0x0;
	_ =	strace $0x9000004A  }
0x8e: {  	s0 =	sadd.s32 @!p0 $0x100000, s0;
	[bflag:$0x2] =	sbarrier.arrive $0xFFFF  }
0x8f: {  	[sflag:s0] =	ssyncadd.tile.s32 @!p0 $0x1;
	_ =	shalt  }
.Lfunc_end2:
_tile_overlayer_lowered:
.L_overlay_start_2:
0x90: {  	(tag) =	ssettag $0x2  }
0x91: {  	s0 =	rddreg [dreg:$0x0];
	s2 =	stileid.u32  }
0x92: {  	s1 =	rddreg [dreg:$0x1];
	p0 =	sne.s32 s2, $0x0  }
0x93: {  	s3 =	rddreg [dreg:$0x2];
	[bflag:$0x3] =	sbarrier.arrive $0xFFFF;
	s2 =	simm.s32 @!p0 $0x1C02  }
0x94: {  	[timem:s3], [sflag:s2] =	dma.local @!p0 [hbm:s0], s1  }
0x95: {  	s0 =	simm.s32 @!p0 $0x2  }
0x96: {  	_ =	swait.ge @!p0 [sflag:s0], s1  }
0x97: {  	s1 =	ssub.s32 @!p0 $0x0, s1;
	[sflag:s0] =	ssyncset.done @!p0 $0x0  }
0x98: {  	[sflag:s0] =	ssyncadd.s32 @!p0 s1  }
0x99: {  	[bflag:$0x3] =	sbarrier.arrive $0xFFFF  }
0x9a: {  	_ =	shalt  }

// kernel: kernel.18.cloned.1.call-start
scs
__scs_entry_jumppad:
0x0: {  	(pc) =	sbr.rel $0x88, $3  }
0x1: {  	(tag) =	ssettag $0x0;
	lr =	simm.s32 $0x1  }
0x2: {  	[smem:$0x3F94] =	sst lr;
	_ =	strace $0xD0000000  }
0x3: {  	_ = 	snop  }
0x4: {  	_ = 	snop  }
0x5: {  	_ = 	snop  }
0x6: {  	_ = 	snop  }
0x7: {  	_ = 	snop  }
__scs_overlays_trampoline_lowered:
0x8: {  	[smem:$0x3FA3] =	sst s0  }
0x9: {  	[smem:$0x3FA4] =	sst s1  }
0xa: {  	[smem:$0x3FA5] =	sst s2  }
0xb: {  	[smem:$0x3FA6] =	sst s3  }
0xc: {  	[smem:$0x3FA7] =	sst s4  }
0xd: {  	[smem:$0x3FA8] =	sst s5  }
0xe: {  	[smem:$0x3FA9] =	sst s6  }
0xf: {  	[smem:$0x3FAA] =	sst s7  }
0x10: {  	[smem:$0x3FAB] =	sst s8  }
0x11: {  	[smem:$0x3FAC] =	sst s9;
	s0 =	simm.s32 @!p0 $0x0  }
0x12: {  	s1 =	sld [smem:$0x3F92];
	s0 =	simm.s32 @p0 $0x1  }
0x13: {  	[smem:$0x3FAD] =	sst s0;
	s0 =	simm.s32 @!p1 $0x0  }
0x14: {  	s2 =	sld [smem:$0x3F91];
	s0 =	simm.s32 @p1 $0x1  }
0x15: {  	[smem:$0x3FAE] =	sst s0;
	s0 =	simm.s32 @!p2 $0x0  }
0x16: {  	s3 =	sld [smem:$0x3FDB];
	s0 =	simm.s32 @p2 $0x1  }
0x17: {  	s4 =	simm.s32 $0x1BF5;
	[smem:$0x3FB0] =	sst s0  }
0x18: {  	s0 =	sld [smem:$0x3F93];
	_ =	swait.ge [sflag:s4], $0x0  }
0x19: {  	s7 =	sld [smem:$0x3F94]  }
0x1a: {  	s8 =	sadd.s32 $0xFFFFE003, lr  }
0x1b: {  	s9 =	sadd.s32 $0xFFFFFEF7, lr;
	s5 =	simm.s32 $0xFFFFFFFF;
	p2 =	slt.u32 s8, $0xFFFFF086  }
0x1c: {  	p1 =	slt.u32 s9, $0xF7A;
	s5 =	simm.s32 @!p2 $0x0  }
0x1d: {  	s5 =	simm.s32 @p1 $0x1;
	p0 =	seq.s32 s7, s2  }
0x1e: {  	s7 =	smul.u32 @!p0 $0xF7A, s2;
	p2 =	seq.s32 @!p0 s5, $0x0  }
0x1f: {  	s9 =	smul.u32 $0xF7A, s1;
	s8 =	simm.s32 @!p0 $0x1BF5;
	p2 =	por !p2, p0  }
0x20: {  	[sflag:s8] =	ssyncset.s32 @!p0 $0xFFFFF086;
	s6 =	sadd.s32 @!p0 s3, s7;
	s7 =	simm.s32 @!p0 $0x108  }
0x21: {  	s3 =	sadd.s32 s3, s9;
	s6 =	sadd.s32 @!p0 $0x88, s6;
	s7 =	simm.s32 @p2 $0x1082  }
0x22: {  	[simem:s7], [sflag:s8] =	dma.local @!p0 [hbm:s6], $0xF7A  }
0x23: {  	s9 =	sor.u32 $0xD0000000, s2;
	s6 =	simm.s32 $0x108;
	_ =	swait.ge @!p0 [sflag:s8], $0x0  }
0x24: {  	s3 =	sadd.s32 $0x88, s3;
	s6 =	simm.s32 @!p1 $0x1082;
	[sflag:s4] =	ssyncset.s32 $0xFFFFF086  }
0x25: {  	[simem:s6], [sflag:s4] =	dma.local [hbm:s3], $0xF7A  }
0x26: {  	[smem:$0x3F94] =	sst s1;
	(tag) =	ssettag s2;
	_ =	strace s9  }
0x27: {  	s1 =	sld [smem:$0x3FA4]  }
0x28: {  	s2 =	sld [smem:$0x3FA5]  }
0x29: {  	s4 =	sld [smem:$0x3FA7]  }
0x2a: {  	p0 =	seq.s32 s5, $0x0;
	s5 =	sld [smem:$0x3FA8]  }
0x2b: {  	s6 =	sld [smem:$0x3FA9]  }
0x2c: {  	s7 =	sld [smem:$0x3FAA]  }
0x2d: {  	s3 =	simm.s32 $0x108;
	s8 =	sld [smem:$0x3FAB]  }
0x2e: {  	s3 =	simm.s32 @!p0 $0x1082;
	s9 =	sld [smem:$0x3FAC]  }
0x2f: {  	lr =	sadd.s32 s0, s3;
	s0 =	sld [smem:$0x3FA3]  }
0x30: {  	s3 =	sld [smem:$0x3FA6]  }
0x31: {  	[smem:$0x3FAF] =	sst s10  }
0x32: {  	s10 =	sld [smem:$0x3FAD];
	_ =	sdelay $0x3  }
0x33: {  	p0 =	seq.s32 s10, $0x1;
	s10 =	sld [smem:$0x3FAF];
	_ =	sdelay $0x3  }
0x34: {  	[smem:$0x3FAF] =	sst s10  }
0x35: {  	s10 =	sld [smem:$0x3FAE];
	_ =	sdelay $0x3  }
0x36: {  	p1 =	seq.s32 s10, $0x1;
	s10 =	sld [smem:$0x3FAF];
	_ =	sdelay $0x3  }
0x37: {  	[smem:$0x3FAF] =	sst s10  }
0x38: {  	s10 =	sld [smem:$0x3FB0]  }
0x39: {  	_ = 	snop;
	(pc) =	sbr.ind lr, $3  }
0x3a: {  	_ = 	snop  }
0x3b: {  	_ = 	snop  }
0x3c: {  	p2 =	seq.s32 s10, $0x1;
	s10 =	sld [smem:$0x3FAF]  }
0x3d: {  	_ =	shalt  }
0x3e: {  	_ =	shalt  }
0x3f: {  	_ =	shalt  }
0x40: {  	_ =	shalt  }
0x41: {  	_ =	shalt  }
0x42: {  	_ =	shalt  }
0x43: {  	_ =	shalt  }
0x44: {  	_ =	shalt  }
0x45: {  	_ =	shalt  }
0x46: {  	_ =	shalt  }
0x47: {  	_ =	shalt  }
0x48: {  	_ =	shalt  }
0x49: {  	_ =	shalt  }
0x4a: {  	_ =	shalt  }
0x4b: {  	_ =	shalt  }
0x4c: {  	_ =	shalt  }
0x4d: {  	_ =	shalt  }
0x4e: {  	_ =	shalt  }
0x4f: {  	_ =	shalt  }
0x50: {  	_ =	shalt  }
0x51: {  	_ =	shalt  }
0x52: {  	_ =	shalt  }
0x53: {  	_ =	shalt  }
0x54: {  	_ =	shalt  }
0x55: {  	_ =	shalt  }
0x56: {  	_ =	shalt  }
0x57: {  	_ =	shalt  }
0x58: {  	_ =	shalt  }
0x59: {  	_ =	shalt  }
0x5a: {  	_ =	shalt  }
0x5b: {  	_ =	shalt  }
0x5c: {  	_ =	shalt  }
0x5d: {  	_ =	shalt  }
0x5e: {  	_ =	shalt  }
0x5f: {  	_ =	shalt  }
0x60: {  	_ =	shalt  }
0x61: {  	_ =	shalt  }
0x62: {  	_ =	shalt  }
0x63: {  	_ =	shalt  }
0x64: {  	_ =	shalt  }
0x65: {  	_ =	shalt  }
0x66: {  	_ =	shalt  }
0x67: {  	_ =	shalt  }
0x68: {  	_ =	shalt  }
0x69: {  	_ =	shalt  }
0x6a: {  	_ =	shalt  }
0x6b: {  	_ =	shalt  }
0x6c: {  	_ =	shalt  }
0x6d: {  	_ =	shalt  }
0x6e: {  	_ =	shalt  }
0x6f: {  	_ =	shalt  }
0x70: {  	_ =	shalt  }
0x71: {  	_ =	shalt  }
0x72: {  	_ =	shalt  }
0x73: {  	_ =	shalt  }
0x74: {  	_ =	shalt  }
0x75: {  	_ =	shalt  }
0x76: {  	_ =	shalt  }
0x77: {  	_ =	shalt  }
0x78: {  	_ =	shalt  }
0x79: {  	_ =	shalt  }
0x7a: {  	_ =	shalt  }
0x7b: {  	_ =	shalt  }
0x7c: {  	_ =	shalt  }
0x7d: {  	_ =	shalt  }
0x7e: {  	_ =	shalt  }
0x7f: {  	_ =	shalt  }
0x80: {  	_ =	shalt  }
0x81: {  	_ =	shalt  }
0x82: {  	_ =	shalt  }
0x83: {  	_ =	shalt  }
0x84: {  	_ =	shalt  }
0x85: {  	_ =	shalt  }
0x86: {  	_ =	shalt  }
0x87: {  	_ =	shalt  }
.Lfunc_end0:
.L_simem_size_0:
called_computation.2_lowered:
.L_overlay_start_0:
0x88: {  	s2 =	sld [smem:$0x3FD9]  }
0x89: {  	s3 =	sld [smem:$0x3FFE];
	_ =	sdelay $0x1  }
0x8a: {  	s1 =	srdreg.scid  }
0x8b: {  	s0 =	sand.u32 $0x1, s1  }
0x8c: {  	s16 =	sshll.u32 s0, $0xA;
	s2 =	sadd.s32 s3, s2  }
0x8d: {  	s2 =	sadd.s32 s2, s16  }
0x8e: {  	[smem:$0x3FBB] =	sst s2  }
0x8f: {  	_ = 	snop  }
0x90: {  	(tm) =	ssettm $0x1  }
0x91: {  	s17 =	sld [smem:$0x3FFB];
	_ =	sdelay $0x3  }
0x92: {  	_ =	strace s17  }
0x93: {  	s2 =	sld [smem:$0x3FFC];
	_ =	sdelay $0x3  }
0x94: {  	_ =	strace s2  }
0x95: {  	s2 =	sld [smem:$0x3FFD];
	_ =	sdelay $0x3  }
0x96: {  	_ =	strace s2  }
0x97: {  	_ =	strace $0x8FFFFFFF  }
0x98: {  	s18 =	sld [smem:$0x3FDB];
	_ =	sdelay $0x1  }
0x99: {  	s19 =	simm.s32 $_scs_section_size  }
0x9a: {  	s4 =	simm.s32 $_size__tile_overlayer_lowered;
	s5 =	simm.s32 $_tile_overlayer_lowered  }
0x9b: {  	s22 =	simm.s32 $0x1BFF;
	s21 =	sshll.u32 s5, $0x1;
	s2 =	sadd.s32 s19, s18  }
0x9c: {  	s6 =	simm.s32 $0x0;
	s20 =	sshll.u32 s4, $0x1;
	s4 =	sadd.s32 s21, s2  }
0x9d: {  	[timem:s6], [sflag:s22] =	dma.local [hbm:s4], s20  }
0x9e: {  	_ =	swait.ge [sflag:s22], s20  }
0x9f: {  	s3 =	ssub.s32 $0x0, s20;
	[sflag:s22] =	ssyncset.done $0x0  }
0xa0: {  	[sflag:s22] =	ssyncadd.s32 s3;
	_ =	sdelay $0x1  }
0xa1: {  	s23 =	simm.s32 $0x1B8B  }
0xa2: {  	_ =	swait.ge [sflag:s23], $0x1  }
0xa3: {  	[sflag:s23] =	ssyncset.done $0x0  }
0xa4: {  	s25 =	simm.s32 $0x1B8E;
	s24 =	sld [smem:$0x3FFE];
	[sflag:s23] =	ssyncadd.s32 $0xFFFFFFFF  }
0xa5: {  	s26 =	simm.s32 $execute0_lowered;
	[smem:$0x3FD2] =	sst s25  }
0xa6: {  	s4 =	sshll.u32 s26, $0x1;
	_ =	strace $0x8000004C;
	[dreg:$0x1] =	wrdreg $0xFFFFFFFF  }
0xa7: {  	s28 =	simm.s32 $_size_execute0_lowered;
	s2 =	sadd.s32 s2, s4;
	[dreg:$0x0] =	wrdreg $0x0  }
0xa8: {  	s4 =	sshll.u32 s28, $0x1;
	[dreg:$0x2] =	wrdreg s2  }
0xa9: {  	[dreg:$0x3] =	wrdreg s4  }
0xaa: {  	[dreg:$0x4] =	wrdreg $0xC0  }
0xab: {  	_ =	task [dreg:s6], $0x5FFFF  }
0xac: {  	[dreg:$0x1] =	wrdreg $0xFFFFFFFF  }
0xad: {  	[dreg:$0x0] =	wrdreg $0x60  }
0xae: {  	[dreg:$0x2] =	wrdreg s24  }
0xaf: {  	[dreg:$0x3] =	wrdreg $0x0  }
0xb0: {  	[dreg:$0x4] =	wrdreg $0x9  }
0xb1: {  	_ =	task.clear_ibuf [dreg:s6], $0x5FFFF;
	_ =	strace $0x9000004C  }
0xb2: {  	s29 =	simm.s32 $0x9;
	_ =	strace $0x8000004E  }
0xb3: {  	_ =	swait.ge [sflag:s29], $0x1  }
0xb4: {  	[sflag:s29] =	ssyncadd.s32 $0xFFFFFFFF  }
0xb5: {  	_ =	strace $0x9000004E  }
0xb6: {  	_ =	sfence  }
0xb7: {  	s30 =	sld [smem:$0x0];
	_ =	sdelay $0x2  }
0xb8: {  	s31 =	sshll.u32 s1, $0xD;
	s1 =	sshrl.u32 s1, $0x2  }
0xb9: {  	s3 =	sand.u32 $0x4000, s31;
	s1 =	sadd.s32 s1, s30  }
0xba: {  	s0 =	sor.u32 s3, s0;
	s1 =	sshll.u32 s1, $0x11  }
0xbb: {  	s0 =	sor.u32 s1, s0  }
0xbc: {  	s0 =	sadd.s32 $0x8F2B, s0  }
0xbd: {  	[sflag:s0] =	ssyncadd.remote.s32 $0x1  }
0xbe: {  	_ =	sfence.sel $0xFFFF  }
0xbf: {  	[dreg:$0x0] =	wrdreg $0xFFFFFFFF;
	(pc) =	sbr.abs _section_cstart, $3  }
0xc0: {  	[dreg:$0x1] =	wrdreg $0xFFFFFFFF  }
0xc1: {  	_ =	task.clear_ibuf [dreg:s6], $0x2FFFF;
	_ =	strace $0x9FFFFFFF  }
0xc2: {  	(tm) =	ssettm $0x7FFFFFFF  }
0xc3: {  	_ =	shalt  }
tec
execute0_lowered:
.L_overlay_start_1:
0x0: {  	(tag) =	ssettag $0x1  }
0x1: {  	s5 =	rddreg [dreg:$0x0]  }
0x2: {  	s0 =	srdreg.scid;
	s2 =	rddreg [dreg:$0x1]  }
0x3: {  	s1 =	stileid.u32;
	s3 =	simm.s32 $0x0;
	s12 =	simm.s32 $0x2  }
0x4: {  	s13 =	simm.s32 $0x16080;
	s14 =	simm.s32 $0x16100;
	s15 =	simm.s32 $0x50  }
0x5: {  	s16 =	simm.s32 $0x16180;
	s17 =	simm.s32 $0x1;
	s4 =	smul.u32 $0x2710, s1  }
0x6: {  	s6 =	sand.u32 $0x1, s0;
	s0 =	rddreg [dreg:$0x2];
	s10 =	smul.u32 $0xA000, s1  }
0x7: {  	s18 =	simm.s32 $0x0;
	[smem:$0x7FF] =	sst s3;
	s31 =	smul.u32 $0x500, s1  }
0x8: {  	p0 =	slt.u32 s1, $0xD;
	s7 =	smul.u32 $0x27100, s6;
	s6 =	ssub.s32 $0x2, s6  }
0x9: {  	_ =	strace $0x8000004D;
	s29 =	sshrl.u32 s6, $0x1;
	s30 =	sshrl.u32 s10, $0x2  }
0xa: {  	s8 =	sadd.s32 s4, s7;
	s4 =	sadd.s32 $0x3200, s5;
	s11 =	sadd.s32 s7, s5  }
0xb: {  	s6 =	ssub.s32 s6, s29;
	s7 =	sadd.s32 s30, s2;
	s8 =	sshrl.u32 s8, $0x3  }
0xc: {  	s6 =	smax.u32 s6, $0x1;
	s10 =	sadd.s32 s31, s11;
	s11 =	simm.s32 $0x13880  }
0xd: {  	s9 =	sadd.s32 s8, s5;
	s5 =	simm.s32 $0x8;
	s10 =	sadd.s32 $0x3F400, s10  }
0xe: {  	v0 =	vimm.f32 $0.0e+00;
	s5 =	simm.s32 @!p0 $0x7;
	s8 =	sadd.s32 $0x2B800, s9;
	s9 =	sadd.s32 $0x35600, s9  }
.LBB2_1:
0xf: {  	s19 =	simm.s32 $0x0  }
.LBB2_2:
0x10: {  	p0 =	sne.s32 s19, $0x9E00  }
.Ltmp0:
0x11: {  	_ = 	snop;
	(pc) =	sbr.rel @p0 .LBB2_2-.Ltmp0, $3  }
0x12: {  	_ =	sdelay $0x1  }
0x13: {  	s20 =	sshra.s32 s19, $0x2  }
0x14: {  	s19 =	sadd.s32 $0x200, s19;
	[tilespmem:s20+$0x13880] =	vst v0  }
0x15: {  	s19 =	simm.s32 $0x40  }
.LBB2_4:
0x16: {  	p0 =	sne.s32 s19, $0x9E40  }
.Ltmp1:
0x17: {  	_ = 	snop;
	(pc) =	sbr.rel @p0 .LBB2_4-.Ltmp1, $3  }
0x18: {  	_ =	sdelay $0x1  }
0x19: {  	s20 =	sshra.s32 s19, $0x2  }
0x1a: {  	s19 =	sadd.s32 $0x200, s19;
	[tilespmem:s20+$0x13880] =	vst v0  }
0x1b: {  	s19 =	simm.s32 $0x80  }
.LBB2_6:
0x1c: {  	p0 =	sne.s32 s19, $0x9E80  }
.Ltmp2:
0x1d: {  	_ = 	snop;
	(pc) =	sbr.rel @p0 .LBB2_6-.Ltmp2, $3  }
0x1e: {  	_ =	sdelay $0x1  }
0x1f: {  	s20 =	sshra.s32 s19, $0x2  }
0x20: {  	s19 =	sadd.s32 $0x200, s19;
	[tilespmem:s20+$0x13880] =	vst v0  }
0x21: {  	s19 =	simm.s32 $0xC0  }
.LBB2_8:
0x22: {  	p0 =	sne.s32 s19, $0x9EC0  }
.Ltmp3:
0x23: {  	_ = 	snop;
	(pc) =	sbr.rel @p0 .LBB2_8-.Ltmp3, $3  }
0x24: {  	_ =	sdelay $0x1  }
0x25: {  	s20 =	sshra.s32 s19, $0x2  }
0x26: {  	s19 =	sadd.s32 $0x200, s19;
	[tilespmem:s20+$0x13880] =	vst v0  }
0x27: {  	s19 =	simm.s32 $0x100  }
.LBB2_10:
0x28: {  	p0 =	sne.s32 s19, $0x9F00  }
.Ltmp4:
0x29: {  	_ = 	snop;
	(pc) =	sbr.rel @p0 .LBB2_10-.Ltmp4, $3  }
0x2a: {  	_ =	sdelay $0x1  }
0x2b: {  	s20 =	sshra.s32 s19, $0x2  }
0x2c: {  	s19 =	sadd.s32 $0x200, s19;
	[tilespmem:s20+$0x13880] =	vst v0  }
0x2d: {  	s19 =	simm.s32 $0x140  }
.LBB2_12:
0x2e: {  	p0 =	sne.s32 s19, $0x9F40  }
.Ltmp5:
0x2f: {  	_ = 	snop;
	(pc) =	sbr.rel @p0 .LBB2_12-.Ltmp5, $3  }
0x30: {  	_ =	sdelay $0x1  }
0x31: {  	s20 =	sshra.s32 s19, $0x2  }
0x32: {  	s19 =	sadd.s32 $0x200, s19;
	[tilespmem:s20+$0x13880] =	vst v0  }
0x33: {  	s19 =	simm.s32 $0x180  }
.LBB2_14:
0x34: {  	p0 =	sne.s32 s19, $0x9F80  }
.Ltmp6:
0x35: {  	_ = 	snop;
	(pc) =	sbr.rel @p0 .LBB2_14-.Ltmp6, $3  }
0x36: {  	_ =	sdelay $0x1  }
0x37: {  	s20 =	sshra.s32 s19, $0x2  }
0x38: {  	s19 =	sadd.s32 $0x200, s19;
	[tilespmem:s20+$0x13880] =	vst v0  }
0x39: {  	s19 =	simm.s32 $0x3C0;
	s20 =	simm.s32 $0x70  }
.LBB2_16:
0x3a: {  	p0 =	sne.s32 s19, $0x9FC0;
	[tilespmem:s20+$0x13880] =	vst v0;
	s20 =	smov.u32 s19;
	s19 =	sadd.s32 $0x200, s19  }
.Ltmp7:
0x3b: {  	(pc) =	sbr.rel @p0 .LBB2_16-.Ltmp7, $2  }
0x3c: {  	_ =	sdelay $0x2  }
0x3d: {  	s20 =	sshra.s32 s20, $0x2  }
0x3e: {  	p0 =	sne.s32 s5, $0x1  }
.Ltmp8:
0x3f: {  	_ = 	snop;
	(pc) =	sbr.rel @!p0 .LBB2_19-.Ltmp8, $4  }
0x40: {  	[tilespmem:s20+$0x13880] =	vst v0  }
0x41: {  	[spmem:s7] =	stream.linear.scatter [tilespmem:s11], [sflag:$0x2], $0x2800, $0x38;
	[tilespmem:$0x18980] =	vst v63  }
0x42: {  	_ =	swait.ge [sflag:s12], $0x2800  }
0x43: {  	s19 =	sadd.s32 $0xFFFFFFFF, s5;
	s20 =	smov.u32 s7;
	[sflag:s12] =	ssyncset.done $0x0  }
.LBB2_18:
0x44: {  	p1 =	sne.s32 s19, $0x1;
	[sflag:s12] =	ssyncadd.s32 $0xFFFFD800;
	s20 =	sadd.s32 $0x28000, s20  }
.Ltmp9:
0x45: {  	s19 =	sadd.s32 $0xFFFFFFFF, s19;
	(pc) =	sbr.rel @p1 .LBB2_18-.Ltmp9, $4  }
0x46: {  	_ = 	snop  }
0x47: {  	[spmem:s20] =	stream.linear.scatter [tilespmem:s11], [sflag:$0x2], $0x2800, $0x38;
	[tilespmem:$0x18980] =	vst v63  }
0x48: {  	_ =	swait.ge [sflag:s12], $0x2800  }
0x49: {  	[sflag:s12] =	ssyncset.done $0x0  }
.LBB2_19:
0x4a: {  	[sflag:s12] =	ssyncadd.s32 $0xFFFFD800  }
0x4b: {  	s19 =	sadd.s32 $0x0, s9;
	[bflag:$0x0] =	sbarrier.arrive $0xFFFF  }
0x4c: {  	[tilespmem:s13], [sflag:$0x2] =	stream.linear.gather [hbm4b:s19+s3], $0x50, $0x38;
	[tilespmem:$0x18980] =	vst v63  }
0x4d: {  	_ =	swait.ge [sflag:s12], $0x50  }
0x4e: {  	[sflag:s12] =	ssyncset.done $0x0  }
0x4f: {  	s31 =	sadd.s32 $0x0, s8;
	[sflag:s12] =	ssyncadd.s32 $0xFFFFFFB0  }
0x50: {  	[tilespmem:s14], [sflag:$0x2] =	stream.linear.gather [hbm4b:s31+s3], $0x50, $0x38;
	[tilespmem:$0x18980] =	vst v63  }
0x51: {  	_ =	swait.ge [sflag:s12], $0x50  }
0x52: {  	[sflag:s12] =	ssyncset.done $0x0  }
0x53: {  	[sflag:s12] =	ssyncadd.s32 $0xFFFFFFB0  }
0x54: {  	[tilespmem:s16], [sflag:$0x1] =	stream.indirect.gather [hbm4b:s4+s15], $0x80, s13, s15, $0xb8;
	[tilespmem:$0x18980] =	vst v63  }
0x55: {  	_ =	swait.ge [sflag:s17], $0x2800  }
0x56: {  	[sflag:s17] =	ssyncset.done $0x0  }
0x57: {  	[sflag:s17] =	ssyncadd.s32 $0xFFFFD800  }
0x58: {  	[spmem:s2] =	stream.indirect.scatter.add.f32 [tilespmem:s16], [sflag:$0x2], $0x80, s14, s15, $0xb8;
	[tilespmem:$0x18980] =	vst v63  }
0x59: {  	_ =	swait.ge [sflag:s12], $0x2800  }
0x5a: {  	s20 =	simm.s32 $0x14;
	s19 =	simm.s32 $0xA;
	[sflag:s12] =	ssyncset.done $0x0  }
.LBB2_20:
0x5b: {  	s21 =	sadd.s32 s19, s9  }
0x5c: {  	[sflag:s12] =	ssyncadd.s32 $0xFFFFD800;
	s22 =	smov.u32 s20;
	s23 =	sadd.s32 $0xA, s20  }
0x5d: {  	[tilespmem:s13], [sflag:$0x2] =	stream.linear.gather [hbm4b:s21+s3], $0x50, $0x38;
	[tilespmem:$0x18980] =	vst v63  }
0x5e: {  	p1 =	sne.s32 s20, $0x4D8;
	_ =	swait.ge [sflag:s12], $0x50  }
0x5f: {  	[sflag:s12] =	ssyncset.done $0x0  }
0x60: {  	s20 =	sadd.s32 s19, s8;
	s19 =	smov.u32 s22;
	[sflag:s12] =	ssyncadd.s32 $0xFFFFFFB0  }
0x61: {  	[tilespmem:s14], [sflag:$0x2] =	stream.linear.gather [hbm4b:s20+s3], $0x50, $0x38;
	[tilespmem:$0x18980] =	vst v63  }
0x62: {  	_ =	swait.ge [sflag:s12], $0x50  }
0x63: {  	[sflag:s12] =	ssyncset.done $0x0  }
0x64: {  	[sflag:s12] =	ssyncadd.s32 $0xFFFFFFB0  }
0x65: {  	[tilespmem:s16], [sflag:$0x1] =	stream.indirect.gather [hbm4b:s4+s15], $0x80, s13, s15, $0xb8;
	[tilespmem:$0x18980] =	vst v63  }
0x66: {  	_ =	swait.ge [sflag:s17], $0x2800  }
.Ltmp10:
0x67: {  	[sflag:s17] =	ssyncset.done $0x0;
	(pc) =	sbr.rel @p1 .LBB2_20-.Ltmp10, $4  }
0x68: {  	[sflag:s17] =	ssyncadd.s32 $0xFFFFD800  }
0x69: {  	[spmem:s2] =	stream.indirect.scatter.add.f32 [tilespmem:s16], [sflag:$0x2], $0x80, s14, s15, $0xb8;
	[tilespmem:$0x18980] =	vst v63  }
0x6a: {  	_ =	swait.ge [sflag:s12], $0x2800  }
0x6b: {  	s20 =	smov.u32 s23;
	[sflag:s12] =	ssyncset.done $0x0  }
0x6c: {  	s20 =	sadd.s32 s19, s9;
	[sflag:s12] =	ssyncadd.s32 $0xFFFFD800  }
0x6d: {  	[tilespmem:s13], [sflag:$0x2] =	stream.linear.gather [hbm4b:s20+s3], $0x50, $0x38;
	[tilespmem:$0x18980] =	vst v63  }
0x6e: {  	_ =	swait.ge [sflag:s12], $0x50  }
0x6f: {  	[sflag:s12] =	ssyncset.done $0x0  }
0x70: {  	s29 =	sadd.s32 s19, s8;
	[sflag:s12] =	ssyncadd.s32 $0xFFFFFFB0  }
0x71: {  	[tilespmem:s14], [sflag:$0x2] =	stream.linear.gather [hbm4b:s29+s3], $0x50, $0x38;
	[tilespmem:$0x18980] =	vst v63  }
0x72: {  	_ =	swait.ge [sflag:s12], $0x50  }
0x73: {  	[sflag:s12] =	ssyncset.done $0x0  }
0x74: {  	[sflag:s12] =	ssyncadd.s32 $0xFFFFFFB0  }
0x75: {  	[tilespmem:s16], [sflag:$0x1] =	stream.indirect.gather [hbm4b:s4+s15], $0x80, s13, s15, $0xb8;
	[tilespmem:$0x18980] =	vst v63  }
0x76: {  	_ =	swait.ge [sflag:s17], $0x2800  }
0x77: {  	[sflag:s17] =	ssyncset.done $0x0  }
0x78: {  	[sflag:s17] =	ssyncadd.s32 $0xFFFFD800  }
0x79: {  	[spmem:s2] =	stream.indirect.scatter.add.f32 [tilespmem:s16], [sflag:$0x2], $0x80, s14, s15, $0xb8;
	[tilespmem:$0x18980] =	vst v63  }
0x7a: {  	_ =	swait.ge [sflag:s12], $0x2800  }
.Ltmp11:
0x7b: {  	[sflag:s12] =	ssyncset.done $0x0;
	(pc) =	sbr.rel @!p0 .LBB2_23-.Ltmp11, $4  }
0x7c: {  	s30 =	sshll.u32 s1, $0x6;
	s31 =	sshrl.u32 s7, $0x3;
	[sflag:s12] =	ssyncadd.s32 $0xFFFFD800  }
0x7d: {  	s21 =	sadd.s32 $0x5000, s10;
	s19 =	sor.u32 $0x1C02, s30;
	[bflag:$0x0] =	sbarrier.arrive $0xFFFF  }
0x7e: {  	[hbm:s10], [sflag:s19] =	dma.local [spmem:s31], $0x500  }
0x7f: {  	s22 =	smov.u32 s7;
	s20 =	sadd.s32 $0xFFFFFFFF, s5;
	_ =	swait.ge [sflag:s12], $0x500  }
.LBB2_22:
0x80: {  	[sflag:s12] =	ssyncset.done $0x0;
	s22 =	sadd.s32 $0x28000, s22;
	p0 =	sne.s32 s20, $0x1  }
.Ltmp12:
0x81: {  	s23 =	sshrl.u32 s22, $0x3;
	[sflag:s12] =	ssyncadd.s32 $0xFFFFFB00;
	(pc) =	sbr.rel @p0 .LBB2_22-.Ltmp12, $3  }
0x82: {  	[hbm:s21], [sflag:s19] =	dma.local [spmem:s23], $0x500  }
0x83: {  	s20 =	sadd.s32 $0xFFFFFFFF, s20;
	_ =	sdelay $0x1  }
0x84: {  	s21 =	sadd.s32 $0x5000, s21;
	_ =	swait.ge [sflag:s12], $0x500  }
.LBB2_23:
0x85: {  	s18 =	sadd.s32 $0x1, s18  }
0x86: {  	p0 =	sne.s32 s18, s6  }
.Ltmp13:
0x87: {  	_ = 	snop;
	(pc) =	sbr.rel @p0 .LBB2_1-.Ltmp13, $3  }
0x88: {  	_ =	sdelay $0x1  }
0x89: {  	[sflag:s12] =	ssyncset.done $0x0  }
0x8a: {  	[sflag:s12] =	ssyncadd.s32 $0xFFFFFB00  }
0x8b: {  	_ =	sfence.sel $0x180000  }
0x8c: {  	[bflag:$0x0] =	sbarrier.arrive $0xFFFF  }
0x8d: {  	p0 =	sne.s32 s1, $0x0;
	_ =	strace $0x9000004D  }
0x8e: {  	s0 =	sadd.s32 @!p0 $0x100000, s0;
	[bflag:$0x2] =	sbarrier.arrive $0xFFFF  }
0x8f: {  	[sflag:s0] =	ssyncadd.tile.s32 @!p0 $0x1;
	_ =	shalt  }
.Lfunc_end2:
_tile_overlayer_lowered:
.L_overlay_start_2:
0x90: {  	(tag) =	ssettag $0x2  }
0x91: {  	s0 =	rddreg [dreg:$0x0];
	s2 =	stileid.u32  }
0x92: {  	s1 =	rddreg [dreg:$0x1];
	p0 =	sne.s32 s2, $0x0  }
0x93: {  	s3 =	rddreg [dreg:$0x2];
	[bflag:$0x3] =	sbarrier.arrive $0xFFFF;
	s2 =	simm.s32 @!p0 $0x1C02  }
0x94: {  	[timem:s3], [sflag:s2] =	dma.local @!p0 [hbm:s0], s1  }
0x95: {  	s0 =	simm.s32 @!p0 $0x2  }
0x96: {  	_ =	swait.ge @!p0 [sflag:s0], s1  }
0x97: {  	s1 =	ssub.s32 @!p0 $0x0, s1;
	[sflag:s0] =	ssyncset.done @!p0 $0x0  }
0x98: {  	[sflag:s0] =	ssyncadd.s32 @!p0 s1  }
0x99: {  	[bflag:$0x3] =	sbarrier.arrive $0xFFFF  }
0x9a: {  	_ =	shalt  }

// kernel: kernel.21.cloned.1.call-start
scs
__scs_entry_jumppad:
0x0: {  	(pc) =	sbr.rel $0x88, $3  }
0x1: {  	(tag) =	ssettag $0x0;
	lr =	simm.s32 $0x1  }
0x2: {  	[smem:$0x3F94] =	sst lr;
	_ =	strace $0xD0000000  }
0x3: {  	_ = 	snop  }
0x4: {  	_ = 	snop  }
0x5: {  	_ = 	snop  }
0x6: {  	_ = 	snop  }
0x7: {  	_ = 	snop  }
__scs_overlays_trampoline_lowered:
0x8: {  	[smem:$0x3FA3] =	sst s0  }
0x9: {  	[smem:$0x3FA4] =	sst s1  }
0xa: {  	[smem:$0x3FA5] =	sst s2  }
0xb: {  	[smem:$0x3FA6] =	sst s3  }
0xc: {  	[smem:$0x3FA7] =	sst s4  }
0xd: {  	[smem:$0x3FA8] =	sst s5  }
0xe: {  	[smem:$0x3FA9] =	sst s6  }
0xf: {  	[smem:$0x3FAA] =	sst s7  }
0x10: {  	[smem:$0x3FAB] =	sst s8  }
0x11: {  	[smem:$0x3FAC] =	sst s9;
	s0 =	simm.s32 @!p0 $0x0  }
0x12: {  	s1 =	sld [smem:$0x3F92];
	s0 =	simm.s32 @p0 $0x1  }
0x13: {  	[smem:$0x3FAD] =	sst s0;
	s0 =	simm.s32 @!p1 $0x0  }
0x14: {  	s2 =	sld [smem:$0x3F91];
	s0 =	simm.s32 @p1 $0x1  }
0x15: {  	[smem:$0x3FAE] =	sst s0;
	s0 =	simm.s32 @!p2 $0x0  }
0x16: {  	s3 =	sld [smem:$0x3FDB];
	s0 =	simm.s32 @p2 $0x1  }
0x17: {  	s4 =	simm.s32 $0x1BF5;
	[smem:$0x3FB0] =	sst s0  }
0x18: {  	s0 =	sld [smem:$0x3F93];
	_ =	swait.ge [sflag:s4], $0x0  }
0x19: {  	s7 =	sld [smem:$0x3F94]  }
0x1a: {  	s8 =	sadd.s32 $0xFFFFE003, lr  }
0x1b: {  	s9 =	sadd.s32 $0xFFFFFEF7, lr;
	s5 =	simm.s32 $0xFFFFFFFF;
	p2 =	slt.u32 s8, $0xFFFFF086  }
0x1c: {  	p1 =	slt.u32 s9, $0xF7A;
	s5 =	simm.s32 @!p2 $0x0  }
0x1d: {  	s5 =	simm.s32 @p1 $0x1;
	p0 =	seq.s32 s7, s2  }
0x1e: {  	s7 =	smul.u32 @!p0 $0xF7A, s2;
	p2 =	seq.s32 @!p0 s5, $0x0  }
0x1f: {  	s9 =	smul.u32 $0xF7A, s1;
	s8 =	simm.s32 @!p0 $0x1BF5;
	p2 =	por !p2, p0  }
0x20: {  	[sflag:s8] =	ssyncset.s32 @!p0 $0xFFFFF086;
	s6 =	sadd.s32 @!p0 s3, s7;
	s7 =	simm.s32 @!p0 $0x108  }
0x21: {  	s3 =	sadd.s32 s3, s9;
	s6 =	sadd.s32 @!p0 $0x88, s6;
	s7 =	simm.s32 @p2 $0x1082  }
0x22: {  	[simem:s7], [sflag:s8] =	dma.local @!p0 [hbm:s6], $0xF7A  }
0x23: {  	s9 =	sor.u32 $0xD0000000, s2;
	s6 =	simm.s32 $0x108;
	_ =	swait.ge @!p0 [sflag:s8], $0x0  }
0x24: {  	s3 =	sadd.s32 $0x88, s3;
	s6 =	simm.s32 @!p1 $0x1082;
	[sflag:s4] =	ssyncset.s32 $0xFFFFF086  }
0x25: {  	[simem:s6], [sflag:s4] =	dma.local [hbm:s3], $0xF7A  }
0x26: {  	[smem:$0x3F94] =	sst s1;
	(tag) =	ssettag s2;
	_ =	strace s9  }
0x27: {  	s1 =	sld [smem:$0x3FA4]  }
0x28: {  	s2 =	sld [smem:$0x3FA5]  }
0x29: {  	s4 =	sld [smem:$0x3FA7]  }
0x2a: {  	p0 =	seq.s32 s5, $0x0;
	s5 =	sld [smem:$0x3FA8]  }
0x2b: {  	s6 =	sld [smem:$0x3FA9]  }
0x2c: {  	s7 =	sld [smem:$0x3FAA]  }
0x2d: {  	s3 =	simm.s32 $0x108;
	s8 =	sld [smem:$0x3FAB]  }
0x2e: {  	s3 =	simm.s32 @!p0 $0x1082;
	s9 =	sld [smem:$0x3FAC]  }
0x2f: {  	lr =	sadd.s32 s0, s3;
	s0 =	sld [smem:$0x3FA3]  }
0x30: {  	s3 =	sld [smem:$0x3FA6]  }
0x31: {  	[smem:$0x3FAF] =	sst s10  }
0x32: {  	s10 =	sld [smem:$0x3FAD];
	_ =	sdelay $0x3  }
0x33: {  	p0 =	seq.s32 s10, $0x1;
	s10 =	sld [smem:$0x3FAF];
	_ =	sdelay $0x3  }
0x34: {  	[smem:$0x3FAF] =	sst s10  }
0x35: {  	s10 =	sld [smem:$0x3FAE];
	_ =	sdelay $0x3  }
0x36: {  	p1 =	seq.s32 s10, $0x1;
	s10 =	sld [smem:$0x3FAF];
	_ =	sdelay $0x3  }
0x37: {  	[smem:$0x3FAF] =	sst s10  }
0x38: {  	s10 =	sld [smem:$0x3FB0]  }
0x39: {  	_ = 	snop;
	(pc) =	sbr.ind lr, $3  }
0x3a: {  	_ = 	snop  }
0x3b: {  	_ = 	snop  }
0x3c: {  	p2 =	seq.s32 s10, $0x1;
	s10 =	sld [smem:$0x3FAF]  }
0x3d: {  	_ =	shalt  }
0x3e: {  	_ =	shalt  }
0x3f: {  	_ =	shalt  }
0x40: {  	_ =	shalt  }
0x41: {  	_ =	shalt  }
0x42: {  	_ =	shalt  }
0x43: {  	_ =	shalt  }
0x44: {  	_ =	shalt  }
0x45: {  	_ =	shalt  }
0x46: {  	_ =	shalt  }
0x47: {  	_ =	shalt  }
0x48: {  	_ =	shalt  }
0x49: {  	_ =	shalt  }
0x4a: {  	_ =	shalt  }
0x4b: {  	_ =	shalt  }
0x4c: {  	_ =	shalt  }
0x4d: {  	_ =	shalt  }
0x4e: {  	_ =	shalt  }
0x4f: {  	_ =	shalt  }
0x50: {  	_ =	shalt  }
0x51: {  	_ =	shalt  }
0x52: {  	_ =	shalt  }
0x53: {  	_ =	shalt  }
0x54: {  	_ =	shalt  }
0x55: {  	_ =	shalt  }
0x56: {  	_ =	shalt  }
0x57: {  	_ =	shalt  }
0x58: {  	_ =	shalt  }
0x59: {  	_ =	shalt  }
0x5a: {  	_ =	shalt  }
0x5b: {  	_ =	shalt  }
0x5c: {  	_ =	shalt  }
0x5d: {  	_ =	shalt  }
0x5e: {  	_ =	shalt  }
0x5f: {  	_ =	shalt  }
0x60: {  	_ =	shalt  }
0x61: {  	_ =	shalt  }
0x62: {  	_ =	shalt  }
0x63: {  	_ =	shalt  }
0x64: {  	_ =	shalt  }
0x65: {  	_ =	shalt  }
0x66: {  	_ =	shalt  }
0x67: {  	_ =	shalt  }
0x68: {  	_ =	shalt  }
0x69: {  	_ =	shalt  }
0x6a: {  	_ =	shalt  }
0x6b: {  	_ =	shalt  }
0x6c: {  	_ =	shalt  }
0x6d: {  	_ =	shalt  }
0x6e: {  	_ =	shalt  }
0x6f: {  	_ =	shalt  }
0x70: {  	_ =	shalt  }
0x71: {  	_ =	shalt  }
0x72: {  	_ =	shalt  }
0x73: {  	_ =	shalt  }
0x74: {  	_ =	shalt  }
0x75: {  	_ =	shalt  }
0x76: {  	_ =	shalt  }
0x77: {  	_ =	shalt  }
0x78: {  	_ =	shalt  }
0x79: {  	_ =	shalt  }
0x7a: {  	_ =	shalt  }
0x7b: {  	_ =	shalt  }
0x7c: {  	_ =	shalt  }
0x7d: {  	_ =	shalt  }
0x7e: {  	_ =	shalt  }
0x7f: {  	_ =	shalt  }
0x80: {  	_ =	shalt  }
0x81: {  	_ =	shalt  }
0x82: {  	_ =	shalt  }
0x83: {  	_ =	shalt  }
0x84: {  	_ =	shalt  }
0x85: {  	_ =	shalt  }
0x86: {  	_ =	shalt  }
0x87: {  	_ =	shalt  }
.Lfunc_end0:
.L_simem_size_0:
called_computation.3_lowered:
.L_overlay_start_0:
0x88: {  	s2 =	sld [smem:$0x3FD9]  }
0x89: {  	s3 =	sld [smem:$0x3FFE];
	_ =	sdelay $0x1  }
0x8a: {  	s1 =	srdreg.scid  }
0x8b: {  	s0 =	sand.u32 $0x1, s1  }
0x8c: {  	s16 =	sshll.u32 s0, $0xA;
	s2 =	sadd.s32 s3, s2  }
0x8d: {  	s2 =	sadd.s32 s2, s16  }
0x8e: {  	[smem:$0x3FBB] =	sst s2  }
0x8f: {  	_ = 	snop  }
0x90: {  	(tm) =	ssettm $0x1  }
0x91: {  	s17 =	sld [smem:$0x3FFB];
	_ =	sdelay $0x3  }
0x92: {  	_ =	strace s17  }
0x93: {  	s2 =	sld [smem:$0x3FFC];
	_ =	sdelay $0x3  }
0x94: {  	_ =	strace s2  }
0x95: {  	s2 =	sld [smem:$0x3FFD];
	_ =	sdelay $0x3  }
0x96: {  	_ =	strace s2  }
0x97: {  	_ =	strace $0x8FFFFFFF  }
0x98: {  	s18 =	sld [smem:$0x3FDB];
	_ =	sdelay $0x1  }
0x99: {  	s19 =	simm.s32 $_scs_section_size  }
0x9a: {  	s4 =	simm.s32 $_size__tile_overlayer_lowered;
	s5 =	simm.s32 $_tile_overlayer_lowered  }
0x9b: {  	s22 =	simm.s32 $0x1BFF;
	s21 =	sshll.u32 s5, $0x1;
	s2 =	sadd.s32 s19, s18  }
0x9c: {  	s6 =	simm.s32 $0x0;
	s20 =	sshll.u32 s4, $0x1;
	s4 =	sadd.s32 s21, s2  }
0x9d: {  	[timem:s6], [sflag:s22] =	dma.local [hbm:s4], s20  }
0x9e: {  	_ =	swait.ge [sflag:s22], s20  }
0x9f: {  	s3 =	ssub.s32 $0x0, s20;
	[sflag:s22] =	ssyncset.done $0x0  }
0xa0: {  	[sflag:s22] =	ssyncadd.s32 s3;
	_ =	sdelay $0x1  }
0xa1: {  	s23 =	simm.s32 $0x1B8B  }
0xa2: {  	_ =	swait.ge [sflag:s23], $0x1  }
0xa3: {  	[sflag:s23] =	ssyncset.done $0x0  }
0xa4: {  	s25 =	simm.s32 $0x1B8E;
	s24 =	sld [smem:$0x3FFE];
	[sflag:s23] =	ssyncadd.s32 $0xFFFFFFFF  }
0xa5: {  	s26 =	simm.s32 $execute0_lowered;
	[smem:$0x3FD2] =	sst s25  }
0xa6: {  	s4 =	sshll.u32 s26, $0x1;
	_ =	strace $0x8000004F;
	[dreg:$0x1] =	wrdreg $0xFFFFFFFF  }
0xa7: {  	s28 =	simm.s32 $_size_execute0_lowered;
	s2 =	sadd.s32 s2, s4;
	[dreg:$0x0] =	wrdreg $0x0  }
0xa8: {  	s4 =	sshll.u32 s28, $0x1;
	[dreg:$0x2] =	wrdreg s2  }
0xa9: {  	[dreg:$0x3] =	wrdreg s4  }
0xaa: {  	[dreg:$0x4] =	wrdreg $0xC0  }
0xab: {  	_ =	task [dreg:s6], $0x5FFFF  }
0xac: {  	[dreg:$0x1] =	wrdreg $0xFFFFFFFF  }
0xad: {  	[dreg:$0x0] =	wrdreg $0x60  }
0xae: {  	[dreg:$0x2] =	wrdreg s24  }
0xaf: {  	[dreg:$0x3] =	wrdreg $0x0  }
0xb0: {  	[dreg:$0x4] =	wrdreg $0x9  }
0xb1: {  	_ =	task.clear_ibuf [dreg:s6], $0x5FFFF;
	_ =	strace $0x9000004F  }
0xb2: {  	s29 =	simm.s32 $0x9;
	_ =	strace $0x80000051  }
0xb3: {  	_ =	swait.ge [sflag:s29], $0x1  }
0xb4: {  	[sflag:s29] =	ssyncadd.s32 $0xFFFFFFFF  }
0xb5: {  	_ =	strace $0x90000051  }
0xb6: {  	_ =	sfence  }
0xb7: {  	s30 =	sld [smem:$0x0];
	_ =	sdelay $0x2  }
0xb8: {  	s31 =	sshll.u32 s1, $0xD;
	s1 =	sshrl.u32 s1, $0x2  }
0xb9: {  	s3 =	sand.u32 $0x4000, s31;
	s1 =	sadd.s32 s1, s30  }
0xba: {  	s0 =	sor.u32 s3, s0;
	s1 =	sshll.u32 s1, $0x11  }
0xbb: {  	s0 =	sor.u32 s1, s0  }
0xbc: {  	s0 =	sadd.s32 $0x8F2B, s0  }
0xbd: {  	[sflag:s0] =	ssyncadd.remote.s32 $0x1  }
0xbe: {  	_ =	sfence.sel $0xFFFF  }
0xbf: {  	[dreg:$0x0] =	wrdreg $0xFFFFFFFF;
	(pc) =	sbr.abs _section_cstart, $3  }
0xc0: {  	[dreg:$0x1] =	wrdreg $0xFFFFFFFF  }
0xc1: {  	_ =	task.clear_ibuf [dreg:s6], $0x2FFFF;
	_ =	strace $0x9FFFFFFF  }
0xc2: {  	(tm) =	ssettm $0x7FFFFFFF  }
0xc3: {  	_ =	shalt  }
tec
execute0_lowered:
.L_overlay_start_1:
0x0: {  	(tag) =	ssettag $0x1  }
0x1: {  	s5 =	rddreg [dreg:$0x0]  }
0x2: {  	s0 =	srdreg.scid;
	s2 =	rddreg [dreg:$0x1]  }
0x3: {  	s1 =	stileid.u32;
	s3 =	simm.s32 $0x0;
	s12 =	simm.s32 $0x2  }
0x4: {  	s13 =	simm.s32 $0x16080;
	s14 =	simm.s32 $0x16100;
	s15 =	simm.s32 $0x50  }
0x5: {  	s16 =	simm.s32 $0x16180;
	s17 =	simm.s32 $0x1;
	s4 =	smul.u32 $0x2710, s1  }
0x6: {  	s6 =	sand.u32 $0x1, s0;
	s0 =	rddreg [dreg:$0x2];
	s10 =	smul.u32 $0xA000, s1  }
0x7: {  	s18 =	simm.s32 $0x0;
	[smem:$0x7FF] =	sst s3;
	s31 =	smul.u32 $0x500, s1  }
0x8: {  	p0 =	slt.u32 s1, $0xD;
	s7 =	smul.u32 $0x27100, s6;
	s6 =	ssub.s32 $0x2, s6  }
0x9: {  	_ =	strace $0x80000050;
	s29 =	sshrl.u32 s6, $0x1;
	s30 =	sshrl.u32 s10, $0x2  }
0xa: {  	s8 =	sadd.s32 s4, s7;
	s4 =	sadd.s32 $0x3200, s5;
	s11 =	sadd.s32 s7, s5  }
0xb: {  	s6 =	ssub.s32 s6, s29;
	s7 =	sadd.s32 s30, s2;
	s8 =	sshrl.u32 s8, $0x3  }
0xc: {  	s6 =	smax.u32 s6, $0x1;
	s10 =	sadd.s32 s31, s11;
	s11 =	simm.s32 $0x13880  }
0xd: {  	s9 =	sadd.s32 s8, s5;
	s5 =	simm.s32 $0x8;
	s10 =	sadd.s32 $0x3F400, s10  }
0xe: {  	v0 =	vimm.f32 $0.0e+00;
	s5 =	simm.s32 @!p0 $0x7;
	s8 =	sadd.s32 $0x2B800, s9;
	s9 =	sadd.s32 $0x35600, s9  }
.LBB2_1:
0xf: {  	s19 =	simm.s32 $0x0  }
.LBB2_2:
0x10: {  	p0 =	sne.s32 s19, $0x9E00  }
.Ltmp0:
0x11: {  	_ = 	snop;
	(pc) =	sbr.rel @p0 .LBB2_2-.Ltmp0, $3  }
0x12: {  	_ =	sdelay $0x1  }
0x13: {  	s20 =	sshra.s32 s19, $0x2  }
0x14: {  	s19 =	sadd.s32 $0x200, s19;
	[tilespmem:s20+$0x13880] =	vst v0  }
0x15: {  	s19 =	simm.s32 $0x40  }
.LBB2_4:
0x16: {  	p0 =	sne.s32 s19, $0x9E40  }
.Ltmp1:
0x17: {  	_ = 	snop;
	(pc) =	sbr.rel @p0 .LBB2_4-.Ltmp1, $3  }
0x18: {  	_ =	sdelay $0x1  }
0x19: {  	s20 =	sshra.s32 s19, $0x2  }
0x1a: {  	s19 =	sadd.s32 $0x200, s19;
	[tilespmem:s20+$0x13880] =	vst v0  }
0x1b: {  	s19 =	simm.s32 $0x80  }
.LBB2_6:
0x1c: {  	p0 =	sne.s32 s19, $0x9E80  }
.Ltmp2:
0x1d: {  	_ = 	snop;
	(pc) =	sbr.rel @p0 .LBB2_6-.Ltmp2, $3  }
0x1e: {  	_ =	sdelay $0x1  }
0x1f: {  	s20 =	sshra.s32 s19, $0x2  }
0x20: {  	s19 =	sadd.s32 $0x200, s19;
	[tilespmem:s20+$0x13880] =	vst v0  }
0x21: {  	s19 =	simm.s32 $0xC0  }
.LBB2_8:
0x22: {  	p0 =	sne.s32 s19, $0x9EC0  }
.Ltmp3:
0x23: {  	_ = 	snop;
	(pc) =	sbr.rel @p0 .LBB2_8-.Ltmp3, $3  }
0x24: {  	_ =	sdelay $0x1  }
0x25: {  	s20 =	sshra.s32 s19, $0x2  }
0x26: {  	s19 =	sadd.s32 $0x200, s19;
	[tilespmem:s20+$0x13880] =	vst v0  }
0x27: {  	s19 =	simm.s32 $0x100  }
.LBB2_10:
0x28: {  	p0 =	sne.s32 s19, $0x9F00  }
.Ltmp4:
0x29: {  	_ = 	snop;
	(pc) =	sbr.rel @p0 .LBB2_10-.Ltmp4, $3  }
0x2a: {  	_ =	sdelay $0x1  }
0x2b: {  	s20 =	sshra.s32 s19, $0x2  }
0x2c: {  	s19 =	sadd.s32 $0x200, s19;
	[tilespmem:s20+$0x13880] =	vst v0  }
0x2d: {  	s19 =	simm.s32 $0x140  }
.LBB2_12:
0x2e: {  	p0 =	sne.s32 s19, $0x9F40  }
.Ltmp5:
0x2f: {  	_ = 	snop;
	(pc) =	sbr.rel @p0 .LBB2_12-.Ltmp5, $3  }
0x30: {  	_ =	sdelay $0x1  }
0x31: {  	s20 =	sshra.s32 s19, $0x2  }
0x32: {  	s19 =	sadd.s32 $0x200, s19;
	[tilespmem:s20+$0x13880] =	vst v0  }
0x33: {  	s19 =	simm.s32 $0x180  }
.LBB2_14:
0x34: {  	p0 =	sne.s32 s19, $0x9F80  }
.Ltmp6:
0x35: {  	_ = 	snop;
	(pc) =	sbr.rel @p0 .LBB2_14-.Ltmp6, $3  }
0x36: {  	_ =	sdelay $0x1  }
0x37: {  	s20 =	sshra.s32 s19, $0x2  }
0x38: {  	s19 =	sadd.s32 $0x200, s19;
	[tilespmem:s20+$0x13880] =	vst v0  }
0x39: {  	s19 =	simm.s32 $0x3C0;
	s20 =	simm.s32 $0x70  }
.LBB2_16:
0x3a: {  	p0 =	sne.s32 s19, $0x9FC0;
	[tilespmem:s20+$0x13880] =	vst v0;
	s20 =	smov.u32 s19;
	s19 =	sadd.s32 $0x200, s19  }
.Ltmp7:
0x3b: {  	(pc) =	sbr.rel @p0 .LBB2_16-.Ltmp7, $2  }
0x3c: {  	_ =	sdelay $0x2  }
0x3d: {  	s20 =	sshra.s32 s20, $0x2  }
0x3e: {  	p0 =	sne.s32 s5, $0x1  }
.Ltmp8:
0x3f: {  	_ = 	snop;
	(pc) =	sbr.rel @!p0 .LBB2_19-.Ltmp8, $4  }
0x40: {  	[tilespmem:s20+$0x13880] =	vst v0  }
0x41: {  	[spmem:s7] =	stream.linear.scatter [tilespmem:s11], [sflag:$0x2], $0x2800, $0x38;
	[tilespmem:$0x18980] =	vst v63  }
0x42: {  	_ =	swait.ge [sflag:s12], $0x2800  }
0x43: {  	s19 =	sadd.s32 $0xFFFFFFFF, s5;
	s20 =	smov.u32 s7;
	[sflag:s12] =	ssyncset.done $0x0  }
.LBB2_18:
0x44: {  	p1 =	sne.s32 s19, $0x1;
	[sflag:s12] =	ssyncadd.s32 $0xFFFFD800;
	s20 =	sadd.s32 $0x28000, s20  }
.Ltmp9:
0x45: {  	s19 =	sadd.s32 $0xFFFFFFFF, s19;
	(pc) =	sbr.rel @p1 .LBB2_18-.Ltmp9, $4  }
0x46: {  	_ = 	snop  }
0x47: {  	[spmem:s20] =	stream.linear.scatter [tilespmem:s11], [sflag:$0x2], $0x2800, $0x38;
	[tilespmem:$0x18980] =	vst v63  }
0x48: {  	_ =	swait.ge [sflag:s12], $0x2800  }
0x49: {  	[sflag:s12] =	ssyncset.done $0x0  }
.LBB2_19:
0x4a: {  	[sflag:s12] =	ssyncadd.s32 $0xFFFFD800  }
0x4b: {  	s19 =	sadd.s32 $0x0, s9;
	[bflag:$0x0] =	sbarrier.arrive $0xFFFF  }
0x4c: {  	[tilespmem:s13], [sflag:$0x2] =	stream.linear.gather [hbm4b:s19+s3], $0x50, $0x38;
	[tilespmem:$0x18980] =	vst v63  }
0x4d: {  	_ =	swait.ge [sflag:s12], $0x50  }
0x4e: {  	[sflag:s12] =	ssyncset.done $0x0  }
0x4f: {  	s31 =	sadd.s32 $0x0, s8;
	[sflag:s12] =	ssyncadd.s32 $0xFFFFFFB0  }
0x50: {  	[tilespmem:s14], [sflag:$0x2] =	stream.linear.gather [hbm4b:s31+s3], $0x50, $0x38;
	[tilespmem:$0x18980] =	vst v63  }
0x51: {  	_ =	swait.ge [sflag:s12], $0x50  }
0x52: {  	[sflag:s12] =	ssyncset.done $0x0  }
0x53: {  	[sflag:s12] =	ssyncadd.s32 $0xFFFFFFB0  }
0x54: {  	[tilespmem:s16], [sflag:$0x1] =	stream.indirect.gather [hbm4b:s4+s15], $0x80, s13, s15, $0xb8;
	[tilespmem:$0x18980] =	vst v63  }
0x55: {  	_ =	swait.ge [sflag:s17], $0x2800  }
0x56: {  	[sflag:s17] =	ssyncset.done $0x0  }
0x57: {  	[sflag:s17] =	ssyncadd.s32 $0xFFFFD800  }
0x58: {  	[spmem:s2] =	stream.indirect.scatter.add.f32 [tilespmem:s16], [sflag:$0x2], $0x80, s14, s15, $0xb8;
	[tilespmem:$0x18980] =	vst v63  }
0x59: {  	_ =	swait.ge [sflag:s12], $0x2800  }
0x5a: {  	s20 =	simm.s32 $0x14;
	s19 =	simm.s32 $0xA;
	[sflag:s12] =	ssyncset.done $0x0  }
.LBB2_20:
0x5b: {  	s21 =	sadd.s32 s19, s9  }
0x5c: {  	[sflag:s12] =	ssyncadd.s32 $0xFFFFD800;
	s22 =	smov.u32 s20;
	s23 =	sadd.s32 $0xA, s20  }
0x5d: {  	[tilespmem:s13], [sflag:$0x2] =	stream.linear.gather [hbm4b:s21+s3], $0x50, $0x38;
	[tilespmem:$0x18980] =	vst v63  }
0x5e: {  	p1 =	sne.s32 s20, $0x4D8;
	_ =	swait.ge [sflag:s12], $0x50  }
0x5f: {  	[sflag:s12] =	ssyncset.done $0x0  }
0x60: {  	s20 =	sadd.s32 s19, s8;
	s19 =	smov.u32 s22;
	[sflag:s12] =	ssyncadd.s32 $0xFFFFFFB0  }
0x61: {  	[tilespmem:s14], [sflag:$0x2] =	stream.linear.gather [hbm4b:s20+s3], $0x50, $0x38;
	[tilespmem:$0x18980] =	vst v63  }
0x62: {  	_ =	swait.ge [sflag:s12], $0x50  }
0x63: {  	[sflag:s12] =	ssyncset.done $0x0  }
0x64: {  	[sflag:s12] =	ssyncadd.s32 $0xFFFFFFB0  }
0x65: {  	[tilespmem:s16], [sflag:$0x1] =	stream.indirect.gather [hbm4b:s4+s15], $0x80, s13, s15, $0xb8;
	[tilespmem:$0x18980] =	vst v63  }
0x66: {  	_ =	swait.ge [sflag:s17], $0x2800  }
.Ltmp10:
0x67: {  	[sflag:s17] =	ssyncset.done $0x0;
	(pc) =	sbr.rel @p1 .LBB2_20-.Ltmp10, $4  }
0x68: {  	[sflag:s17] =	ssyncadd.s32 $0xFFFFD800  }
0x69: {  	[spmem:s2] =	stream.indirect.scatter.add.f32 [tilespmem:s16], [sflag:$0x2], $0x80, s14, s15, $0xb8;
	[tilespmem:$0x18980] =	vst v63  }
0x6a: {  	_ =	swait.ge [sflag:s12], $0x2800  }
0x6b: {  	s20 =	smov.u32 s23;
	[sflag:s12] =	ssyncset.done $0x0  }
0x6c: {  	s20 =	sadd.s32 s19, s9;
	[sflag:s12] =	ssyncadd.s32 $0xFFFFD800  }
0x6d: {  	[tilespmem:s13], [sflag:$0x2] =	stream.linear.gather [hbm4b:s20+s3], $0x50, $0x38;
	[tilespmem:$0x18980] =	vst v63  }
0x6e: {  	_ =	swait.ge [sflag:s12], $0x50  }
0x6f: {  	[sflag:s12] =	ssyncset.done $0x0  }
0x70: {  	s29 =	sadd.s32 s19, s8;
	[sflag:s12] =	ssyncadd.s32 $0xFFFFFFB0  }
0x71: {  	[tilespmem:s14], [sflag:$0x2] =	stream.linear.gather [hbm4b:s29+s3], $0x50, $0x38;
	[tilespmem:$0x18980] =	vst v63  }
0x72: {  	_ =	swait.ge [sflag:s12], $0x50  }
0x73: {  	[sflag:s12] =	ssyncset.done $0x0  }
0x74: {  	[sflag:s12] =	ssyncadd.s32 $0xFFFFFFB0  }
0x75: {  	[tilespmem:s16], [sflag:$0x1] =	stream.indirect.gather [hbm4b:s4+s15], $0x80, s13, s15, $0xb8;
	[tilespmem:$0x18980] =	vst v63  }
0x76: {  	_ =	swait.ge [sflag:s17], $0x2800  }
0x77: {  	[sflag:s17] =	ssyncset.done $0x0  }
0x78: {  	[sflag:s17] =	ssyncadd.s32 $0xFFFFD800  }
0x79: {  	[spmem:s2] =	stream.indirect.scatter.add.f32 [tilespmem:s16], [sflag:$0x2], $0x80, s14, s15, $0xb8;
	[tilespmem:$0x18980] =	vst v63  }
0x7a: {  	_ =	swait.ge [sflag:s12], $0x2800  }
.Ltmp11:
0x7b: {  	[sflag:s12] =	ssyncset.done $0x0;
	(pc) =	sbr.rel @!p0 .LBB2_23-.Ltmp11, $4  }
0x7c: {  	s30 =	sshll.u32 s1, $0x6;
	s31 =	sshrl.u32 s7, $0x3;
	[sflag:s12] =	ssyncadd.s32 $0xFFFFD800  }
0x7d: {  	s21 =	sadd.s32 $0x5000, s10;
	s19 =	sor.u32 $0x1C02, s30;
	[bflag:$0x0] =	sbarrier.arrive $0xFFFF  }
0x7e: {  	[hbm:s10], [sflag:s19] =	dma.local [spmem:s31], $0x500  }
0x7f: {  	s22 =	smov.u32 s7;
	s20 =	sadd.s32 $0xFFFFFFFF, s5;
	_ =	swait.ge [sflag:s12], $0x500  }
.LBB2_22:
0x80: {  	[sflag:s12] =	ssyncset.done $0x0;
	s22 =	sadd.s32 $0x28000, s22;
	p0 =	sne.s32 s20, $0x1  }
.Ltmp12:
0x81: {  	s23 =	sshrl.u32 s22, $0x3;
	[sflag:s12] =	ssyncadd.s32 $0xFFFFFB00;
	(pc) =	sbr.rel @p0 .LBB2_22-.Ltmp12, $3  }
0x82: {  	[hbm:s21], [sflag:s19] =	dma.local [spmem:s23], $0x500  }
0x83: {  	s20 =	sadd.s32 $0xFFFFFFFF, s20;
	_ =	sdelay $0x1  }
0x84: {  	s21 =	sadd.s32 $0x5000, s21;
	_ =	swait.ge [sflag:s12], $0x500  }
.LBB2_23:
0x85: {  	s18 =	sadd.s32 $0x1, s18  }
0x86: {  	p0 =	sne.s32 s18, s6  }
.Ltmp13:
0x87: {  	_ = 	snop;
	(pc) =	sbr.rel @p0 .LBB2_1-.Ltmp13, $3  }
0x88: {  	_ =	sdelay $0x1  }
0x89: {  	[sflag:s12] =	ssyncset.done $0x0  }
0x8a: {  	[sflag:s12] =	ssyncadd.s32 $0xFFFFFB00  }
0x8b: {  	_ =	sfence.sel $0x180000  }
0x8c: {  	[bflag:$0x0] =	sbarrier.arrive $0xFFFF  }
0x8d: {  	p0 =	sne.s32 s1, $0x0;
	_ =	strace $0x90000050  }
0x8e: {  	s0 =	sadd.s32 @!p0 $0x100000, s0;
	[bflag:$0x2] =	sbarrier.arrive $0xFFFF  }
0x8f: {  	[sflag:s0] =	ssyncadd.tile.s32 @!p0 $0x1;
	_ =	shalt  }
.Lfunc_end2:
_tile_overlayer_lowered:
.L_overlay_start_2:
0x90: {  	(tag) =	ssettag $0x2  }
0x91: {  	s0 =	rddreg [dreg:$0x0];
	s2 =	stileid.u32  }
0x92: {  	s1 =	rddreg [dreg:$0x1];
	p0 =	sne.s32 s2, $0x0  }
0x93: {  	s3 =	rddreg [dreg:$0x2];
	[bflag:$0x3] =	sbarrier.arrive $0xFFFF;
	s2 =	simm.s32 @!p0 $0x1C02  }
0x94: {  	[timem:s3], [sflag:s2] =	dma.local @!p0 [hbm:s0], s1  }
0x95: {  	s0 =	simm.s32 @!p0 $0x2  }
0x96: {  	_ =	swait.ge @!p0 [sflag:s0], s1  }
0x97: {  	s1 =	ssub.s32 @!p0 $0x0, s1;
	[sflag:s0] =	ssyncset.done @!p0 $0x0  }
0x98: {  	[sflag:s0] =	ssyncadd.s32 @!p0 s1  }
0x99: {  	[bflag:$0x3] =	sbarrier.arrive $0xFFFF  }
0x9a: {  	_ =	shalt  }

// kernel: kernel.24.cloned.1.call-start
scs
__scs_entry_jumppad:
0x0: {  	(pc) =	sbr.rel $0x88, $3  }
0x1: {  	(tag) =	ssettag $0x0;
	lr =	simm.s32 $0x1  }
0x2: {  	[smem:$0x3F94] =	sst lr;
	_ =	strace $0xD0000000  }
0x3: {  	_ = 	snop  }
0x4: {  	_ = 	snop  }
0x5: {  	_ = 	snop  }
0x6: {  	_ = 	snop  }
0x7: {  	_ = 	snop  }
__scs_overlays_trampoline_lowered:
0x8: {  	[smem:$0x3FA3] =	sst s0  }
0x9: {  	[smem:$0x3FA4] =	sst s1  }
0xa: {  	[smem:$0x3FA5] =	sst s2  }
0xb: {  	[smem:$0x3FA6] =	sst s3  }
0xc: {  	[smem:$0x3FA7] =	sst s4  }
0xd: {  	[smem:$0x3FA8] =	sst s5  }
0xe: {  	[smem:$0x3FA9] =	sst s6  }
0xf: {  	[smem:$0x3FAA] =	sst s7  }
0x10: {  	[smem:$0x3FAB] =	sst s8  }
0x11: {  	[smem:$0x3FAC] =	sst s9;
	s0 =	simm.s32 @!p0 $0x0  }
0x12: {  	s1 =	sld [smem:$0x3F92];
	s0 =	simm.s32 @p0 $0x1  }
0x13: {  	[smem:$0x3FAD] =	sst s0;
	s0 =	simm.s32 @!p1 $0x0  }
0x14: {  	s2 =	sld [smem:$0x3F91];
	s0 =	simm.s32 @p1 $0x1  }
0x15: {  	[smem:$0x3FAE] =	sst s0;
	s0 =	simm.s32 @!p2 $0x0  }
0x16: {  	s3 =	sld [smem:$0x3FDB];
	s0 =	simm.s32 @p2 $0x1  }
0x17: {  	s4 =	simm.s32 $0x1BF5;
	[smem:$0x3FB0] =	sst s0  }
0x18: {  	s0 =	sld [smem:$0x3F93];
	_ =	swait.ge [sflag:s4], $0x0  }
0x19: {  	s7 =	sld [smem:$0x3F94]  }
0x1a: {  	s8 =	sadd.s32 $0xFFFFE003, lr  }
0x1b: {  	s9 =	sadd.s32 $0xFFFFFEF7, lr;
	s5 =	simm.s32 $0xFFFFFFFF;
	p2 =	slt.u32 s8, $0xFFFFF086  }
0x1c: {  	p1 =	slt.u32 s9, $0xF7A;
	s5 =	simm.s32 @!p2 $0x0  }
0x1d: {  	s5 =	simm.s32 @p1 $0x1;
	p0 =	seq.s32 s7, s2  }
0x1e: {  	s7 =	smul.u32 @!p0 $0xF7A, s2;
	p2 =	seq.s32 @!p0 s5, $0x0  }
0x1f: {  	s9 =	smul.u32 $0xF7A, s1;
	s8 =	simm.s32 @!p0 $0x1BF5;
	p2 =	por !p2, p0  }
0x20: {  	[sflag:s8] =	ssyncset.s32 @!p0 $0xFFFFF086;
	s6 =	sadd.s32 @!p0 s3, s7;
	s7 =	simm.s32 @!p0 $0x108  }
0x21: {  	s3 =	sadd.s32 s3, s9;
	s6 =	sadd.s32 @!p0 $0x88, s6;
	s7 =	simm.s32 @p2 $0x1082  }
0x22: {  	[simem:s7], [sflag:s8] =	dma.local @!p0 [hbm:s6], $0xF7A  }
0x23: {  	s9 =	sor.u32 $0xD0000000, s2;
	s6 =	simm.s32 $0x108;
	_ =	swait.ge @!p0 [sflag:s8], $0x0  }
0x24: {  	s3 =	sadd.s32 $0x88, s3;
	s6 =	simm.s32 @!p1 $0x1082;
	[sflag:s4] =	ssyncset.s32 $0xFFFFF086  }
0x25: {  	[simem:s6], [sflag:s4] =	dma.local [hbm:s3], $0xF7A  }
0x26: {  	[smem:$0x3F94] =	sst s1;
	(tag) =	ssettag s2;
	_ =	strace s9  }
0x27: {  	s1 =	sld [smem:$0x3FA4]  }
0x28: {  	s2 =	sld [smem:$0x3FA5]  }
0x29: {  	s4 =	sld [smem:$0x3FA7]  }
0x2a: {  	p0 =	seq.s32 s5, $0x0;
	s5 =	sld [smem:$0x3FA8]  }
0x2b: {  	s6 =	sld [smem:$0x3FA9]  }
0x2c: {  	s7 =	sld [smem:$0x3FAA]  }
0x2d: {  	s3 =	simm.s32 $0x108;
	s8 =	sld [smem:$0x3FAB]  }
0x2e: {  	s3 =	simm.s32 @!p0 $0x1082;
	s9 =	sld [smem:$0x3FAC]  }
0x2f: {  	lr =	sadd.s32 s0, s3;
	s0 =	sld [smem:$0x3FA3]  }
0x30: {  	s3 =	sld [smem:$0x3FA6]  }
0x31: {  	[smem:$0x3FAF] =	sst s10  }
0x32: {  	s10 =	sld [smem:$0x3FAD];
	_ =	sdelay $0x3  }
0x33: {  	p0 =	seq.s32 s10, $0x1;
	s10 =	sld [smem:$0x3FAF];
	_ =	sdelay $0x3  }
0x34: {  	[smem:$0x3FAF] =	sst s10  }
0x35: {  	s10 =	sld [smem:$0x3FAE];
	_ =	sdelay $0x3  }
0x36: {  	p1 =	seq.s32 s10, $0x1;
	s10 =	sld [smem:$0x3FAF];
	_ =	sdelay $0x3  }
0x37: {  	[smem:$0x3FAF] =	sst s10  }
0x38: {  	s10 =	sld [smem:$0x3FB0]  }
0x39: {  	_ = 	snop;
	(pc) =	sbr.ind lr, $3  }
0x3a: {  	_ = 	snop  }
0x3b: {  	_ = 	snop  }
0x3c: {  	p2 =	seq.s32 s10, $0x1;
	s10 =	sld [smem:$0x3FAF]  }
0x3d: {  	_ =	shalt  }
0x3e: {  	_ =	shalt  }
0x3f: {  	_ =	shalt  }
0x40: {  	_ =	shalt  }
0x41: {  	_ =	shalt  }
0x42: {  	_ =	shalt  }
0x43: {  	_ =	shalt  }
0x44: {  	_ =	shalt  }
0x45: {  	_ =	shalt  }
0x46: {  	_ =	shalt  }
0x47: {  	_ =	shalt  }
0x48: {  	_ =	shalt  }
0x49: {  	_ =	shalt  }
0x4a: {  	_ =	shalt  }
0x4b: {  	_ =	shalt  }
0x4c: {  	_ =	shalt  }
0x4d: {  	_ =	shalt  }
0x4e: {  	_ =	shalt  }
0x4f: {  	_ =	shalt  }
0x50: {  	_ =	shalt  }
0x51: {  	_ =	shalt  }
0x52: {  	_ =	shalt  }
0x53: {  	_ =	shalt  }
0x54: {  	_ =	shalt  }
0x55: {  	_ =	shalt  }
0x56: {  	_ =	shalt  }
0x57: {  	_ =	shalt  }
0x58: {  	_ =	shalt  }
0x59: {  	_ =	shalt  }
0x5a: {  	_ =	shalt  }
0x5b: {  	_ =	shalt  }
0x5c: {  	_ =	shalt  }
0x5d: {  	_ =	shalt  }
0x5e: {  	_ =	shalt  }
0x5f: {  	_ =	shalt  }
0x60: {  	_ =	shalt  }
0x61: {  	_ =	shalt  }
0x62: {  	_ =	shalt  }
0x63: {  	_ =	shalt  }
0x64: {  	_ =	shalt  }
0x65: {  	_ =	shalt  }
0x66: {  	_ =	shalt  }
0x67: {  	_ =	shalt  }
0x68: {  	_ =	shalt  }
0x69: {  	_ =	shalt  }
0x6a: {  	_ =	shalt  }
0x6b: {  	_ =	shalt  }
0x6c: {  	_ =	shalt  }
0x6d: {  	_ =	shalt  }
0x6e: {  	_ =	shalt  }
0x6f: {  	_ =	shalt  }
0x70: {  	_ =	shalt  }
0x71: {  	_ =	shalt  }
0x72: {  	_ =	shalt  }
0x73: {  	_ =	shalt  }
0x74: {  	_ =	shalt  }
0x75: {  	_ =	shalt  }
0x76: {  	_ =	shalt  }
0x77: {  	_ =	shalt  }
0x78: {  	_ =	shalt  }
0x79: {  	_ =	shalt  }
0x7a: {  	_ =	shalt  }
0x7b: {  	_ =	shalt  }
0x7c: {  	_ =	shalt  }
0x7d: {  	_ =	shalt  }
0x7e: {  	_ =	shalt  }
0x7f: {  	_ =	shalt  }
0x80: {  	_ =	shalt  }
0x81: {  	_ =	shalt  }
0x82: {  	_ =	shalt  }
0x83: {  	_ =	shalt  }
0x84: {  	_ =	shalt  }
0x85: {  	_ =	shalt  }
0x86: {  	_ =	shalt  }
0x87: {  	_ =	shalt  }
.Lfunc_end0:
.L_simem_size_0:
called_computation.4_lowered:
.L_overlay_start_0:
0x88: {  	s2 =	sld [smem:$0x3FD9]  }
0x89: {  	s3 =	sld [smem:$0x3FFE];
	_ =	sdelay $0x1  }
0x8a: {  	s1 =	srdreg.scid  }
0x8b: {  	s0 =	sand.u32 $0x1, s1  }
0x8c: {  	s17 =	sshll.u32 s0, $0xA;
	s2 =	sadd.s32 s3, s2  }
0x8d: {  	s2 =	sadd.s32 s2, s17  }
0x8e: {  	[smem:$0x3FBB] =	sst s2  }
0x8f: {  	_ = 	snop  }
0x90: {  	s2 =	sld [smem:$0x3FC7];
	(tm) =	ssettm $0x1  }
0x91: {  	s18 =	sld [smem:$0x3FFB];
	_ =	sdelay $0x3  }
0x92: {  	_ =	strace s18  }
0x93: {  	s3 =	sld [smem:$0x3FFC];
	_ =	sdelay $0x3  }
0x94: {  	_ =	strace s3  }
0x95: {  	s3 =	sld [smem:$0x3FFD];
	_ =	sdelay $0x3  }
0x96: {  	_ =	strace s3  }
0x97: {  	_ =	strace $0x8FFFFFFF  }
0x98: {  	s19 =	sld [smem:$0x3FDB];
	_ =	sdelay $0x1  }
0x99: {  	s4 =	simm.s32 $_scs_section_size  }
0x9a: {  	s5 =	simm.s32 $_size__tile_overlayer_lowered;
	s6 =	simm.s32 $_tile_overlayer_lowered  }
0x9b: {  	s22 =	simm.s32 $0x1BFF;
	s21 =	sshll.u32 s6, $0x1;
	s3 =	sadd.s32 s4, s19  }
0x9c: {  	s7 =	simm.s32 $0x0;
	s20 =	sshll.u32 s5, $0x1;
	s5 =	sadd.s32 s21, s3  }
0x9d: {  	[timem:s7], [sflag:s22] =	dma.local [hbm:s5], s20  }
0x9e: {  	_ =	swait.ge [sflag:s22], s20  }
0x9f: {  	s4 =	ssub.s32 $0x0, s20;
	[sflag:s22] =	ssyncset.done $0x0  }
0xa0: {  	[sflag:s22] =	ssyncadd.s32 s4;
	_ =	sdelay $0x1  }
0xa1: {  	s23 =	simm.s32 $0x1B8B  }
0xa2: {  	_ =	swait.ge [sflag:s23], $0x1  }
0xa3: {  	[sflag:s23] =	ssyncset.done $0x0  }
0xa4: {  	s25 =	simm.s32 $0x1B8E;
	s24 =	sld [smem:$0x3FFE];
	[sflag:s23] =	ssyncadd.s32 $0xFFFFFFFF  }
0xa5: {  	s26 =	simm.s32 $execute0_lowered;
	[smem:$0x3FD2] =	sst s25  }
0xa6: {  	s5 =	sshll.u32 s26, $0x1;
	_ =	strace $0x80000052;
	[dreg:$0x1] =	wrdreg $0xFFFFFFFF  }
0xa7: {  	s28 =	simm.s32 $_size_execute0_lowered;
	s3 =	sadd.s32 s3, s5;
	[dreg:$0x0] =	wrdreg $0x0  }
0xa8: {  	s5 =	sshll.u32 s28, $0x1;
	[dreg:$0x2] =	wrdreg s3  }
0xa9: {  	[dreg:$0x3] =	wrdreg s5  }
0xaa: {  	[dreg:$0x4] =	wrdreg $0xC0  }
0xab: {  	_ =	task [dreg:s7], $0x5FFFF  }
0xac: {  	[dreg:$0x1] =	wrdreg $0xFFFFFFFF  }
0xad: {  	[dreg:$0x0] =	wrdreg $0x60  }
0xae: {  	[dreg:$0x2] =	wrdreg s24  }
0xaf: {  	[dreg:$0x3] =	wrdreg s2  }
0xb0: {  	[dreg:$0x4] =	wrdreg $0x9  }
0xb1: {  	_ =	task.clear_ibuf [dreg:s7], $0x5FFFF;
	_ =	strace $0x90000052  }
0xb2: {  	s29 =	simm.s32 $0x9;
	_ =	strace $0x80000054  }
0xb3: {  	_ =	swait.ge [sflag:s29], $0x1  }
0xb4: {  	[sflag:s29] =	ssyncadd.s32 $0xFFFFFFFF  }
0xb5: {  	_ =	strace $0x90000054  }
0xb6: {  	_ =	sfence  }
0xb7: {  	s30 =	sld [smem:$0x0];
	_ =	sdelay $0x2  }
0xb8: {  	s31 =	sshll.u32 s1, $0xD;
	s1 =	sshrl.u32 s1, $0x2  }
0xb9: {  	s3 =	sand.u32 $0x4000, s31;
	s1 =	sadd.s32 s1, s30  }
0xba: {  	s0 =	sor.u32 s3, s0;
	s1 =	sshll.u32 s1, $0x11  }
0xbb: {  	s0 =	sor.u32 s1, s0  }
0xbc: {  	s0 =	sadd.s32 $0x8F2B, s0  }
0xbd: {  	[sflag:s0] =	ssyncadd.remote.s32 $0x1  }
0xbe: {  	_ =	sfence.sel $0xFFFF  }
0xbf: {  	[dreg:$0x0] =	wrdreg $0xFFFFFFFF;
	(pc) =	sbr.abs _section_cstart, $3  }
0xc0: {  	[dreg:$0x1] =	wrdreg $0xFFFFFFFF  }
0xc1: {  	_ =	task.clear_ibuf [dreg:s7], $0x2FFFF;
	_ =	strace $0x9FFFFFFF  }
0xc2: {  	(tm) =	ssettm $0x7FFFFFFF  }
0xc3: {  	_ =	shalt  }
tec
execute0_lowered:
.L_overlay_start_1:
0x0: {  	(tag) =	ssettag $0x1  }
0x1: {  	s0 =	srdreg.scid;
	s4 =	rddreg [dreg:$0x0]  }
0x2: {  	s6 =	rddreg [dreg:$0x1];
	s3 =	sand.u32 $0x1, s0  }
0x3: {  	s0 =	stileid.u32;
	s8 =	smul.u32 $0x1390, s3  }
0x4: {  	s2 =	simm.s32 $0x0;
	s13 =	simm.s32 $0x0;
	s10 =	smul.u32 $0x139, s0  }
0x5: {  	[smem:$0x7FF] =	sst s2;
	s1 =	sshll.u32 s3, $0x4;
	s12 =	smul.u32 $0xFFFFFEC7, s0  }
0x6: {  	s25 =	ssub.s32 $0x2, s3;
	s28 =	smul.u32 $0xFFFFEC70, s3;
	s5 =	sor.u32 s0, s1  }
0x7: {  	s1 =	rddreg [dreg:$0x2];
	_ =	strace $0x80000053;
	s11 =	sshrl.u32 s25, $0x1  }
0x8: {  	s7 =	smul.u32 $0x139, s5;
	s5 =	sshll.u32 s5, $0xA;
	s8 =	sadd.s32 s10, s8  }
0x9: {  	s26 =	ssub.s32 s25, s11;
	s31 =	sadd.s32 s28, s12;
	s10 =	simm.s32 $0x1  }
0xa: {  	s11 =	simm.s32 $0xA000;
	s12 =	simm.s32 $0xA180;
	s7 =	sand.u32 $0x3FF8, s7  }
0xb: {  	s5 =	sadd.s32 s5, s4;
	s29 =	sand.u32 $0x3FF8, s8;
	s7 =	smin.u32 s7, $0x25D0  }
0xc: {  	s30 =	smin.u32 s29, $0x25D0;
	s5 =	sadd.s32 $0x2A400, s5;
	s9 =	sshll.u32 s7, $0x4  }
0xd: {  	s8 =	ssub.s32 s8, s30;
	s7 =	sshrl.u32 s7, $0x3;
	s9 =	sadd.s32 s9, s4  }
0xe: {  	s4 =	sadd.s32 s6, s7;
	s3 =	sadd.s32 $0x3200, s9;
	s9 =	sshll.u32 s8, $0x9  }
0xf: {  	s6 =	sadd.s32 $0x2710, s31;
	s7 =	smax.u32 s26, $0x1;
	s9 =	sshra.s32 s9, $0x2  }
0x10: {  	v0 =	vimm.f32 $-Inf;
	s6 =	smin.u32 s6, $0x139;
	s8 =	sadd.s32 $0xA000, s8;
	s9 =	sor.u32 $0x40, s9  }
.LBB2_1:
0x11: {  	s14 =	simm.s32 $0x200;
	s15 =	simm.s32 $0x0  }
.LBB2_2:
0x12: {  	p0 =	sne.s32 s14, $0x7E00;
	[tilespmem:s15+$0xA180] =	vst v0;
	s15 =	smov.u32 s14;
	s14 =	sadd.s32 $0x200, s14  }
.Ltmp0:
0x13: {  	(pc) =	sbr.rel @p0 .LBB2_2-.Ltmp0, $2  }
0x14: {  	_ =	sdelay $0x2  }
0x15: {  	s15 =	sshra.s32 s15, $0x2  }
0x16: {  	[tilespmem:s15+$0xA180] =	vst v0;
	s14 =	simm.s32 $0x200;
	s15 =	simm.s32 $0x0  }
.LBB2_4:
0x17: {  	p0 =	sne.s32 s14, $0x7E00;
	[tilespmem:s15+$0xA190] =	vst v0;
	s15 =	smov.u32 s14;
	s14 =	sadd.s32 $0x200, s14  }
.Ltmp1:
0x18: {  	(pc) =	sbr.rel @p0 .LBB2_4-.Ltmp1, $2  }
0x19: {  	_ =	sdelay $0x2  }
0x1a: {  	s15 =	sshra.s32 s15, $0x2  }
0x1b: {  	[tilespmem:s15+$0xA190] =	vst v0;
	s14 =	simm.s32 $0x200;
	s15 =	simm.s32 $0x0  }
.LBB2_6:
0x1c: {  	p0 =	sne.s32 s14, $0x7E00;
	[tilespmem:s15+$0xA1A0] =	vst v0;
	s15 =	smov.u32 s14;
	s14 =	sadd.s32 $0x200, s14  }
.Ltmp2:
0x1d: {  	(pc) =	sbr.rel @p0 .LBB2_6-.Ltmp2, $2  }
0x1e: {  	_ =	sdelay $0x2  }
0x1f: {  	s15 =	sshra.s32 s15, $0x2  }
0x20: {  	[tilespmem:s15+$0xA1A0] =	vst v0;
	s14 =	simm.s32 $0x200;
	s15 =	simm.s32 $0x0  }
.LBB2_8:
0x21: {  	p0 =	sne.s32 s14, $0x7E00;
	[tilespmem:s15+$0xA1B0] =	vst v0;
	s15 =	smov.u32 s14;
	s14 =	sadd.s32 $0x200, s14  }
.Ltmp3:
0x22: {  	(pc) =	sbr.rel @p0 .LBB2_8-.Ltmp3, $2  }
0x23: {  	_ =	sdelay $0x2  }
0x24: {  	s15 =	sshra.s32 s15, $0x2  }
0x25: {  	[tilespmem:s15+$0xA1B0] =	vst v0;
	s14 =	simm.s32 $0x200;
	s15 =	simm.s32 $0x0  }
.LBB2_10:
0x26: {  	p0 =	sne.s32 s14, $0x7E00;
	[tilespmem:s15+$0xA1C0] =	vst v0;
	s15 =	smov.u32 s14;
	s14 =	sadd.s32 $0x200, s14  }
.Ltmp4:
0x27: {  	(pc) =	sbr.rel @p0 .LBB2_10-.Ltmp4, $2  }
0x28: {  	_ =	sdelay $0x2  }
0x29: {  	s15 =	sshra.s32 s15, $0x2  }
0x2a: {  	[tilespmem:s15+$0xA1C0] =	vst v0;
	s14 =	simm.s32 $0x0;
	s15 =	simm.s32 $0x200;
	s16 =	simm.s32 $0x0  }
.LBB2_12:
0x2b: {  	p0 =	sne.s32 s15, $0x7E00;
	[tilespmem:s16+$0xA1D0] =	vst v0;
	s16 =	smov.u32 s15;
	s15 =	sadd.s32 $0x200, s15  }
.Ltmp5:
0x2c: {  	(pc) =	sbr.rel @p0 .LBB2_12-.Ltmp5, $2  }
0x2d: {  	_ =	sdelay $0x2  }
0x2e: {  	s16 =	sshra.s32 s16, $0x2  }
0x2f: {  	[tilespmem:s16+$0xA1D0] =	vst v0  }
.LBB2_14:
0x30: {  	p0 =	sne.s32 s14, $0x7E00  }
.Ltmp6:
0x31: {  	_ = 	snop;
	(pc) =	sbr.rel @p0 .LBB2_14-.Ltmp6, $3  }
0x32: {  	_ =	sdelay $0x1  }
0x33: {  	s15 =	sshra.s32 s14, $0x2  }
0x34: {  	s14 =	sadd.s32 $0x200, s14;
	[tilespmem:s15+$0xA1E0] =	vst v0  }
0x35: {  	s14 =	simm.s32 $0x200;
	s15 =	simm.s32 $0x0  }
.LBB2_16:
0x36: {  	p0 =	sne.s32 s14, $0x7E00;
	[tilespmem:s15+$0xA1F0] =	vst v0;
	s15 =	smov.u32 s14;
	s14 =	sadd.s32 $0x200, s14  }
.Ltmp7:
0x37: {  	(pc) =	sbr.rel @p0 .LBB2_16-.Ltmp7, $2  }
0x38: {  	_ =	sdelay $0x2  }
0x39: {  	s15 =	sshra.s32 s15, $0x2  }
0x3a: {  	[tilespmem:s15+$0xA1F0] =	vst v0  }
0x3b: {  	[tilespmem:s2], [sflag:$0x1] =	stream.linear.gather [hbm4b:s3+s2], $0xA000, $0x38;
	[tilespmem:$0xC180] =	vst v63  }
0x3c: {  	_ =	swait.ge [sflag:s10], $0xA000  }
0x3d: {  	[sflag:s10] =	ssyncset.done $0x0  }
0x3e: {  	[sflag:s10] =	ssyncadd.s32 $0xFFFF6000  }
0x3f: {  	[tilespmem:s11], [sflag:$0x1] =	stream.linear.gather [hbm4b:s4+s2], $0x140, $0x38;
	[tilespmem:$0xC180] =	vst v63  }
0x40: {  	_ =	swait.ge [sflag:s10], $0x140  }
0x41: {  	[sflag:s10] =	ssyncset.done $0x0  }
0x42: {  	[sflag:s10] =	ssyncadd.s32 $0xFFFFFEC0  }
0x43: {  	v1 =	vld [tilespmem:s8+$0x0];
	_ =	sdelay $0x4  }
0x44: {  	(v2sf) =	vpush v1, $0x0;
	_ =	sdelay $0xe  }
0x45: {  	s14 =	spop (v2sf)  }
0x46: {  	s14 =	sshll.u32 s14, $0x9  }
0x47: {  	v1 =	vld [tilespmem:s9+$0xFFFFFFC0];
	s14 =	sshra.s32 s14, $0x2  }
0x48: {  	v2 =	vld [tilespmem:s14+$0xA180];
	_ =	sdelay $0x4  }
0x49: {  	v1 =	vmax.f32 v2, v1  }
0x4a: {  	[tilespmem:s14+$0xA180] =	vst v1;
	v1 =	vld [tilespmem:s14+$0xA190]  }
0x4b: {  	v2 =	vld [tilespmem:s9+$0xFFFFFFD0];
	_ =	sdelay $0x4  }
0x4c: {  	v1 =	vmax.f32 v1, v2  }
0x4d: {  	[tilespmem:s14+$0xA190] =	vst v1;
	v1 =	vld [tilespmem:s14+$0xA1A0]  }
0x4e: {  	v2 =	vld [tilespmem:s9+$0xFFFFFFE0];
	_ =	sdelay $0x4  }
0x4f: {  	v1 =	vmax.f32 v1, v2  }
0x50: {  	[tilespmem:s14+$0xA1A0] =	vst v1;
	v1 =	vld [tilespmem:s14+$0xA1B0]  }
0x51: {  	v2 =	vld [tilespmem:s9+$0xFFFFFFF0];
	_ =	sdelay $0x4  }
0x52: {  	v1 =	vmax.f32 v1, v2  }
0x53: {  	[tilespmem:s14+$0xA1B0] =	vst v1;
	v1 =	vld [tilespmem:s14+$0xA1C0]  }
0x54: {  	v2 =	vld [tilespmem:s9+$0x0];
	_ =	sdelay $0x4  }
0x55: {  	v1 =	vmax.f32 v1, v2  }
0x56: {  	[tilespmem:s14+$0xA1C0] =	vst v1;
	v1 =	vld [tilespmem:s14+$0xA1D0]  }
0x57: {  	v2 =	vld [tilespmem:s9+$0x10];
	_ =	sdelay $0x4  }
0x58: {  	v1 =	vmax.f32 v1, v2  }
0x59: {  	[tilespmem:s14+$0xA1D0] =	vst v1;
	v1 =	vld [tilespmem:s14+$0xA1E0]  }
0x5a: {  	v2 =	vld [tilespmem:s9+$0x20];
	_ =	sdelay $0x4  }
0x5b: {  	v1 =	vmax.f32 v1, v2  }
0x5c: {  	[tilespmem:s14+$0xA1E0] =	vst v1;
	v1 =	vld [tilespmem:s14+$0xA1F0]  }
0x5d: {  	p0 =	sne.s32 s6, $0x1;
	v2 =	vld [tilespmem:s9+$0x30]  }
.Ltmp8:
0x5e: {  	_ = 	snop;
	(pc) =	sbr.rel @!p0 .LBB2_19-.Ltmp8, $2  }
0x5f: {  	_ =	sdelay $0x2  }
0x60: {  	s15 =	sadd.s32 $0xFFFFFFFF, s6;
	s16 =	smov.u32 s8;
	s17 =	smov.u32 s9;
	v1 =	vmax.f32 v1, v2  }
.LBB2_18:
0x61: {  	p0 =	sne.s32 s15, $0x1;
	[tilespmem:s14+$0xA1F0] =	vst v1;
	s16 =	sadd.s32 $0x1, s16;
	s17 =	sadd.s32 $0x80, s17  }
0x62: {  	s15 =	sadd.s32 $0xFFFFFFFF, s15;
	v1 =	vld [tilespmem:s16+$0x0];
	_ =	sdelay $0x4  }
0x63: {  	(v2sf) =	vpush v1, $0x0;
	_ =	sdelay $0xe  }
0x64: {  	s14 =	spop (v2sf)  }
0x65: {  	s14 =	sshll.u32 s14, $0x9  }
0x66: {  	v1 =	vld [tilespmem:s17+$0xFFFFFFC0];
	s14 =	sshra.s32 s14, $0x2  }
0x67: {  	v2 =	vld [tilespmem:s14+$0xA180];
	_ =	sdelay $0x4  }
0x68: {  	v1 =	vmax.f32 v2, v1  }
0x69: {  	[tilespmem:s14+$0xA180] =	vst v1;
	v1 =	vld [tilespmem:s14+$0xA190]  }
0x6a: {  	v2 =	vld [tilespmem:s17+$0xFFFFFFD0];
	_ =	sdelay $0x4  }
0x6b: {  	v1 =	vmax.f32 v1, v2  }
0x6c: {  	[tilespmem:s14+$0xA190] =	vst v1;
	v1 =	vld [tilespmem:s14+$0xA1A0]  }
0x6d: {  	v2 =	vld [tilespmem:s17+$0xFFFFFFE0];
	_ =	sdelay $0x4  }
0x6e: {  	v1 =	vmax.f32 v1, v2  }
0x6f: {  	[tilespmem:s14+$0xA1A0] =	vst v1;
	v1 =	vld [tilespmem:s14+$0xA1B0]  }
0x70: {  	v2 =	vld [tilespmem:s17+$0xFFFFFFF0];
	_ =	sdelay $0x4  }
0x71: {  	v1 =	vmax.f32 v1, v2  }
0x72: {  	[tilespmem:s14+$0xA1B0] =	vst v1;
	v1 =	vld [tilespmem:s14+$0xA1C0]  }
0x73: {  	v2 =	vld [tilespmem:s17+$0x0];
	_ =	sdelay $0x4  }
0x74: {  	v1 =	vmax.f32 v1, v2  }
0x75: {  	[tilespmem:s14+$0xA1C0] =	vst v1;
	v1 =	vld [tilespmem:s14+$0xA1D0]  }
0x76: {  	v2 =	vld [tilespmem:s17+$0x10];
	_ =	sdelay $0x4  }
0x77: {  	v1 =	vmax.f32 v1, v2  }
0x78: {  	[tilespmem:s14+$0xA1D0] =	vst v1;
	v1 =	vld [tilespmem:s14+$0xA1E0]  }
0x79: {  	v2 =	vld [tilespmem:s17+$0x20];
	_ =	sdelay $0x4  }
0x7a: {  	v1 =	vmax.f32 v1, v2  }
0x7b: {  	[tilespmem:s14+$0xA1E0] =	vst v1;
	v1 =	vld [tilespmem:s14+$0xA1F0]  }
0x7c: {  	v2 =	vld [tilespmem:s17+$0x30]  }
.Ltmp9:
0x7d: {  	(pc) =	sbr.rel @p0 .LBB2_18-.Ltmp9, $2  }
0x7e: {  	_ =	sdelay $0x2  }
0x7f: {  	v1 =	vmax.f32 v1, v2  }
.LBB2_19:
0x80: {  	s13 =	sadd.s32 $0x1, s13  }
0x81: {  	p0 =	sne.s32 s13, s7  }
.Ltmp10:
0x82: {  	[tilespmem:s14+$0xA1F0] =	vst v1;
	(pc) =	sbr.rel @p0 .LBB2_1-.Ltmp10, $4  }
0x83: {  	[hbm4b:s5+s2] =	stream.linear.scatter [tilespmem:s12], [sflag:$0x1], $0x2000, $0x38;
	[tilespmem:$0xC180] =	vst v63  }
0x84: {  	_ =	swait.ge [sflag:s10], $0x2000  }
0x85: {  	[sflag:s10] =	ssyncset.done $0x0  }
0x86: {  	[sflag:s10] =	ssyncadd.s32 $0xFFFFE000  }
0x87: {  	_ =	sfence.sel $0x180000  }
0x88: {  	[bflag:$0x0] =	sbarrier.arrive $0xFFFF  }
0x89: {  	p0 =	sne.s32 s0, $0x0;
	_ =	strace $0x90000053  }
0x8a: {  	s0 =	sadd.s32 @!p0 $0x100000, s1;
	[bflag:$0x2] =	sbarrier.arrive $0xFFFF  }
0x8b: {  	[sflag:s0] =	ssyncadd.tile.s32 @!p0 $0x1;
	_ =	shalt  }
.Lfunc_end2:
_tile_overlayer_lowered:
.L_overlay_start_2:
0x8c: {  	(tag) =	ssettag $0x2  }
0x8d: {  	s0 =	rddreg [dreg:$0x0];
	s2 =	stileid.u32  }
0x8e: {  	s1 =	rddreg [dreg:$0x1];
	p0 =	sne.s32 s2, $0x0  }
0x8f: {  	s3 =	rddreg [dreg:$0x2];
	[bflag:$0x3] =	sbarrier.arrive $0xFFFF;
	s2 =	simm.s32 @!p0 $0x1C01  }
0x90: {  	[timem:s3], [sflag:s2] =	dma.local @!p0 [hbm:s0], s1  }
0x91: {  	s0 =	simm.s32 @!p0 $0x1  }
0x92: {  	_ =	swait.ge @!p0 [sflag:s0], s1  }
0x93: {  	s1 =	ssub.s32 @!p0 $0x0, s1;
	[sflag:s0] =	ssyncset.done @!p0 $0x0  }
0x94: {  	[sflag:s0] =	ssyncadd.s32 @!p0 s1  }
0x95: {  	[bflag:$0x3] =	sbarrier.arrive $0xFFFF  }
0x96: {  	_ =	shalt  }

</sc_bundles>
